<compile_context>
chip_gen: v7x
topology: tpu7x:2x2x1
jax: 0.10.2.dev20260603
libtpu: 0.0.44.dev20260713+nightly
codegen_flags: <defaults>
</compile_context>

<pallas_src>
import functools

import jax
import jax.numpy as jnp
from jax import lax
from jax.experimental import pallas as pl
from jax.experimental.pallas import tpu as pltpu
from jax.experimental.pallas import tpu_sc as plsc

VOCAB = 1000000
D_MODEL = 64
BATCH = 16384
HIST = 50
HIDDEN = D_MODEL // 2

NB = 4096
NCHNK = 8
QC = 126976
NQBLK = QC // NB
EMB_ROW_BLOCKS = (VOCAB + NB - 1) // NB - 1

NC = 2
NS = 16
NW = NC * NS
B_PER_W = BATCH // NW
CHUNK = 2
IDX_PER_CHUNK = CHUNK * HIST
NCHUNK = B_PER_W // CHUNK
NBUF = 8
NGRP = NCHUNK // NBUF
LANES = 16
NVREG = HIDDEN // LANES
INV_HIST = 1.0 / HIST


def _proj_body(w1_ref, *refs):
  e_refs = refs[:NCHNK]
  out_ref = refs[NCHNK]
  w1 = w1_ref[...]
  packed = []
  for e_ref in e_refs:
    p = lax.dot_general(w1, e_ref[...], (((1,), (0,)), ((), ())),
                        preferred_element_type=jnp.float32)
    u = lax.bitcast_convert_type(p, jnp.int32)
    r = u + 32768
    hi = r[:LANES, :] & (-65536)
    lo = lax.shift_right_logical(r[LANES:, :], 16)
    packed.append(hi | lo)
  out_ref[...] = jnp.concatenate(packed, axis=0).T


def _project_table(emb_t, W1):
  def e_spec(q):
    def imap(i):
      return (0, jnp.minimum(i + q * NQBLK, EMB_ROW_BLOCKS))
    return pl.BlockSpec((D_MODEL, NB), imap)

  return pl.pallas_call(
      _proj_body,
      grid=(NQBLK,),
      in_specs=[
          pl.BlockSpec((HIDDEN, D_MODEL), lambda i: (0, 0)),
      ] + [e_spec(q) for q in range(NCHNK)],
      out_specs=pl.BlockSpec((NB, NCHNK * LANES), lambda i: (i, 0)),
      out_shape=jax.ShapeDtypeStruct((QC, NCHNK * LANES), jnp.int32),
  )(W1, *([emb_t] * NCHNK))


def _sc_body(tok_hbm, pq_hbm, pooled_hbm, idx_v, *rest):
  bufs = rest[:NBUF]
  pooled_v = rest[NBUF]
  sems = rest[NBUF + 1:]
  wid = lax.axis_index("s") * NC + lax.axis_index("c")
  base = wid * B_PER_W

  pltpu.sync_copy(tok_hbm.at[wid], idx_v)

  def start(ci, buf, sem):
    pltpu.make_async_copy(pq_hbm.at[idx_v.at[ci]], buf, sem).start()

  def wait(ci, buf, sem):
    pltpu.make_async_copy(pq_hbm.at[idx_v.at[ci]], buf, sem).wait()

  def reduce_chunk(buf, ci):
    for r0 in range(CHUNK):
      def rstep(r, acc):
        v = buf[r0 * HIST + r, pl.ds(0, LANES)]
        hi = lax.bitcast_convert_type(v & (-65536), jnp.float32)
        lo = lax.bitcast_convert_type(lax.shift_left(v, 16), jnp.float32)
        return (acc[0] + hi, acc[1] + lo)
      acc = lax.fori_loop(
          0, HIST, rstep,
          (jnp.zeros((LANES,), jnp.float32),
           jnp.zeros((LANES,), jnp.float32)),
          unroll=5)
      row = ci * CHUNK + r0
      pooled_v[row, pl.ds(0, LANES)] = acc[0] * INV_HIST
      pooled_v[row, pl.ds(LANES, LANES)] = acc[1] * INV_HIST

  for j in range(NBUF):
    start(j, bufs[j], sems[j])

  def grp(g, _):
    for j in range(NBUF):
      ci = g * NBUF + j
      wait(ci, bufs[j], sems[j])
      reduce_chunk(bufs[j], ci)

      @pl.when(g < NGRP - 1)
      def _():
        start(ci + NBUF, bufs[j], sems[j])

    return 0

  lax.fori_loop(0, NGRP, grp, 0)

  pltpu.sync_copy(pooled_v, pooled_hbm.at[pl.ds(base, B_PER_W)])


@functools.cache
def _sc_gather_mean():
  return pl.kernel(
      _sc_body,
      out_type=jax.ShapeDtypeStruct((BATCH, HIDDEN), jnp.float32),
      mesh=plsc.VectorSubcoreMesh(core_axis_name="c", subcore_axis_name="s",
                                  num_cores=NC, num_subcores=NS),
      compiler_params=pltpu.CompilerParams(use_tc_tiling_on_sc=False),
      scratch_types=[
          pltpu.VMEM((NCHUNK, IDX_PER_CHUNK), jnp.int32),
      ] + [pltpu.VMEM((IDX_PER_CHUNK, LANES), jnp.int32)
           for _ in range(NBUF)] + [
          pltpu.VMEM((B_PER_W, HIDDEN), jnp.float32),
      ] + [pltpu.SemaphoreType.DMA for _ in range(NBUF)],
  )


def _tail_body(b2_ref, h_ref, b1_ref, w2_ref, out_ref):
  h = jnp.maximum(h_ref[...] + b1_ref[...], 0.0)
  o = jnp.sum(h * w2_ref[...], axis=1, keepdims=True)
  out_ref[...] = jax.nn.sigmoid(o + b2_ref[0])


def _tail(hpre, b1, W2, b2):
  return pl.pallas_call(
      _tail_body,
      out_shape=jax.ShapeDtypeStruct((BATCH, 1), jnp.float32),
      in_specs=[
          pl.BlockSpec(memory_space=pltpu.SMEM),
          pl.BlockSpec(memory_space=pltpu.VMEM),
          pl.BlockSpec(memory_space=pltpu.VMEM),
          pl.BlockSpec(memory_space=pltpu.VMEM),
      ],
  )(b2, hpre, b1, W2)


def kernel(token_ids, emb, W1, b1, W2, b2):
  tok = token_ids.astype(jnp.int32)
  tok_sc = (NCHNK * (tok % QC) + tok // QC).reshape(NW, NCHUNK, IDX_PER_CHUNK)
  pq = _project_table(emb.T, W1)
  pq_rows = pq.reshape(NCHNK * QC, LANES)
  hpre = _sc_gather_mean()(tok_sc, pq_rows)
  return _tail(hpre, b1.reshape(1, HIDDEN), W2, b2)

# --- scband reference (transcript-rebuilt; emitter-appended) ---
"""Pipeline reference for scband-diversity-scorer-85864986181875 (READ-ONLY COPY).

The authoritative reference and input builder live on the scoring server;
editing this copy changes nothing except your own understanding.
"""

import jax, jax.numpy as jnp
import numpy as np

VOCAB = 1000000
D_MODEL = 64
BATCH = 16384
HIST = 50

def setup_inputs(seed: int = 0) -> dict:
    key = jax.random.key(seed)
    k_idx, k_emb, k_w1, k_b1, k_w2, k_b2 = jax.random.split(key, 6)
    token_ids = jax.random.randint(k_idx, (BATCH, HIST), 0, VOCAB, dtype=jnp.int64 if jax.config.jax_enable_x64 else jnp.int32)
    emb = jax.random.normal(k_emb, (VOCAB, D_MODEL), dtype=jnp.float32)
    h = D_MODEL // 2
    W1 = jax.random.normal(k_w1, (h, D_MODEL), dtype=jnp.float32) * (1.0 / np.sqrt(D_MODEL))
    b1 = jax.random.normal(k_b1, (h,), dtype=jnp.float32) * 0.01
    W2 = jax.random.normal(k_w2, (1, h), dtype=jnp.float32) * (1.0 / np.sqrt(h))
    b2 = jax.random.normal(k_b2, (1,), dtype=jnp.float32) * 0.01
    return {"token_ids": token_ids, "emb": emb, "W1": W1, "b1": b1, "W2": W2, "b2": b2}

def reference(token_ids, emb, W1, b1, W2, b2):
    # nn.Embedding lookup
    embeddings = jnp.take(emb, token_ids, axis=0)  # [B, L, D]
    # mean pool over sequence dim
    pooled = jnp.mean(embeddings, axis=1)  # [B, D]
    # Linear(d_model, d_model//2) + ReLU
    hdn = jax.nn.relu(pooled @ W1.T + b1)
    # Linear(d_model//2, 1) + Sigmoid
    diversity_score = jax.nn.sigmoid(hdn @ W2.T + b2)
    return diversity_score

if __name__ == "__main__":
    import jax
    _d = setup_inputs()
    print(jax.jit(kernel)(*tuple(_d.values())))

</pallas_src>

<mosaic_0001>
#map = affine_map<(d0, d1) -> (0, 0, 0)>
#map1 = affine_map<(d0, d1) -> (0, 0)>
module attributes {stable_mosaic.version = 14 : i64} {
  func.func @_sc_body(%arg0: i32, %arg1: i32, %arg2: memref<32x256x100xi32, #tpu.memory_space<hbm>>, %arg3: memref<1015808x16xi32, #tpu.memory_space<hbm>>, %arg4: memref<16384x32xf32, #tpu.memory_space<hbm>>, %arg5: memref<256x100xi32, #tpu.memory_space<vmem>>, %arg6: memref<100x16xi32, #tpu.memory_space<vmem>>, %arg7: memref<100x16xi32, #tpu.memory_space<vmem>>, %arg8: memref<100x16xi32, #tpu.memory_space<vmem>>, %arg9: memref<100x16xi32, #tpu.memory_space<vmem>>, %arg10: memref<100x16xi32, #tpu.memory_space<vmem>>, %arg11: memref<100x16xi32, #tpu.memory_space<vmem>>, %arg12: memref<100x16xi32, #tpu.memory_space<vmem>>, %arg13: memref<100x16xi32, #tpu.memory_space<vmem>>, %arg14: memref<512x32xf32, #tpu.memory_space<vmem>>, %arg15: memref<!tpu.dma_semaphore, #tpu.memory_space<semaphore_mem>>, %arg16: memref<!tpu.dma_semaphore, #tpu.memory_space<semaphore_mem>>, %arg17: memref<!tpu.dma_semaphore, #tpu.memory_space<semaphore_mem>>, %arg18: memref<!tpu.dma_semaphore, #tpu.memory_space<semaphore_mem>>, %arg19: memref<!tpu.dma_semaphore, #tpu.memory_space<semaphore_mem>>, %arg20: memref<!tpu.dma_semaphore, #tpu.memory_space<semaphore_mem>>, %arg21: memref<!tpu.dma_semaphore, #tpu.memory_space<semaphore_mem>>, %arg22: memref<!tpu.dma_semaphore, #tpu.memory_space<semaphore_mem>>) attributes {dimension_semantics = [#tpu.dimension_semantics<core_parallel>, #tpu.dimension_semantics<subcore_parallel>], iteration_bounds = array<i64: 2, 16>, scalar_prefetch = 0 : i64, scratch_operands = 18 : i64, tpu.core_type = #tpu.core_type<sc_vector_subcore>, window_params = [{transform_indices = #map}, {transform_indices = #map1}, {transform_indices = #map1}]} {
    %mul3A = arith.constant 2 : i32
    %mul3A_0 = arith.muli %arg1, %mul3A : i32
    %add3A = arith.addi %mul3A_0, %arg0 : i32
    %mul3A_1 = arith.constant 512 : i32
    %mul3A_2 = arith.muli %add3A, %mul3A_1 : i32
    "tpu.region"() ({
      %run_scoped3A = tpu.sem_alloc : memref<!tpu.dma_semaphore, #tpu.memory_space<semaphore_mem>>
      %dma_start3A_64 = arith.constant 0 : i32
      %dma_start3A_65 = arith.constant 0 : i32
      %dma_start3A_66 = tpu.memref_slice %arg2[%add3A, %dma_start3A_64, %dma_start3A_65] : memref<32x256x100xi32, #tpu.memory_space<hbm>> -> memref<1x256x100xi32, #tpu.memory_space<hbm>>
      %dma_start3A_67 = tpu.memref_squeeze %dma_start3A_66 : memref<1x256x100xi32, #tpu.memory_space<hbm>> -> memref<256x100xi32, #tpu.memory_space<hbm>>
      %dma_start3A_68 = arith.constant 0 : i32
      %dma_start3A_69 = arith.constant 0 : i32
      %dma_start3A_70 = tpu.memref_slice %arg2[%add3A, %dma_start3A_68, %dma_start3A_69] : memref<32x256x100xi32, #tpu.memory_space<hbm>> -> memref<1x256x100xi32, #tpu.memory_space<hbm>>
      %dma_start3A_71 = tpu.memref_squeeze %dma_start3A_70 : memref<1x256x100xi32, #tpu.memory_space<hbm>> -> memref<256x100xi32, #tpu.memory_space<hbm>>
      tpu.enqueue_dma source(%dma_start3A_71 : memref<256x100xi32, #tpu.memory_space<hbm>>) target(%arg5 : memref<256x100xi32, #tpu.memory_space<vmem>>) target_semaphore(%run_scoped3A : memref<!tpu.dma_semaphore, #tpu.memory_space<semaphore_mem>>)
      %dma_wait3A = arith.constant 0 : i32
      %dma_wait3A_72 = arith.constant 0 : i32
      %dma_wait3A_73 = tpu.memref_slice %arg2[%add3A, %dma_wait3A, %dma_wait3A_72] : memref<32x256x100xi32, #tpu.memory_space<hbm>> -> memref<1x256x100xi32, #tpu.memory_space<hbm>>
      %dma_wait3A_74 = tpu.memref_squeeze %dma_wait3A_73 : memref<1x256x100xi32, #tpu.memory_space<hbm>> -> memref<256x100xi32, #tpu.memory_space<hbm>>
      %dma_wait3A_75 = arith.constant 0 : i32
      %dma_wait3A_76 = arith.constant 0 : i32
      %dma_wait3A_77 = tpu.memref_slice %arg2[%add3A, %dma_wait3A_75, %dma_wait3A_76] : memref<32x256x100xi32, #tpu.memory_space<hbm>> -> memref<1x256x100xi32, #tpu.memory_space<hbm>>
      %dma_wait3A_78 = tpu.memref_squeeze %dma_wait3A_77 : memref<1x256x100xi32, #tpu.memory_space<hbm>> -> memref<256x100xi32, #tpu.memory_space<hbm>>
      tpu.wait_dma2 semaphore(%run_scoped3A : memref<!tpu.dma_semaphore, #tpu.memory_space<semaphore_mem>>) src(%dma_wait3A_78 : memref<256x100xi32, #tpu.memory_space<hbm>>) dst(%arg5 : memref<256x100xi32, #tpu.memory_space<vmem>>)
      tpu.yield
    }) : () -> ()
    %dma_start3A = arith.constant 0 : i32
    %dma_start3A_3 = arith.constant 0 : i32
    %dma_start3A_4 = tpu.memref_slice %arg5[%dma_start3A, %dma_start3A_3] : memref<256x100xi32, #tpu.memory_space<vmem>> -> memref<1x100xi32, #tpu.memory_space<vmem>>
    %dma_start3A_5 = tpu.memref_squeeze %dma_start3A_4 : memref<1x100xi32, #tpu.memory_space<vmem>> -> memref<100xi32, #tpu.memory_space<vmem>>
    %dma_start3A_6 = arith.constant 0 : i32
    %dma_start3A_7 = arith.constant 0 : i32
    %dma_start3A_8 = tpu.memref_slice %arg3[%dma_start3A_6, %dma_start3A_7] : memref<1015808x16xi32, #tpu.memory_space<hbm>> -> memref<1015808x16xi32, #tpu.memory_space<hbm>>
    tpu.enqueue_indirect_dma source(%dma_start3A_8 : memref<1015808x16xi32, #tpu.memory_space<hbm>>) target(%arg6 : memref<100x16xi32, #tpu.memory_space<vmem>>) offsets(%dma_start3A_5 : memref<100xi32, #tpu.memory_space<vmem>>) semaphore(%arg15 : memref<!tpu.dma_semaphore, #tpu.memory_space<semaphore_mem>>)
    %dma_start3A_9 = arith.constant 1 : i32
    %dma_start3A_10 = arith.constant 0 : i32
    %dma_start3A_11 = tpu.memref_slice %arg5[%dma_start3A_9, %dma_start3A_10] : memref<256x100xi32, #tpu.memory_space<vmem>> -> memref<1x100xi32, #tpu.memory_space<vmem>>
    %dma_start3A_12 = tpu.memref_squeeze %dma_start3A_11 : memref<1x100xi32, #tpu.memory_space<vmem>> -> memref<100xi32, #tpu.memory_space<vmem>>
    %dma_start3A_13 = arith.constant 0 : i32
    %dma_start3A_14 = arith.constant 0 : i32
    %dma_start3A_15 = tpu.memref_slice %arg3[%dma_start3A_13, %dma_start3A_14] : memref<1015808x16xi32, #tpu.memory_space<hbm>> -> memref<1015808x16xi32, #tpu.memory_space<hbm>>
    tpu.enqueue_indirect_dma source(%dma_start3A_15 : memref<1015808x16xi32, #tpu.memory_space<hbm>>) target(%arg7 : memref<100x16xi32, #tpu.memory_space<vmem>>) offsets(%dma_start3A_12 : memref<100xi32, #tpu.memory_space<vmem>>) semaphore(%arg16 : memref<!tpu.dma_semaphore, #tpu.memory_space<semaphore_mem>>)
    %dma_start3A_16 = arith.constant 2 : i32
    %dma_start3A_17 = arith.constant 0 : i32
    %dma_start3A_18 = tpu.memref_slice %arg5[%dma_start3A_16, %dma_start3A_17] : memref<256x100xi32, #tpu.memory_space<vmem>> -> memref<1x100xi32, #tpu.memory_space<vmem>>
    %dma_start3A_19 = tpu.memref_squeeze %dma_start3A_18 : memref<1x100xi32, #tpu.memory_space<vmem>> -> memref<100xi32, #tpu.memory_space<vmem>>
    %dma_start3A_20 = arith.constant 0 : i32
    %dma_start3A_21 = arith.constant 0 : i32
    %dma_start3A_22 = tpu.memref_slice %arg3[%dma_start3A_20, %dma_start3A_21] : memref<1015808x16xi32, #tpu.memory_space<hbm>> -> memref<1015808x16xi32, #tpu.memory_space<hbm>>
    tpu.enqueue_indirect_dma source(%dma_start3A_22 : memref<1015808x16xi32, #tpu.memory_space<hbm>>) target(%arg8 : memref<100x16xi32, #tpu.memory_space<vmem>>) offsets(%dma_start3A_19 : memref<100xi32, #tpu.memory_space<vmem>>) semaphore(%arg17 : memref<!tpu.dma_semaphore, #tpu.memory_space<semaphore_mem>>)
    %dma_start3A_23 = arith.constant 3 : i32
    %dma_start3A_24 = arith.constant 0 : i32
    %dma_start3A_25 = tpu.memref_slice %arg5[%dma_start3A_23, %dma_start3A_24] : memref<256x100xi32, #tpu.memory_space<vmem>> -> memref<1x100xi32, #tpu.memory_space<vmem>>
    %dma_start3A_26 = tpu.memref_squeeze %dma_start3A_25 : memref<1x100xi32, #tpu.memory_space<vmem>> -> memref<100xi32, #tpu.memory_space<vmem>>
    %dma_start3A_27 = arith.constant 0 : i32
    %dma_start3A_28 = arith.constant 0 : i32
    %dma_start3A_29 = tpu.memref_slice %arg3[%dma_start3A_27, %dma_start3A_28] : memref<1015808x16xi32, #tpu.memory_space<hbm>> -> memref<1015808x16xi32, #tpu.memory_space<hbm>>
    tpu.enqueue_indirect_dma source(%dma_start3A_29 : memref<1015808x16xi32, #tpu.memory_space<hbm>>) target(%arg9 : memref<100x16xi32, #tpu.memory_space<vmem>>) offsets(%dma_start3A_26 : memref<100xi32, #tpu.memory_space<vmem>>) semaphore(%arg18 : memref<!tpu.dma_semaphore, #tpu.memory_space<semaphore_mem>>)
    %dma_start3A_30 = arith.constant 4 : i32
    %dma_start3A_31 = arith.constant 0 : i32
    %dma_start3A_32 = tpu.memref_slice %arg5[%dma_start3A_30, %dma_start3A_31] : memref<256x100xi32, #tpu.memory_space<vmem>> -> memref<1x100xi32, #tpu.memory_space<vmem>>
    %dma_start3A_33 = tpu.memref_squeeze %dma_start3A_32 : memref<1x100xi32, #tpu.memory_space<vmem>> -> memref<100xi32, #tpu.memory_space<vmem>>
    %dma_start3A_34 = arith.constant 0 : i32
    %dma_start3A_35 = arith.constant 0 : i32
    %dma_start3A_36 = tpu.memref_slice %arg3[%dma_start3A_34, %dma_start3A_35] : memref<1015808x16xi32, #tpu.memory_space<hbm>> -> memref<1015808x16xi32, #tpu.memory_space<hbm>>
    tpu.enqueue_indirect_dma source(%dma_start3A_36 : memref<1015808x16xi32, #tpu.memory_space<hbm>>) target(%arg10 : memref<100x16xi32, #tpu.memory_space<vmem>>) offsets(%dma_start3A_33 : memref<100xi32, #tpu.memory_space<vmem>>) semaphore(%arg19 : memref<!tpu.dma_semaphore, #tpu.memory_space<semaphore_mem>>)
    %dma_start3A_37 = arith.constant 5 : i32
    %dma_start3A_38 = arith.constant 0 : i32
    %dma_start3A_39 = tpu.memref_slice %arg5[%dma_start3A_37, %dma_start3A_38] : memref<256x100xi32, #tpu.memory_space<vmem>> -> memref<1x100xi32, #tpu.memory_space<vmem>>
    %dma_start3A_40 = tpu.memref_squeeze %dma_start3A_39 : memref<1x100xi32, #tpu.memory_space<vmem>> -> memref<100xi32, #tpu.memory_space<vmem>>
    %dma_start3A_41 = arith.constant 0 : i32
    %dma_start3A_42 = arith.constant 0 : i32
    %dma_start3A_43 = tpu.memref_slice %arg3[%dma_start3A_41, %dma_start3A_42] : memref<1015808x16xi32, #tpu.memory_space<hbm>> -> memref<1015808x16xi32, #tpu.memory_space<hbm>>
    tpu.enqueue_indirect_dma source(%dma_start3A_43 : memref<1015808x16xi32, #tpu.memory_space<hbm>>) target(%arg11 : memref<100x16xi32, #tpu.memory_space<vmem>>) offsets(%dma_start3A_40 : memref<100xi32, #tpu.memory_space<vmem>>) semaphore(%arg20 : memref<!tpu.dma_semaphore, #tpu.memory_space<semaphore_mem>>)
    %dma_start3A_44 = arith.constant 6 : i32
    %dma_start3A_45 = arith.constant 0 : i32
    %dma_start3A_46 = tpu.memref_slice %arg5[%dma_start3A_44, %dma_start3A_45] : memref<256x100xi32, #tpu.memory_space<vmem>> -> memref<1x100xi32, #tpu.memory_space<vmem>>
    %dma_start3A_47 = tpu.memref_squeeze %dma_start3A_46 : memref<1x100xi32, #tpu.memory_space<vmem>> -> memref<100xi32, #tpu.memory_space<vmem>>
    %dma_start3A_48 = arith.constant 0 : i32
    %dma_start3A_49 = arith.constant 0 : i32
    %dma_start3A_50 = tpu.memref_slice %arg3[%dma_start3A_48, %dma_start3A_49] : memref<1015808x16xi32, #tpu.memory_space<hbm>> -> memref<1015808x16xi32, #tpu.memory_space<hbm>>
    tpu.enqueue_indirect_dma source(%dma_start3A_50 : memref<1015808x16xi32, #tpu.memory_space<hbm>>) target(%arg12 : memref<100x16xi32, #tpu.memory_space<vmem>>) offsets(%dma_start3A_47 : memref<100xi32, #tpu.memory_space<vmem>>) semaphore(%arg21 : memref<!tpu.dma_semaphore, #tpu.memory_space<semaphore_mem>>)
    %dma_start3A_51 = arith.constant 7 : i32
    %dma_start3A_52 = arith.constant 0 : i32
    %dma_start3A_53 = tpu.memref_slice %arg5[%dma_start3A_51, %dma_start3A_52] : memref<256x100xi32, #tpu.memory_space<vmem>> -> memref<1x100xi32, #tpu.memory_space<vmem>>
    %dma_start3A_54 = tpu.memref_squeeze %dma_start3A_53 : memref<1x100xi32, #tpu.memory_space<vmem>> -> memref<100xi32, #tpu.memory_space<vmem>>
    %dma_start3A_55 = arith.constant 0 : i32
    %dma_start3A_56 = arith.constant 0 : i32
    %dma_start3A_57 = tpu.memref_slice %arg3[%dma_start3A_55, %dma_start3A_56] : memref<1015808x16xi32, #tpu.memory_space<hbm>> -> memref<1015808x16xi32, #tpu.memory_space<hbm>>
    tpu.enqueue_indirect_dma source(%dma_start3A_57 : memref<1015808x16xi32, #tpu.memory_space<hbm>>) target(%arg13 : memref<100x16xi32, #tpu.memory_space<vmem>>) offsets(%dma_start3A_54 : memref<100xi32, #tpu.memory_space<vmem>>) semaphore(%arg22 : memref<!tpu.dma_semaphore, #tpu.memory_space<semaphore_mem>>)
    %scan3A = arith.constant 0 : i32
    %scan3A_58 = arith.constant 0 : i32
    %scan3A_59 = arith.constant 32 : i32
    %scan3A_60 = arith.addi %scan3A_58, %scan3A_59 : i32
    %scan3A_61 = arith.constant 1 : i32
    %scan3A_62 = scf.for %scan3A_64 = %scan3A_58 to %scan3A_60 step %scan3A_61 iter_args(%scan3A_65 = %scan3A) -> (i32)  : i32 {
      %mul3A_66 = arith.constant 8 : i32
      %mul3A_67 = arith.muli %scan3A_64, %mul3A_66 : i32
      %add3A_68 = arith.constant 0 : i32
      %add3A_69 = arith.addi %mul3A_67, %add3A_68 : i32
      %dma_wait3A = arith.constant 0 : i32
      %dma_wait3A_70 = tpu.memref_slice %arg5[%add3A_69, %dma_wait3A] : memref<256x100xi32, #tpu.memory_space<vmem>> -> memref<1x100xi32, #tpu.memory_space<vmem>>
      %dma_wait3A_71 = tpu.memref_squeeze %dma_wait3A_70 : memref<1x100xi32, #tpu.memory_space<vmem>> -> memref<100xi32, #tpu.memory_space<vmem>>
      %dma_wait3A_72 = arith.constant 0 : i32
      %dma_wait3A_73 = arith.constant 0 : i32
      %dma_wait3A_74 = tpu.memref_slice %arg3[%dma_wait3A_72, %dma_wait3A_73] : memref<1015808x16xi32, #tpu.memory_space<hbm>> -> memref<1015808x16xi32, #tpu.memory_space<hbm>>
      tpu.wait_indirect_dma semaphore(%arg15 : memref<!tpu.dma_semaphore, #tpu.memory_space<semaphore_mem>>) src(%dma_wait3A_74 : memref<1015808x16xi32, #tpu.memory_space<hbm>>) dst(%arg6 : memref<100x16xi32, #tpu.memory_space<vmem>>)
      %broadcast_in_dim3A = arith.constant 0.000000e+00 : f32
      %broadcast_in_dim3A_75 = vector.broadcast %broadcast_in_dim3A : f32 to vector<16xf32>
      %broadcast_in_dim3A_76 = arith.constant 0.000000e+00 : f32
      %broadcast_in_dim3A_77 = vector.broadcast %broadcast_in_dim3A_76 : f32 to vector<16xf32>
      %scan3A_78 = arith.constant 0 : i32
      %scan3A_79 = arith.constant 50 : i32
      %scan3A_80 = arith.addi %scan3A_78, %scan3A_79 : i32
      %scan3A_81 = arith.constant 5 : i32
      %scan3A_82:2 = scf.for %scan3A_661 = %scan3A_78 to %scan3A_80 step %scan3A_81 iter_args(%scan3A_662 = %broadcast_in_dim3A_75, %scan3A_663 = %broadcast_in_dim3A_77) -> (vector<16xf32>, vector<16xf32>)  : i32 {
        %add3A_664 = arith.constant 0 : i32
        %add3A_665 = arith.addi %add3A_664, %scan3A_661 : i32
        %get3A = arith.index_cast %add3A_665 : i32 to index
        %get3A_666 = arith.constant 0 : index
        %get3A_667 = tpu.vector_load %arg6[%get3A, %get3A_666] {strides = array<i32>} : memref<100x16xi32, #tpu.memory_space<vmem>>, vector<1x16xi32>,
        %get3A_668 = vector.shape_cast %get3A_667 : vector<1x16xi32> to vector<16xi32>
        %and3A = arith.constant -65536 : i32
        %and3A_669 = vector.broadcast %and3A : i32 to vector<16xi32>
        %and3A_670 = arith.andi %get3A_668, %and3A_669 : vector<16xi32>
        %bitcast_convert_type3A = tpu.bitcast %and3A_670 : vector<16xi32> -> vector<16xf32>
        %shift_left3A = arith.constant 16 : i32
        %shift_left3A_671 = vector.broadcast %shift_left3A : i32 to vector<16xi32>
        %shift_left3A_672 = arith.shli %get3A_668, %shift_left3A_671 : vector<16xi32>
        %bitcast_convert_type3A_673 = tpu.bitcast %shift_left3A_672 : vector<16xi32> -> vector<16xf32>
        %add3A_674 = arith.addf %scan3A_662, %bitcast_convert_type3A : vector<16xf32>
        %add3A_675 = arith.addf %scan3A_663, %bitcast_convert_type3A_673 : vector<16xf32>
        %scan3A_676 = arith.constant 1 : i32
        %scan3A_677 = arith.addi %scan3A_661, %scan3A_676 : i32
        %add3A_678 = arith.constant 0 : i32
        %add3A_679 = arith.addi %add3A_678, %scan3A_677 : i32
        %get3A_680 = arith.index_cast %add3A_679 : i32 to index
        %get3A_681 = arith.constant 0 : index
        %get3A_682 = tpu.vector_load %arg6[%get3A_680, %get3A_681] {strides = array<i32>} : memref<100x16xi32, #tpu.memory_space<vmem>>, vector<1x16xi32>,
        %get3A_683 = vector.shape_cast %get3A_682 : vector<1x16xi32> to vector<16xi32>
        %and3A_684 = arith.constant -65536 : i32
        %and3A_685 = vector.broadcast %and3A_684 : i32 to vector<16xi32>
        %and3A_686 = arith.andi %get3A_683, %and3A_685 : vector<16xi32>
        %bitcast_convert_type3A_687 = tpu.bitcast %and3A_686 : vector<16xi32> -> vector<16xf32>
        %shift_left3A_688 = arith.constant 16 : i32
        %shift_left3A_689 = vector.broadcast %shift_left3A_688 : i32 to vector<16xi32>
        %shift_left3A_690 = arith.shli %get3A_683, %shift_left3A_689 : vector<16xi32>
        %bitcast_convert_type3A_691 = tpu.bitcast %shift_left3A_690 : vector<16xi32> -> vector<16xf32>
        %add3A_692 = arith.addf %add3A_674, %bitcast_convert_type3A_687 : vector<16xf32>
        %add3A_693 = arith.addf %add3A_675, %bitcast_convert_type3A_691 : vector<16xf32>
        %scan3A_694 = arith.constant 2 : i32
        %scan3A_695 = arith.addi %scan3A_661, %scan3A_694 : i32
        %add3A_696 = arith.constant 0 : i32
        %add3A_697 = arith.addi %add3A_696, %scan3A_695 : i32
        %get3A_698 = arith.index_cast %add3A_697 : i32 to index
        %get3A_699 = arith.constant 0 : index
        %get3A_700 = tpu.vector_load %arg6[%get3A_698, %get3A_699] {strides = array<i32>} : memref<100x16xi32, #tpu.memory_space<vmem>>, vector<1x16xi32>,
        %get3A_701 = vector.shape_cast %get3A_700 : vector<1x16xi32> to vector<16xi32>
        %and3A_702 = arith.constant -65536 : i32
        %and3A_703 = vector.broadcast %and3A_702 : i32 to vector<16xi32>
        %and3A_704 = arith.andi %get3A_701, %and3A_703 : vector<16xi32>
        %bitcast_convert_type3A_705 = tpu.bitcast %and3A_704 : vector<16xi32> -> vector<16xf32>
        %shift_left3A_706 = arith.constant 16 : i32
        %shift_left3A_707 = vector.broadcast %shift_left3A_706 : i32 to vector<16xi32>
        %shift_left3A_708 = arith.shli %get3A_701, %shift_left3A_707 : vector<16xi32>
        %bitcast_convert_type3A_709 = tpu.bitcast %shift_left3A_708 : vector<16xi32> -> vector<16xf32>
        %add3A_710 = arith.addf %add3A_692, %bitcast_convert_type3A_705 : vector<16xf32>
        %add3A_711 = arith.addf %add3A_693, %bitcast_convert_type3A_709 : vector<16xf32>
        %scan3A_712 = arith.constant 3 : i32
        %scan3A_713 = arith.addi %scan3A_661, %scan3A_712 : i32
        %add3A_714 = arith.constant 0 : i32
        %add3A_715 = arith.addi %add3A_714, %scan3A_713 : i32
        %get3A_716 = arith.index_cast %add3A_715 : i32 to index
        %get3A_717 = arith.constant 0 : index
        %get3A_718 = tpu.vector_load %arg6[%get3A_716, %get3A_717] {strides = array<i32>} : memref<100x16xi32, #tpu.memory_space<vmem>>, vector<1x16xi32>,
        %get3A_719 = vector.shape_cast %get3A_718 : vector<1x16xi32> to vector<16xi32>
        %and3A_720 = arith.constant -65536 : i32
        %and3A_721 = vector.broadcast %and3A_720 : i32 to vector<16xi32>
        %and3A_722 = arith.andi %get3A_719, %and3A_721 : vector<16xi32>
        %bitcast_convert_type3A_723 = tpu.bitcast %and3A_722 : vector<16xi32> -> vector<16xf32>
        %shift_left3A_724 = arith.constant 16 : i32
        %shift_left3A_725 = vector.broadcast %shift_left3A_724 : i32 to vector<16xi32>
        %shift_left3A_726 = arith.shli %get3A_719, %shift_left3A_725 : vector<16xi32>
        %bitcast_convert_type3A_727 = tpu.bitcast %shift_left3A_726 : vector<16xi32> -> vector<16xf32>
        %add3A_728 = arith.addf %add3A_710, %bitcast_convert_type3A_723 : vector<16xf32>
        %add3A_729 = arith.addf %add3A_711, %bitcast_convert_type3A_727 : vector<16xf32>
        %scan3A_730 = arith.constant 4 : i32
        %scan3A_731 = arith.addi %scan3A_661, %scan3A_730 : i32
        %add3A_732 = arith.constant 0 : i32
        %add3A_733 = arith.addi %add3A_732, %scan3A_731 : i32
        %get3A_734 = arith.index_cast %add3A_733 : i32 to index
        %get3A_735 = arith.constant 0 : index
        %get3A_736 = tpu.vector_load %arg6[%get3A_734, %get3A_735] {strides = array<i32>} : memref<100x16xi32, #tpu.memory_space<vmem>>, vector<1x16xi32>,
        %get3A_737 = vector.shape_cast %get3A_736 : vector<1x16xi32> to vector<16xi32>
        %and3A_738 = arith.constant -65536 : i32
        %and3A_739 = vector.broadcast %and3A_738 : i32 to vector<16xi32>
        %and3A_740 = arith.andi %get3A_737, %and3A_739 : vector<16xi32>
        %bitcast_convert_type3A_741 = tpu.bitcast %and3A_740 : vector<16xi32> -> vector<16xf32>
        %shift_left3A_742 = arith.constant 16 : i32
        %shift_left3A_743 = vector.broadcast %shift_left3A_742 : i32 to vector<16xi32>
        %shift_left3A_744 = arith.shli %get3A_737, %shift_left3A_743 : vector<16xi32>
        %bitcast_convert_type3A_745 = tpu.bitcast %shift_left3A_744 : vector<16xi32> -> vector<16xf32>
        %add3A_746 = arith.addf %add3A_728, %bitcast_convert_type3A_741 : vector<16xf32>
        %add3A_747 = arith.addf %add3A_729, %bitcast_convert_type3A_745 : vector<16xf32>
        scf.yield %add3A_746, %add3A_747 : vector<16xf32>, vector<16xf32>
      }
      %scan3A_83 = arith.constant 50 : i32
      %mul3A_84 = arith.constant 2 : i32
      %mul3A_85 = arith.muli %add3A_69, %mul3A_84 : i32
      %add3A_86 = arith.constant 0 : i32
      %add3A_87 = arith.addi %mul3A_85, %add3A_86 : i32
      %mul3A_88 = arith.constant 2.000000e-02 : f32
      %mul3A_89 = vector.broadcast %mul3A_88 : f32 to vector<16xf32>
      %mul3A_90 = arith.mulf %scan3A_82#0, %mul3A_89 : vector<16xf32>
      %swap3A = arith.index_cast %add3A_87 : i32 to index
      %swap3A_91 = arith.constant 0 : index
      %swap3A_92 = tpu.vector_load %arg14[%swap3A, %swap3A_91] {strides = array<i32>} : memref<512x32xf32, #tpu.memory_space<vmem>>, vector<1x16xf32>,
      %swap3A_93 = vector.shape_cast %swap3A_92 : vector<1x16xf32> to vector<16xf32>
      %swap3A_94 = vector.shape_cast %mul3A_90 : vector<16xf32> to vector<1x16xf32>
      tpu.vector_store %arg14[%swap3A, %swap3A_91], %swap3A_94 {strides = array<i32>} : memref<512x32xf32, #tpu.memory_space<vmem>>, vector<1x16xf32>,
      %mul3A_95 = arith.constant 2.000000e-02 : f32
      %mul3A_96 = vector.broadcast %mul3A_95 : f32 to vector<16xf32>
      %mul3A_97 = arith.mulf %scan3A_82#1, %mul3A_96 : vector<16xf32>
      %swap3A_98 = arith.index_cast %add3A_87 : i32 to index
      %swap3A_99 = arith.constant 16 : index
      %swap3A_100 = tpu.vector_load %arg14[%swap3A_98, %swap3A_99] {strides = array<i32>} : memref<512x32xf32, #tpu.memory_space<vmem>>, vector<1x16xf32>,
      %swap3A_101 = vector.shape_cast %swap3A_100 : vector<1x16xf32> to vector<16xf32>
      %swap3A_102 = vector.shape_cast %mul3A_97 : vector<16xf32> to vector<1x16xf32>
      tpu.vector_store %arg14[%swap3A_98, %swap3A_99], %swap3A_102 {strides = array<i32>} : memref<512x32xf32, #tpu.memory_space<vmem>>, vector<1x16xf32>,
      %broadcast_in_dim3A_103 = arith.constant 0.000000e+00 : f32
      %broadcast_in_dim3A_104 = vector.broadcast %broadcast_in_dim3A_103 : f32 to vector<16xf32>
      %broadcast_in_dim3A_105 = arith.constant 0.000000e+00 : f32
      %broadcast_in_dim3A_106 = vector.broadcast %broadcast_in_dim3A_105 : f32 to vector<16xf32>
      %scan3A_107 = arith.constant 0 : i32
      %scan3A_108 = arith.constant 50 : i32
      %scan3A_109 = arith.addi %scan3A_107, %scan3A_108 : i32
      %scan3A_110 = arith.constant 5 : i32
      %scan3A_111:2 = scf.for %scan3A_661 = %scan3A_107 to %scan3A_109 step %scan3A_110 iter_args(%scan3A_662 = %broadcast_in_dim3A_104, %scan3A_663 = %broadcast_in_dim3A_106) -> (vector<16xf32>, vector<16xf32>)  : i32 {
        %add3A_664 = arith.constant 50 : i32
        %add3A_665 = arith.addi %add3A_664, %scan3A_661 : i32
        %get3A = arith.index_cast %add3A_665 : i32 to index
        %get3A_666 = arith.constant 0 : index
        %get3A_667 = tpu.vector_load %arg6[%get3A, %get3A_666] {strides = array<i32>} : memref<100x16xi32, #tpu.memory_space<vmem>>, vector<1x16xi32>,
        %get3A_668 = vector.shape_cast %get3A_667 : vector<1x16xi32> to vector<16xi32>
        %and3A = arith.constant -65536 : i32
        %and3A_669 = vector.broadcast %and3A : i32 to vector<16xi32>
        %and3A_670 = arith.andi %get3A_668, %and3A_669 : vector<16xi32>
        %bitcast_convert_type3A = tpu.bitcast %and3A_670 : vector<16xi32> -> vector<16xf32>
        %shift_left3A = arith.constant 16 : i32
        %shift_left3A_671 = vector.broadcast %shift_left3A : i32 to vector<16xi32>
        %shift_left3A_672 = arith.shli %get3A_668, %shift_left3A_671 : vector<16xi32>
        %bitcast_convert_type3A_673 = tpu.bitcast %shift_left3A_672 : vector<16xi32> -> vector<16xf32>
        %add3A_674 = arith.addf %scan3A_662, %bitcast_convert_type3A : vector<16xf32>
        %add3A_675 = arith.addf %scan3A_663, %bitcast_convert_type3A_673 : vector<16xf32>
        %scan3A_676 = arith.constant 1 : i32
        %scan3A_677 = arith.addi %scan3A_661, %scan3A_676 : i32
        %add3A_678 = arith.constant 50 : i32
        %add3A_679 = arith.addi %add3A_678, %scan3A_677 : i32
        %get3A_680 = arith.index_cast %add3A_679 : i32 to index
        %get3A_681 = arith.constant 0 : index
        %get3A_682 = tpu.vector_load %arg6[%get3A_680, %get3A_681] {strides = array<i32>} : memref<100x16xi32, #tpu.memory_space<vmem>>, vector<1x16xi32>,
        %get3A_683 = vector.shape_cast %get3A_682 : vector<1x16xi32> to vector<16xi32>
        %and3A_684 = arith.constant -65536 : i32
        %and3A_685 = vector.broadcast %and3A_684 : i32 to vector<16xi32>
        %and3A_686 = arith.andi %get3A_683, %and3A_685 : vector<16xi32>
        %bitcast_convert_type3A_687 = tpu.bitcast %and3A_686 : vector<16xi32> -> vector<16xf32>
        %shift_left3A_688 = arith.constant 16 : i32
        %shift_left3A_689 = vector.broadcast %shift_left3A_688 : i32 to vector<16xi32>
        %shift_left3A_690 = arith.shli %get3A_683, %shift_left3A_689 : vector<16xi32>
        %bitcast_convert_type3A_691 = tpu.bitcast %shift_left3A_690 : vector<16xi32> -> vector<16xf32>
        %add3A_692 = arith.addf %add3A_674, %bitcast_convert_type3A_687 : vector<16xf32>
        %add3A_693 = arith.addf %add3A_675, %bitcast_convert_type3A_691 : vector<16xf32>
        %scan3A_694 = arith.constant 2 : i32
        %scan3A_695 = arith.addi %scan3A_661, %scan3A_694 : i32
        %add3A_696 = arith.constant 50 : i32
        %add3A_697 = arith.addi %add3A_696, %scan3A_695 : i32
        %get3A_698 = arith.index_cast %add3A_697 : i32 to index
        %get3A_699 = arith.constant 0 : index
        %get3A_700 = tpu.vector_load %arg6[%get3A_698, %get3A_699] {strides = array<i32>} : memref<100x16xi32, #tpu.memory_space<vmem>>, vector<1x16xi32>,
        %get3A_701 = vector.shape_cast %get3A_700 : vector<1x16xi32> to vector<16xi32>
        %and3A_702 = arith.constant -65536 : i32
        %and3A_703 = vector.broadcast %and3A_702 : i32 to vector<16xi32>
        %and3A_704 = arith.andi %get3A_701, %and3A_703 : vector<16xi32>
        %bitcast_convert_type3A_705 = tpu.bitcast %and3A_704 : vector<16xi32> -> vector<16xf32>
        %shift_left3A_706 = arith.constant 16 : i32
        %shift_left3A_707 = vector.broadcast %shift_left3A_706 : i32 to vector<16xi32>
        %shift_left3A_708 = arith.shli %get3A_701, %shift_left3A_707 : vector<16xi32>
        %bitcast_convert_type3A_709 = tpu.bitcast %shift_left3A_708 : vector<16xi32> -> vector<16xf32>
        %add3A_710 = arith.addf %add3A_692, %bitcast_convert_type3A_705 : vector<16xf32>
        %add3A_711 = arith.addf %add3A_693, %bitcast_convert_type3A_709 : vector<16xf32>
        %scan3A_712 = arith.constant 3 : i32
        %scan3A_713 = arith.addi %scan3A_661, %scan3A_712 : i32
        %add3A_714 = arith.constant 50 : i32
        %add3A_715 = arith.addi %add3A_714, %scan3A_713 : i32
        %get3A_716 = arith.index_cast %add3A_715 : i32 to index
        %get3A_717 = arith.constant 0 : index
        %get3A_718 = tpu.vector_load %arg6[%get3A_716, %get3A_717] {strides = array<i32>} : memref<100x16xi32, #tpu.memory_space<vmem>>, vector<1x16xi32>,
        %get3A_719 = vector.shape_cast %get3A_718 : vector<1x16xi32> to vector<16xi32>
        %and3A_720 = arith.constant -65536 : i32
        %and3A_721 = vector.broadcast %and3A_720 : i32 to vector<16xi32>
        %and3A_722 = arith.andi %get3A_719, %and3A_721 : vector<16xi32>
        %bitcast_convert_type3A_723 = tpu.bitcast %and3A_722 : vector<16xi32> -> vector<16xf32>
        %shift_left3A_724 = arith.constant 16 : i32
        %shift_left3A_725 = vector.broadcast %shift_left3A_724 : i32 to vector<16xi32>
        %shift_left3A_726 = arith.shli %get3A_719, %shift_left3A_725 : vector<16xi32>
        %bitcast_convert_type3A_727 = tpu.bitcast %shift_left3A_726 : vector<16xi32> -> vector<16xf32>
        %add3A_728 = arith.addf %add3A_710, %bitcast_convert_type3A_723 : vector<16xf32>
        %add3A_729 = arith.addf %add3A_711, %bitcast_convert_type3A_727 : vector<16xf32>
        %scan3A_730 = arith.constant 4 : i32
        %scan3A_731 = arith.addi %scan3A_661, %scan3A_730 : i32
        %add3A_732 = arith.constant 50 : i32
        %add3A_733 = arith.addi %add3A_732, %scan3A_731 : i32
        %get3A_734 = arith.index_cast %add3A_733 : i32 to index
        %get3A_735 = arith.constant 0 : index
        %get3A_736 = tpu.vector_load %arg6[%get3A_734, %get3A_735] {strides = array<i32>} : memref<100x16xi32, #tpu.memory_space<vmem>>, vector<1x16xi32>,
        %get3A_737 = vector.shape_cast %get3A_736 : vector<1x16xi32> to vector<16xi32>
        %and3A_738 = arith.constant -65536 : i32
        %and3A_739 = vector.broadcast %and3A_738 : i32 to vector<16xi32>
        %and3A_740 = arith.andi %get3A_737, %and3A_739 : vector<16xi32>
        %bitcast_convert_type3A_741 = tpu.bitcast %and3A_740 : vector<16xi32> -> vector<16xf32>
        %shift_left3A_742 = arith.constant 16 : i32
        %shift_left3A_743 = vector.broadcast %shift_left3A_742 : i32 to vector<16xi32>
        %shift_left3A_744 = arith.shli %get3A_737, %shift_left3A_743 : vector<16xi32>
        %bitcast_convert_type3A_745 = tpu.bitcast %shift_left3A_744 : vector<16xi32> -> vector<16xf32>
        %add3A_746 = arith.addf %add3A_728, %bitcast_convert_type3A_741 : vector<16xf32>
        %add3A_747 = arith.addf %add3A_729, %bitcast_convert_type3A_745 : vector<16xf32>
        scf.yield %add3A_746, %add3A_747 : vector<16xf32>, vector<16xf32>
      }
      %scan3A_112 = arith.constant 50 : i32
      %mul3A_113 = arith.constant 2 : i32
      %mul3A_114 = arith.muli %add3A_69, %mul3A_113 : i32
      %add3A_115 = arith.constant 1 : i32
      %add3A_116 = arith.addi %mul3A_114, %add3A_115 : i32
      %mul3A_117 = arith.constant 2.000000e-02 : f32
      %mul3A_118 = vector.broadcast %mul3A_117 : f32 to vector<16xf32>
      %mul3A_119 = arith.mulf %scan3A_111#0, %mul3A_118 : vector<16xf32>
      %swap3A_120 = arith.index_cast %add3A_116 : i32 to index
      %swap3A_121 = arith.constant 0 : index
      %swap3A_122 = tpu.vector_load %arg14[%swap3A_120, %swap3A_121] {strides = array<i32>} : memref<512x32xf32, #tpu.memory_space<vmem>>, vector<1x16xf32>,
      %swap3A_123 = vector.shape_cast %swap3A_122 : vector<1x16xf32> to vector<16xf32>
      %swap3A_124 = vector.shape_cast %mul3A_119 : vector<16xf32> to vector<1x16xf32>
      tpu.vector_store %arg14[%swap3A_120, %swap3A_121], %swap3A_124 {strides = array<i32>} : memref<512x32xf32, #tpu.memory_space<vmem>>, vector<1x16xf32>,
      %mul3A_125 = arith.constant 2.000000e-02 : f32
      %mul3A_126 = vector.broadcast %mul3A_125 : f32 to vector<16xf32>
      %mul3A_127 = arith.mulf %scan3A_111#1, %mul3A_126 : vector<16xf32>
      %swap3A_128 = arith.index_cast %add3A_116 : i32 to index
      %swap3A_129 = arith.constant 16 : index
      %swap3A_130 = tpu.vector_load %arg14[%swap3A_128, %swap3A_129] {strides = array<i32>} : memref<512x32xf32, #tpu.memory_space<vmem>>, vector<1x16xf32>,
      %swap3A_131 = vector.shape_cast %swap3A_130 : vector<1x16xf32> to vector<16xf32>
      %swap3A_132 = vector.shape_cast %mul3A_127 : vector<16xf32> to vector<1x16xf32>
      tpu.vector_store %arg14[%swap3A_128, %swap3A_129], %swap3A_132 {strides = array<i32>} : memref<512x32xf32, #tpu.memory_space<vmem>>, vector<1x16xf32>,
      %lt3A = arith.constant 31 : i32
      %lt3A_133 = arith.cmpi slt, %scan3A_64, %lt3A : i32
      %convert_element_type3A = arith.extui %lt3A_133 : i1 to i32
      %cond3A = arith.constant 0 : i32
      %cond3A_134 = arith.cmpi ne, %convert_element_type3A, %cond3A : i32
      scf.if %cond3A_134 {
        %add3A_661 = arith.constant 8 : i32
        %add3A_662 = arith.addi %add3A_69, %add3A_661 : i32
        %dma_start3A_663 = arith.constant 0 : i32
        %dma_start3A_664 = tpu.memref_slice %arg5[%add3A_662, %dma_start3A_663] : memref<256x100xi32, #tpu.memory_space<vmem>> -> memref<1x100xi32, #tpu.memory_space<vmem>>
        %dma_start3A_665 = tpu.memref_squeeze %dma_start3A_664 : memref<1x100xi32, #tpu.memory_space<vmem>> -> memref<100xi32, #tpu.memory_space<vmem>>
        %dma_start3A_666 = arith.constant 0 : i32
        %dma_start3A_667 = arith.constant 0 : i32
        %dma_start3A_668 = tpu.memref_slice %arg3[%dma_start3A_666, %dma_start3A_667] : memref<1015808x16xi32, #tpu.memory_space<hbm>> -> memref<1015808x16xi32, #tpu.memory_space<hbm>>
        tpu.enqueue_indirect_dma source(%dma_start3A_668 : memref<1015808x16xi32, #tpu.memory_space<hbm>>) target(%arg6 : memref<100x16xi32, #tpu.memory_space<vmem>>) offsets(%dma_start3A_665 : memref<100xi32, #tpu.memory_space<vmem>>) semaphore(%arg15 : memref<!tpu.dma_semaphore, #tpu.memory_space<semaphore_mem>>)
      } else {
      }
      %mul3A_135 = arith.constant 8 : i32
      %mul3A_136 = arith.muli %scan3A_64, %mul3A_135 : i32
      %add3A_137 = arith.constant 1 : i32
      %add3A_138 = arith.addi %mul3A_136, %add3A_137 : i32
      %dma_wait3A_139 = arith.constant 0 : i32
      %dma_wait3A_140 = tpu.memref_slice %arg5[%add3A_138, %dma_wait3A_139] : memref<256x100xi32, #tpu.memory_space<vmem>> -> memref<1x100xi32, #tpu.memory_space<vmem>>
      %dma_wait3A_141 = tpu.memref_squeeze %dma_wait3A_140 : memref<1x100xi32, #tpu.memory_space<vmem>> -> memref<100xi32, #tpu.memory_space<vmem>>
      %dma_wait3A_142 = arith.constant 0 : i32
      %dma_wait3A_143 = arith.constant 0 : i32
      %dma_wait3A_144 = tpu.memref_slice %arg3[%dma_wait3A_142, %dma_wait3A_143] : memref<1015808x16xi32, #tpu.memory_space<hbm>> -> memref<1015808x16xi32, #tpu.memory_space<hbm>>
      tpu.wait_indirect_dma semaphore(%arg16 : memref<!tpu.dma_semaphore, #tpu.memory_space<semaphore_mem>>) src(%dma_wait3A_144 : memref<1015808x16xi32, #tpu.memory_space<hbm>>) dst(%arg7 : memref<100x16xi32, #tpu.memory_space<vmem>>)
      %broadcast_in_dim3A_145 = arith.constant 0.000000e+00 : f32
      %broadcast_in_dim3A_146 = vector.broadcast %broadcast_in_dim3A_145 : f32 to vector<16xf32>
      %broadcast_in_dim3A_147 = arith.constant 0.000000e+00 : f32
      %broadcast_in_dim3A_148 = vector.broadcast %broadcast_in_dim3A_147 : f32 to vector<16xf32>
      %scan3A_149 = arith.constant 0 : i32
      %scan3A_150 = arith.constant 50 : i32
      %scan3A_151 = arith.addi %scan3A_149, %scan3A_150 : i32
      %scan3A_152 = arith.constant 5 : i32
      %scan3A_153:2 = scf.for %scan3A_661 = %scan3A_149 to %scan3A_151 step %scan3A_152 iter_args(%scan3A_662 = %broadcast_in_dim3A_146, %scan3A_663 = %broadcast_in_dim3A_148) -> (vector<16xf32>, vector<16xf32>)  : i32 {
        %add3A_664 = arith.constant 0 : i32
        %add3A_665 = arith.addi %add3A_664, %scan3A_661 : i32
        %get3A = arith.index_cast %add3A_665 : i32 to index
        %get3A_666 = arith.constant 0 : index
        %get3A_667 = tpu.vector_load %arg7[%get3A, %get3A_666] {strides = array<i32>} : memref<100x16xi32, #tpu.memory_space<vmem>>, vector<1x16xi32>,
        %get3A_668 = vector.shape_cast %get3A_667 : vector<1x16xi32> to vector<16xi32>
        %and3A = arith.constant -65536 : i32
        %and3A_669 = vector.broadcast %and3A : i32 to vector<16xi32>
        %and3A_670 = arith.andi %get3A_668, %and3A_669 : vector<16xi32>
        %bitcast_convert_type3A = tpu.bitcast %and3A_670 : vector<16xi32> -> vector<16xf32>
        %shift_left3A = arith.constant 16 : i32
        %shift_left3A_671 = vector.broadcast %shift_left3A : i32 to vector<16xi32>
        %shift_left3A_672 = arith.shli %get3A_668, %shift_left3A_671 : vector<16xi32>
        %bitcast_convert_type3A_673 = tpu.bitcast %shift_left3A_672 : vector<16xi32> -> vector<16xf32>
        %add3A_674 = arith.addf %scan3A_662, %bitcast_convert_type3A : vector<16xf32>
        %add3A_675 = arith.addf %scan3A_663, %bitcast_convert_type3A_673 : vector<16xf32>
        %scan3A_676 = arith.constant 1 : i32
        %scan3A_677 = arith.addi %scan3A_661, %scan3A_676 : i32
        %add3A_678 = arith.constant 0 : i32
        %add3A_679 = arith.addi %add3A_678, %scan3A_677 : i32
        %get3A_680 = arith.index_cast %add3A_679 : i32 to index
        %get3A_681 = arith.constant 0 : index
        %get3A_682 = tpu.vector_load %arg7[%get3A_680, %get3A_681] {strides = array<i32>} : memref<100x16xi32, #tpu.memory_space<vmem>>, vector<1x16xi32>,
        %get3A_683 = vector.shape_cast %get3A_682 : vector<1x16xi32> to vector<16xi32>
        %and3A_684 = arith.constant -65536 : i32
        %and3A_685 = vector.broadcast %and3A_684 : i32 to vector<16xi32>
        %and3A_686 = arith.andi %get3A_683, %and3A_685 : vector<16xi32>
        %bitcast_convert_type3A_687 = tpu.bitcast %and3A_686 : vector<16xi32> -> vector<16xf32>
        %shift_left3A_688 = arith.constant 16 : i32
        %shift_left3A_689 = vector.broadcast %shift_left3A_688 : i32 to vector<16xi32>
        %shift_left3A_690 = arith.shli %get3A_683, %shift_left3A_689 : vector<16xi32>
        %bitcast_convert_type3A_691 = tpu.bitcast %shift_left3A_690 : vector<16xi32> -> vector<16xf32>
        %add3A_692 = arith.addf %add3A_674, %bitcast_convert_type3A_687 : vector<16xf32>
        %add3A_693 = arith.addf %add3A_675, %bitcast_convert_type3A_691 : vector<16xf32>
        %scan3A_694 = arith.constant 2 : i32
        %scan3A_695 = arith.addi %scan3A_661, %scan3A_694 : i32
        %add3A_696 = arith.constant 0 : i32
        %add3A_697 = arith.addi %add3A_696, %scan3A_695 : i32
        %get3A_698 = arith.index_cast %add3A_697 : i32 to index
        %get3A_699 = arith.constant 0 : index
        %get3A_700 = tpu.vector_load %arg7[%get3A_698, %get3A_699] {strides = array<i32>} : memref<100x16xi32, #tpu.memory_space<vmem>>, vector<1x16xi32>,
        %get3A_701 = vector.shape_cast %get3A_700 : vector<1x16xi32> to vector<16xi32>
        %and3A_702 = arith.constant -65536 : i32
        %and3A_703 = vector.broadcast %and3A_702 : i32 to vector<16xi32>
        %and3A_704 = arith.andi %get3A_701, %and3A_703 : vector<16xi32>
        %bitcast_convert_type3A_705 = tpu.bitcast %and3A_704 : vector<16xi32> -> vector<16xf32>
        %shift_left3A_706 = arith.constant 16 : i32
        %shift_left3A_707 = vector.broadcast %shift_left3A_706 : i32 to vector<16xi32>
        %shift_left3A_708 = arith.shli %get3A_701, %shift_left3A_707 : vector<16xi32>
        %bitcast_convert_type3A_709 = tpu.bitcast %shift_left3A_708 : vector<16xi32> -> vector<16xf32>
        %add3A_710 = arith.addf %add3A_692, %bitcast_convert_type3A_705 : vector<16xf32>
        %add3A_711 = arith.addf %add3A_693, %bitcast_convert_type3A_709 : vector<16xf32>
        %scan3A_712 = arith.constant 3 : i32
        %scan3A_713 = arith.addi %scan3A_661, %scan3A_712 : i32
        %add3A_714 = arith.constant 0 : i32
        %add3A_715 = arith.addi %add3A_714, %scan3A_713 : i32
        %get3A_716 = arith.index_cast %add3A_715 : i32 to index
        %get3A_717 = arith.constant 0 : index
        %get3A_718 = tpu.vector_load %arg7[%get3A_716, %get3A_717] {strides = array<i32>} : memref<100x16xi32, #tpu.memory_space<vmem>>, vector<1x16xi32>,
        %get3A_719 = vector.shape_cast %get3A_718 : vector<1x16xi32> to vector<16xi32>
        %and3A_720 = arith.constant -65536 : i32
        %and3A_721 = vector.broadcast %and3A_720 : i32 to vector<16xi32>
        %and3A_722 = arith.andi %get3A_719, %and3A_721 : vector<16xi32>
        %bitcast_convert_type3A_723 = tpu.bitcast %and3A_722 : vector<16xi32> -> vector<16xf32>
        %shift_left3A_724 = arith.constant 16 : i32
        %shift_left3A_725 = vector.broadcast %shift_left3A_724 : i32 to vector<16xi32>
        %shift_left3A_726 = arith.shli %get3A_719, %shift_left3A_725 : vector<16xi32>
        %bitcast_convert_type3A_727 = tpu.bitcast %shift_left3A_726 : vector<16xi32> -> vector<16xf32>
        %add3A_728 = arith.addf %add3A_710, %bitcast_convert_type3A_723 : vector<16xf32>
        %add3A_729 = arith.addf %add3A_711, %bitcast_convert_type3A_727 : vector<16xf32>
        %scan3A_730 = arith.constant 4 : i32
        %scan3A_731 = arith.addi %scan3A_661, %scan3A_730 : i32
        %add3A_732 = arith.constant 0 : i32
        %add3A_733 = arith.addi %add3A_732, %scan3A_731 : i32
        %get3A_734 = arith.index_cast %add3A_733 : i32 to index
        %get3A_735 = arith.constant 0 : index
        %get3A_736 = tpu.vector_load %arg7[%get3A_734, %get3A_735] {strides = array<i32>} : memref<100x16xi32, #tpu.memory_space<vmem>>, vector<1x16xi32>,
        %get3A_737 = vector.shape_cast %get3A_736 : vector<1x16xi32> to vector<16xi32>
        %and3A_738 = arith.constant -65536 : i32
        %and3A_739 = vector.broadcast %and3A_738 : i32 to vector<16xi32>
        %and3A_740 = arith.andi %get3A_737, %and3A_739 : vector<16xi32>
        %bitcast_convert_type3A_741 = tpu.bitcast %and3A_740 : vector<16xi32> -> vector<16xf32>
        %shift_left3A_742 = arith.constant 16 : i32
        %shift_left3A_743 = vector.broadcast %shift_left3A_742 : i32 to vector<16xi32>
        %shift_left3A_744 = arith.shli %get3A_737, %shift_left3A_743 : vector<16xi32>
        %bitcast_convert_type3A_745 = tpu.bitcast %shift_left3A_744 : vector<16xi32> -> vector<16xf32>
        %add3A_746 = arith.addf %add3A_728, %bitcast_convert_type3A_741 : vector<16xf32>
        %add3A_747 = arith.addf %add3A_729, %bitcast_convert_type3A_745 : vector<16xf32>
        scf.yield %add3A_746, %add3A_747 : vector<16xf32>, vector<16xf32>
      }
      %scan3A_154 = arith.constant 50 : i32
      %mul3A_155 = arith.constant 2 : i32
      %mul3A_156 = arith.muli %add3A_138, %mul3A_155 : i32
      %add3A_157 = arith.constant 0 : i32
      %add3A_158 = arith.addi %mul3A_156, %add3A_157 : i32
      %mul3A_159 = arith.constant 2.000000e-02 : f32
      %mul3A_160 = vector.broadcast %mul3A_159 : f32 to vector<16xf32>
      %mul3A_161 = arith.mulf %scan3A_153#0, %mul3A_160 : vector<16xf32>
      %swap3A_162 = arith.index_cast %add3A_158 : i32 to index
      %swap3A_163 = arith.constant 0 : index
      %swap3A_164 = tpu.vector_load %arg14[%swap3A_162, %swap3A_163] {strides = array<i32>} : memref<512x32xf32, #tpu.memory_space<vmem>>, vector<1x16xf32>,
      %swap3A_165 = vector.shape_cast %swap3A_164 : vector<1x16xf32> to vector<16xf32>
      %swap3A_166 = vector.shape_cast %mul3A_161 : vector<16xf32> to vector<1x16xf32>
      tpu.vector_store %arg14[%swap3A_162, %swap3A_163], %swap3A_166 {strides = array<i32>} : memref<512x32xf32, #tpu.memory_space<vmem>>, vector<1x16xf32>,
      %mul3A_167 = arith.constant 2.000000e-02 : f32
      %mul3A_168 = vector.broadcast %mul3A_167 : f32 to vector<16xf32>
      %mul3A_169 = arith.mulf %scan3A_153#1, %mul3A_168 : vector<16xf32>
      %swap3A_170 = arith.index_cast %add3A_158 : i32 to index
      %swap3A_171 = arith.constant 16 : index
      %swap3A_172 = tpu.vector_load %arg14[%swap3A_170, %swap3A_171] {strides = array<i32>} : memref<512x32xf32, #tpu.memory_space<vmem>>, vector<1x16xf32>,
      %swap3A_173 = vector.shape_cast %swap3A_172 : vector<1x16xf32> to vector<16xf32>
      %swap3A_174 = vector.shape_cast %mul3A_169 : vector<16xf32> to vector<1x16xf32>
      tpu.vector_store %arg14[%swap3A_170, %swap3A_171], %swap3A_174 {strides = array<i32>} : memref<512x32xf32, #tpu.memory_space<vmem>>, vector<1x16xf32>,
      %broadcast_in_dim3A_175 = arith.constant 0.000000e+00 : f32
      %broadcast_in_dim3A_176 = vector.broadcast %broadcast_in_dim3A_175 : f32 to vector<16xf32>
      %broadcast_in_dim3A_177 = arith.constant 0.000000e+00 : f32
      %broadcast_in_dim3A_178 = vector.broadcast %broadcast_in_dim3A_177 : f32 to vector<16xf32>
      %scan3A_179 = arith.constant 0 : i32
      %scan3A_180 = arith.constant 50 : i32
      %scan3A_181 = arith.addi %scan3A_179, %scan3A_180 : i32
      %scan3A_182 = arith.constant 5 : i32
      %scan3A_183:2 = scf.for %scan3A_661 = %scan3A_179 to %scan3A_181 step %scan3A_182 iter_args(%scan3A_662 = %broadcast_in_dim3A_176, %scan3A_663 = %broadcast_in_dim3A_178) -> (vector<16xf32>, vector<16xf32>)  : i32 {
        %add3A_664 = arith.constant 50 : i32
        %add3A_665 = arith.addi %add3A_664, %scan3A_661 : i32
        %get3A = arith.index_cast %add3A_665 : i32 to index
        %get3A_666 = arith.constant 0 : index
        %get3A_667 = tpu.vector_load %arg7[%get3A, %get3A_666] {strides = array<i32>} : memref<100x16xi32, #tpu.memory_space<vmem>>, vector<1x16xi32>,
        %get3A_668 = vector.shape_cast %get3A_667 : vector<1x16xi32> to vector<16xi32>
        %and3A = arith.constant -65536 : i32
        %and3A_669 = vector.broadcast %and3A : i32 to vector<16xi32>
        %and3A_670 = arith.andi %get3A_668, %and3A_669 : vector<16xi32>
        %bitcast_convert_type3A = tpu.bitcast %and3A_670 : vector<16xi32> -> vector<16xf32>
        %shift_left3A = arith.constant 16 : i32
        %shift_left3A_671 = vector.broadcast %shift_left3A : i32 to vector<16xi32>
        %shift_left3A_672 = arith.shli %get3A_668, %shift_left3A_671 : vector<16xi32>
        %bitcast_convert_type3A_673 = tpu.bitcast %shift_left3A_672 : vector<16xi32> -> vector<16xf32>
        %add3A_674 = arith.addf %scan3A_662, %bitcast_convert_type3A : vector<16xf32>
        %add3A_675 = arith.addf %scan3A_663, %bitcast_convert_type3A_673 : vector<16xf32>
        %scan3A_676 = arith.constant 1 : i32
        %scan3A_677 = arith.addi %scan3A_661, %scan3A_676 : i32
        %add3A_678 = arith.constant 50 : i32
        %add3A_679 = arith.addi %add3A_678, %scan3A_677 : i32
        %get3A_680 = arith.index_cast %add3A_679 : i32 to index
        %get3A_681 = arith.constant 0 : index
        %get3A_682 = tpu.vector_load %arg7[%get3A_680, %get3A_681] {strides = array<i32>} : memref<100x16xi32, #tpu.memory_space<vmem>>, vector<1x16xi32>,
        %get3A_683 = vector.shape_cast %get3A_682 : vector<1x16xi32> to vector<16xi32>
        %and3A_684 = arith.constant -65536 : i32
        %and3A_685 = vector.broadcast %and3A_684 : i32 to vector<16xi32>
        %and3A_686 = arith.andi %get3A_683, %and3A_685 : vector<16xi32>
        %bitcast_convert_type3A_687 = tpu.bitcast %and3A_686 : vector<16xi32> -> vector<16xf32>
        %shift_left3A_688 = arith.constant 16 : i32
        %shift_left3A_689 = vector.broadcast %shift_left3A_688 : i32 to vector<16xi32>
        %shift_left3A_690 = arith.shli %get3A_683, %shift_left3A_689 : vector<16xi32>
        %bitcast_convert_type3A_691 = tpu.bitcast %shift_left3A_690 : vector<16xi32> -> vector<16xf32>
        %add3A_692 = arith.addf %add3A_674, %bitcast_convert_type3A_687 : vector<16xf32>
        %add3A_693 = arith.addf %add3A_675, %bitcast_convert_type3A_691 : vector<16xf32>
        %scan3A_694 = arith.constant 2 : i32
        %scan3A_695 = arith.addi %scan3A_661, %scan3A_694 : i32
        %add3A_696 = arith.constant 50 : i32
        %add3A_697 = arith.addi %add3A_696, %scan3A_695 : i32
        %get3A_698 = arith.index_cast %add3A_697 : i32 to index
        %get3A_699 = arith.constant 0 : index
        %get3A_700 = tpu.vector_load %arg7[%get3A_698, %get3A_699] {strides = array<i32>} : memref<100x16xi32, #tpu.memory_space<vmem>>, vector<1x16xi32>,
        %get3A_701 = vector.shape_cast %get3A_700 : vector<1x16xi32> to vector<16xi32>
        %and3A_702 = arith.constant -65536 : i32
        %and3A_703 = vector.broadcast %and3A_702 : i32 to vector<16xi32>
        %and3A_704 = arith.andi %get3A_701, %and3A_703 : vector<16xi32>
        %bitcast_convert_type3A_705 = tpu.bitcast %and3A_704 : vector<16xi32> -> vector<16xf32>
        %shift_left3A_706 = arith.constant 16 : i32
        %shift_left3A_707 = vector.broadcast %shift_left3A_706 : i32 to vector<16xi32>
        %shift_left3A_708 = arith.shli %get3A_701, %shift_left3A_707 : vector<16xi32>
        %bitcast_convert_type3A_709 = tpu.bitcast %shift_left3A_708 : vector<16xi32> -> vector<16xf32>
        %add3A_710 = arith.addf %add3A_692, %bitcast_convert_type3A_705 : vector<16xf32>
        %add3A_711 = arith.addf %add3A_693, %bitcast_convert_type3A_709 : vector<16xf32>
        %scan3A_712 = arith.constant 3 : i32
        %scan3A_713 = arith.addi %scan3A_661, %scan3A_712 : i32
        %add3A_714 = arith.constant 50 : i32
        %add3A_715 = arith.addi %add3A_714, %scan3A_713 : i32
        %get3A_716 = arith.index_cast %add3A_715 : i32 to index
        %get3A_717 = arith.constant 0 : index
        %get3A_718 = tpu.vector_load %arg7[%get3A_716, %get3A_717] {strides = array<i32>} : memref<100x16xi32, #tpu.memory_space<vmem>>, vector<1x16xi32>,
        %get3A_719 = vector.shape_cast %get3A_718 : vector<1x16xi32> to vector<16xi32>
        %and3A_720 = arith.constant -65536 : i32
        %and3A_721 = vector.broadcast %and3A_720 : i32 to vector<16xi32>
        %and3A_722 = arith.andi %get3A_719, %and3A_721 : vector<16xi32>
        %bitcast_convert_type3A_723 = tpu.bitcast %and3A_722 : vector<16xi32> -> vector<16xf32>
        %shift_left3A_724 = arith.constant 16 : i32
        %shift_left3A_725 = vector.broadcast %shift_left3A_724 : i32 to vector<16xi32>
        %shift_left3A_726 = arith.shli %get3A_719, %shift_left3A_725 : vector<16xi32>
        %bitcast_convert_type3A_727 = tpu.bitcast %shift_left3A_726 : vector<16xi32> -> vector<16xf32>
        %add3A_728 = arith.addf %add3A_710, %bitcast_convert_type3A_723 : vector<16xf32>
        %add3A_729 = arith.addf %add3A_711, %bitcast_convert_type3A_727 : vector<16xf32>
        %scan3A_730 = arith.constant 4 : i32
        %scan3A_731 = arith.addi %scan3A_661, %scan3A_730 : i32
        %add3A_732 = arith.constant 50 : i32
        %add3A_733 = arith.addi %add3A_732, %scan3A_731 : i32
        %get3A_734 = arith.index_cast %add3A_733 : i32 to index
        %get3A_735 = arith.constant 0 : index
        %get3A_736 = tpu.vector_load %arg7[%get3A_734, %get3A_735] {strides = array<i32>} : memref<100x16xi32, #tpu.memory_space<vmem>>, vector<1x16xi32>,
        %get3A_737 = vector.shape_cast %get3A_736 : vector<1x16xi32> to vector<16xi32>
        %and3A_738 = arith.constant -65536 : i32
        %and3A_739 = vector.broadcast %and3A_738 : i32 to vector<16xi32>
        %and3A_740 = arith.andi %get3A_737, %and3A_739 : vector<16xi32>
        %bitcast_convert_type3A_741 = tpu.bitcast %and3A_740 : vector<16xi32> -> vector<16xf32>
        %shift_left3A_742 = arith.constant 16 : i32
        %shift_left3A_743 = vector.broadcast %shift_left3A_742 : i32 to vector<16xi32>
        %shift_left3A_744 = arith.shli %get3A_737, %shift_left3A_743 : vector<16xi32>
        %bitcast_convert_type3A_745 = tpu.bitcast %shift_left3A_744 : vector<16xi32> -> vector<16xf32>
        %add3A_746 = arith.addf %add3A_728, %bitcast_convert_type3A_741 : vector<16xf32>
        %add3A_747 = arith.addf %add3A_729, %bitcast_convert_type3A_745 : vector<16xf32>
        scf.yield %add3A_746, %add3A_747 : vector<16xf32>, vector<16xf32>
      }
      %scan3A_184 = arith.constant 50 : i32
      %mul3A_185 = arith.constant 2 : i32
      %mul3A_186 = arith.muli %add3A_138, %mul3A_185 : i32
      %add3A_187 = arith.constant 1 : i32
      %add3A_188 = arith.addi %mul3A_186, %add3A_187 : i32
      %mul3A_189 = arith.constant 2.000000e-02 : f32
      %mul3A_190 = vector.broadcast %mul3A_189 : f32 to vector<16xf32>
      %mul3A_191 = arith.mulf %scan3A_183#0, %mul3A_190 : vector<16xf32>
      %swap3A_192 = arith.index_cast %add3A_188 : i32 to index
      %swap3A_193 = arith.constant 0 : index
      %swap3A_194 = tpu.vector_load %arg14[%swap3A_192, %swap3A_193] {strides = array<i32>} : memref<512x32xf32, #tpu.memory_space<vmem>>, vector<1x16xf32>,
      %swap3A_195 = vector.shape_cast %swap3A_194 : vector<1x16xf32> to vector<16xf32>
      %swap3A_196 = vector.shape_cast %mul3A_191 : vector<16xf32> to vector<1x16xf32>
      tpu.vector_store %arg14[%swap3A_192, %swap3A_193], %swap3A_196 {strides = array<i32>} : memref<512x32xf32, #tpu.memory_space<vmem>>, vector<1x16xf32>,
      %mul3A_197 = arith.constant 2.000000e-02 : f32
      %mul3A_198 = vector.broadcast %mul3A_197 : f32 to vector<16xf32>
      %mul3A_199 = arith.mulf %scan3A_183#1, %mul3A_198 : vector<16xf32>
      %swap3A_200 = arith.index_cast %add3A_188 : i32 to index
      %swap3A_201 = arith.constant 16 : index
      %swap3A_202 = tpu.vector_load %arg14[%swap3A_200, %swap3A_201] {strides = array<i32>} : memref<512x32xf32, #tpu.memory_space<vmem>>, vector<1x16xf32>,
      %swap3A_203 = vector.shape_cast %swap3A_202 : vector<1x16xf32> to vector<16xf32>
      %swap3A_204 = vector.shape_cast %mul3A_199 : vector<16xf32> to vector<1x16xf32>
      tpu.vector_store %arg14[%swap3A_200, %swap3A_201], %swap3A_204 {strides = array<i32>} : memref<512x32xf32, #tpu.memory_space<vmem>>, vector<1x16xf32>,
      %lt3A_205 = arith.constant 31 : i32
      %lt3A_206 = arith.cmpi slt, %scan3A_64, %lt3A_205 : i32
      %convert_element_type3A_207 = arith.extui %lt3A_206 : i1 to i32
      %cond3A_208 = arith.constant 0 : i32
      %cond3A_209 = arith.cmpi ne, %convert_element_type3A_207, %cond3A_208 : i32
      scf.if %cond3A_209 {
        %add3A_661 = arith.constant 8 : i32
        %add3A_662 = arith.addi %add3A_138, %add3A_661 : i32
        %dma_start3A_663 = arith.constant 0 : i32
        %dma_start3A_664 = tpu.memref_slice %arg5[%add3A_662, %dma_start3A_663] : memref<256x100xi32, #tpu.memory_space<vmem>> -> memref<1x100xi32, #tpu.memory_space<vmem>>
        %dma_start3A_665 = tpu.memref_squeeze %dma_start3A_664 : memref<1x100xi32, #tpu.memory_space<vmem>> -> memref<100xi32, #tpu.memory_space<vmem>>
        %dma_start3A_666 = arith.constant 0 : i32
        %dma_start3A_667 = arith.constant 0 : i32
        %dma_start3A_668 = tpu.memref_slice %arg3[%dma_start3A_666, %dma_start3A_667] : memref<1015808x16xi32, #tpu.memory_space<hbm>> -> memref<1015808x16xi32, #tpu.memory_space<hbm>>
        tpu.enqueue_indirect_dma source(%dma_start3A_668 : memref<1015808x16xi32, #tpu.memory_space<hbm>>) target(%arg7 : memref<100x16xi32, #tpu.memory_space<vmem>>) offsets(%dma_start3A_665 : memref<100xi32, #tpu.memory_space<vmem>>) semaphore(%arg16 : memref<!tpu.dma_semaphore, #tpu.memory_space<semaphore_mem>>)
      } else {
      }
      %mul3A_210 = arith.constant 8 : i32
      %mul3A_211 = arith.muli %scan3A_64, %mul3A_210 : i32
      %add3A_212 = arith.constant 2 : i32
      %add3A_213 = arith.addi %mul3A_211, %add3A_212 : i32
      %dma_wait3A_214 = arith.constant 0 : i32
      %dma_wait3A_215 = tpu.memref_slice %arg5[%add3A_213, %dma_wait3A_214] : memref<256x100xi32, #tpu.memory_space<vmem>> -> memref<1x100xi32, #tpu.memory_space<vmem>>
      %dma_wait3A_216 = tpu.memref_squeeze %dma_wait3A_215 : memref<1x100xi32, #tpu.memory_space<vmem>> -> memref<100xi32, #tpu.memory_space<vmem>>
      %dma_wait3A_217 = arith.constant 0 : i32
      %dma_wait3A_218 = arith.constant 0 : i32
      %dma_wait3A_219 = tpu.memref_slice %arg3[%dma_wait3A_217, %dma_wait3A_218] : memref<1015808x16xi32, #tpu.memory_space<hbm>> -> memref<1015808x16xi32, #tpu.memory_space<hbm>>
      tpu.wait_indirect_dma semaphore(%arg17 : memref<!tpu.dma_semaphore, #tpu.memory_space<semaphore_mem>>) src(%dma_wait3A_219 : memref<1015808x16xi32, #tpu.memory_space<hbm>>) dst(%arg8 : memref<100x16xi32, #tpu.memory_space<vmem>>)
      %broadcast_in_dim3A_220 = arith.constant 0.000000e+00 : f32
      %broadcast_in_dim3A_221 = vector.broadcast %broadcast_in_dim3A_220 : f32 to vector<16xf32>
      %broadcast_in_dim3A_222 = arith.constant 0.000000e+00 : f32
      %broadcast_in_dim3A_223 = vector.broadcast %broadcast_in_dim3A_222 : f32 to vector<16xf32>
      %scan3A_224 = arith.constant 0 : i32
      %scan3A_225 = arith.constant 50 : i32
      %scan3A_226 = arith.addi %scan3A_224, %scan3A_225 : i32
      %scan3A_227 = arith.constant 5 : i32
      %scan3A_228:2 = scf.for %scan3A_661 = %scan3A_224 to %scan3A_226 step %scan3A_227 iter_args(%scan3A_662 = %broadcast_in_dim3A_221, %scan3A_663 = %broadcast_in_dim3A_223) -> (vector<16xf32>, vector<16xf32>)  : i32 {
        %add3A_664 = arith.constant 0 : i32
        %add3A_665 = arith.addi %add3A_664, %scan3A_661 : i32
        %get3A = arith.index_cast %add3A_665 : i32 to index
        %get3A_666 = arith.constant 0 : index
        %get3A_667 = tpu.vector_load %arg8[%get3A, %get3A_666] {strides = array<i32>} : memref<100x16xi32, #tpu.memory_space<vmem>>, vector<1x16xi32>,
        %get3A_668 = vector.shape_cast %get3A_667 : vector<1x16xi32> to vector<16xi32>
        %and3A = arith.constant -65536 : i32
        %and3A_669 = vector.broadcast %and3A : i32 to vector<16xi32>
        %and3A_670 = arith.andi %get3A_668, %and3A_669 : vector<16xi32>
        %bitcast_convert_type3A = tpu.bitcast %and3A_670 : vector<16xi32> -> vector<16xf32>
        %shift_left3A = arith.constant 16 : i32
        %shift_left3A_671 = vector.broadcast %shift_left3A : i32 to vector<16xi32>
        %shift_left3A_672 = arith.shli %get3A_668, %shift_left3A_671 : vector<16xi32>
        %bitcast_convert_type3A_673 = tpu.bitcast %shift_left3A_672 : vector<16xi32> -> vector<16xf32>
        %add3A_674 = arith.addf %scan3A_662, %bitcast_convert_type3A : vector<16xf32>
        %add3A_675 = arith.addf %scan3A_663, %bitcast_convert_type3A_673 : vector<16xf32>
        %scan3A_676 = arith.constant 1 : i32
        %scan3A_677 = arith.addi %scan3A_661, %scan3A_676 : i32
        %add3A_678 = arith.constant 0 : i32
        %add3A_679 = arith.addi %add3A_678, %scan3A_677 : i32
        %get3A_680 = arith.index_cast %add3A_679 : i32 to index
        %get3A_681 = arith.constant 0 : index
        %get3A_682 = tpu.vector_load %arg8[%get3A_680, %get3A_681] {strides = array<i32>} : memref<100x16xi32, #tpu.memory_space<vmem>>, vector<1x16xi32>,
        %get3A_683 = vector.shape_cast %get3A_682 : vector<1x16xi32> to vector<16xi32>
        %and3A_684 = arith.constant -65536 : i32
        %and3A_685 = vector.broadcast %and3A_684 : i32 to vector<16xi32>
        %and3A_686 = arith.andi %get3A_683, %and3A_685 : vector<16xi32>
        %bitcast_convert_type3A_687 = tpu.bitcast %and3A_686 : vector<16xi32> -> vector<16xf32>
        %shift_left3A_688 = arith.constant 16 : i32
        %shift_left3A_689 = vector.broadcast %shift_left3A_688 : i32 to vector<16xi32>
        %shift_left3A_690 = arith.shli %get3A_683, %shift_left3A_689 : vector<16xi32>
        %bitcast_convert_type3A_691 = tpu.bitcast %shift_left3A_690 : vector<16xi32> -> vector<16xf32>
        %add3A_692 = arith.addf %add3A_674, %bitcast_convert_type3A_687 : vector<16xf32>
        %add3A_693 = arith.addf %add3A_675, %bitcast_convert_type3A_691 : vector<16xf32>
        %scan3A_694 = arith.constant 2 : i32
        %scan3A_695 = arith.addi %scan3A_661, %scan3A_694 : i32
        %add3A_696 = arith.constant 0 : i32
        %add3A_697 = arith.addi %add3A_696, %scan3A_695 : i32
        %get3A_698 = arith.index_cast %add3A_697 : i32 to index
        %get3A_699 = arith.constant 0 : index
        %get3A_700 = tpu.vector_load %arg8[%get3A_698, %get3A_699] {strides = array<i32>} : memref<100x16xi32, #tpu.memory_space<vmem>>, vector<1x16xi32>,
        %get3A_701 = vector.shape_cast %get3A_700 : vector<1x16xi32> to vector<16xi32>
        %and3A_702 = arith.constant -65536 : i32
        %and3A_703 = vector.broadcast %and3A_702 : i32 to vector<16xi32>
        %and3A_704 = arith.andi %get3A_701, %and3A_703 : vector<16xi32>
        %bitcast_convert_type3A_705 = tpu.bitcast %and3A_704 : vector<16xi32> -> vector<16xf32>
        %shift_left3A_706 = arith.constant 16 : i32
        %shift_left3A_707 = vector.broadcast %shift_left3A_706 : i32 to vector<16xi32>
        %shift_left3A_708 = arith.shli %get3A_701, %shift_left3A_707 : vector<16xi32>
        %bitcast_convert_type3A_709 = tpu.bitcast %shift_left3A_708 : vector<16xi32> -> vector<16xf32>
        %add3A_710 = arith.addf %add3A_692, %bitcast_convert_type3A_705 : vector<16xf32>
        %add3A_711 = arith.addf %add3A_693, %bitcast_convert_type3A_709 : vector<16xf32>
        %scan3A_712 = arith.constant 3 : i32
        %scan3A_713 = arith.addi %scan3A_661, %scan3A_712 : i32
        %add3A_714 = arith.constant 0 : i32
        %add3A_715 = arith.addi %add3A_714, %scan3A_713 : i32
        %get3A_716 = arith.index_cast %add3A_715 : i32 to index
        %get3A_717 = arith.constant 0 : index
        %get3A_718 = tpu.vector_load %arg8[%get3A_716, %get3A_717] {strides = array<i32>} : memref<100x16xi32, #tpu.memory_space<vmem>>, vector<1x16xi32>,
        %get3A_719 = vector.shape_cast %get3A_718 : vector<1x16xi32> to vector<16xi32>
        %and3A_720 = arith.constant -65536 : i32
        %and3A_721 = vector.broadcast %and3A_720 : i32 to vector<16xi32>
        %and3A_722 = arith.andi %get3A_719, %and3A_721 : vector<16xi32>
        %bitcast_convert_type3A_723 = tpu.bitcast %and3A_722 : vector<16xi32> -> vector<16xf32>
        %shift_left3A_724 = arith.constant 16 : i32
        %shift_left3A_725 = vector.broadcast %shift_left3A_724 : i32 to vector<16xi32>
        %shift_left3A_726 = arith.shli %get3A_719, %shift_left3A_725 : vector<16xi32>
        %bitcast_convert_type3A_727 = tpu.bitcast %shift_left3A_726 : vector<16xi32> -> vector<16xf32>
        %add3A_728 = arith.addf %add3A_710, %bitcast_convert_type3A_723 : vector<16xf32>
        %add3A_729 = arith.addf %add3A_711, %bitcast_convert_type3A_727 : vector<16xf32>
        %scan3A_730 = arith.constant 4 : i32
        %scan3A_731 = arith.addi %scan3A_661, %scan3A_730 : i32
        %add3A_732 = arith.constant 0 : i32
        %add3A_733 = arith.addi %add3A_732, %scan3A_731 : i32
        %get3A_734 = arith.index_cast %add3A_733 : i32 to index
        %get3A_735 = arith.constant 0 : index
        %get3A_736 = tpu.vector_load %arg8[%get3A_734, %get3A_735] {strides = array<i32>} : memref<100x16xi32, #tpu.memory_space<vmem>>, vector<1x16xi32>,
        %get3A_737 = vector.shape_cast %get3A_736 : vector<1x16xi32> to vector<16xi32>
        %and3A_738 = arith.constant -65536 : i32
        %and3A_739 = vector.broadcast %and3A_738 : i32 to vector<16xi32>
        %and3A_740 = arith.andi %get3A_737, %and3A_739 : vector<16xi32>
        %bitcast_convert_type3A_741 = tpu.bitcast %and3A_740 : vector<16xi32> -> vector<16xf32>
        %shift_left3A_742 = arith.constant 16 : i32
        %shift_left3A_743 = vector.broadcast %shift_left3A_742 : i32 to vector<16xi32>
        %shift_left3A_744 = arith.shli %get3A_737, %shift_left3A_743 : vector<16xi32>
        %bitcast_convert_type3A_745 = tpu.bitcast %shift_left3A_744 : vector<16xi32> -> vector<16xf32>
        %add3A_746 = arith.addf %add3A_728, %bitcast_convert_type3A_741 : vector<16xf32>
        %add3A_747 = arith.addf %add3A_729, %bitcast_convert_type3A_745 : vector<16xf32>
        scf.yield %add3A_746, %add3A_747 : vector<16xf32>, vector<16xf32>
      }
      %scan3A_229 = arith.constant 50 : i32
      %mul3A_230 = arith.constant 2 : i32
      %mul3A_231 = arith.muli %add3A_213, %mul3A_230 : i32
      %add3A_232 = arith.constant 0 : i32
      %add3A_233 = arith.addi %mul3A_231, %add3A_232 : i32
      %mul3A_234 = arith.constant 2.000000e-02 : f32
      %mul3A_235 = vector.broadcast %mul3A_234 : f32 to vector<16xf32>
      %mul3A_236 = arith.mulf %scan3A_228#0, %mul3A_235 : vector<16xf32>
      %swap3A_237 = arith.index_cast %add3A_233 : i32 to index
      %swap3A_238 = arith.constant 0 : index
      %swap3A_239 = tpu.vector_load %arg14[%swap3A_237, %swap3A_238] {strides = array<i32>} : memref<512x32xf32, #tpu.memory_space<vmem>>, vector<1x16xf32>,
      %swap3A_240 = vector.shape_cast %swap3A_239 : vector<1x16xf32> to vector<16xf32>
      %swap3A_241 = vector.shape_cast %mul3A_236 : vector<16xf32> to vector<1x16xf32>
      tpu.vector_store %arg14[%swap3A_237, %swap3A_238], %swap3A_241 {strides = array<i32>} : memref<512x32xf32, #tpu.memory_space<vmem>>, vector<1x16xf32>,
      %mul3A_242 = arith.constant 2.000000e-02 : f32
      %mul3A_243 = vector.broadcast %mul3A_242 : f32 to vector<16xf32>
      %mul3A_244 = arith.mulf %scan3A_228#1, %mul3A_243 : vector<16xf32>
      %swap3A_245 = arith.index_cast %add3A_233 : i32 to index
      %swap3A_246 = arith.constant 16 : index
      %swap3A_247 = tpu.vector_load %arg14[%swap3A_245, %swap3A_246] {strides = array<i32>} : memref<512x32xf32, #tpu.memory_space<vmem>>, vector<1x16xf32>,
      %swap3A_248 = vector.shape_cast %swap3A_247 : vector<1x16xf32> to vector<16xf32>
      %swap3A_249 = vector.shape_cast %mul3A_244 : vector<16xf32> to vector<1x16xf32>
      tpu.vector_store %arg14[%swap3A_245, %swap3A_246], %swap3A_249 {strides = array<i32>} : memref<512x32xf32, #tpu.memory_space<vmem>>, vector<1x16xf32>,
      %broadcast_in_dim3A_250 = arith.constant 0.000000e+00 : f32
      %broadcast_in_dim3A_251 = vector.broadcast %broadcast_in_dim3A_250 : f32 to vector<16xf32>
      %broadcast_in_dim3A_252 = arith.constant 0.000000e+00 : f32
      %broadcast_in_dim3A_253 = vector.broadcast %broadcast_in_dim3A_252 : f32 to vector<16xf32>
      %scan3A_254 = arith.constant 0 : i32
      %scan3A_255 = arith.constant 50 : i32
      %scan3A_256 = arith.addi %scan3A_254, %scan3A_255 : i32
      %scan3A_257 = arith.constant 5 : i32
      %scan3A_258:2 = scf.for %scan3A_661 = %scan3A_254 to %scan3A_256 step %scan3A_257 iter_args(%scan3A_662 = %broadcast_in_dim3A_251, %scan3A_663 = %broadcast_in_dim3A_253) -> (vector<16xf32>, vector<16xf32>)  : i32 {
        %add3A_664 = arith.constant 50 : i32
        %add3A_665 = arith.addi %add3A_664, %scan3A_661 : i32
        %get3A = arith.index_cast %add3A_665 : i32 to index
        %get3A_666 = arith.constant 0 : index
        %get3A_667 = tpu.vector_load %arg8[%get3A, %get3A_666] {strides = array<i32>} : memref<100x16xi32, #tpu.memory_space<vmem>>, vector<1x16xi32>,
        %get3A_668 = vector.shape_cast %get3A_667 : vector<1x16xi32> to vector<16xi32>
        %and3A = arith.constant -65536 : i32
        %and3A_669 = vector.broadcast %and3A : i32 to vector<16xi32>
        %and3A_670 = arith.andi %get3A_668, %and3A_669 : vector<16xi32>
        %bitcast_convert_type3A = tpu.bitcast %and3A_670 : vector<16xi32> -> vector<16xf32>
        %shift_left3A = arith.constant 16 : i32
        %shift_left3A_671 = vector.broadcast %shift_left3A : i32 to vector<16xi32>
        %shift_left3A_672 = arith.shli %get3A_668, %shift_left3A_671 : vector<16xi32>
        %bitcast_convert_type3A_673 = tpu.bitcast %shift_left3A_672 : vector<16xi32> -> vector<16xf32>
        %add3A_674 = arith.addf %scan3A_662, %bitcast_convert_type3A : vector<16xf32>
        %add3A_675 = arith.addf %scan3A_663, %bitcast_convert_type3A_673 : vector<16xf32>
        %scan3A_676 = arith.constant 1 : i32
        %scan3A_677 = arith.addi %scan3A_661, %scan3A_676 : i32
        %add3A_678 = arith.constant 50 : i32
        %add3A_679 = arith.addi %add3A_678, %scan3A_677 : i32
        %get3A_680 = arith.index_cast %add3A_679 : i32 to index
        %get3A_681 = arith.constant 0 : index
        %get3A_682 = tpu.vector_load %arg8[%get3A_680, %get3A_681] {strides = array<i32>} : memref<100x16xi32, #tpu.memory_space<vmem>>, vector<1x16xi32>,
        %get3A_683 = vector.shape_cast %get3A_682 : vector<1x16xi32> to vector<16xi32>
        %and3A_684 = arith.constant -65536 : i32
        %and3A_685 = vector.broadcast %and3A_684 : i32 to vector<16xi32>
        %and3A_686 = arith.andi %get3A_683, %and3A_685 : vector<16xi32>
        %bitcast_convert_type3A_687 = tpu.bitcast %and3A_686 : vector<16xi32> -> vector<16xf32>
        %shift_left3A_688 = arith.constant 16 : i32
        %shift_left3A_689 = vector.broadcast %shift_left3A_688 : i32 to vector<16xi32>
        %shift_left3A_690 = arith.shli %get3A_683, %shift_left3A_689 : vector<16xi32>
        %bitcast_convert_type3A_691 = tpu.bitcast %shift_left3A_690 : vector<16xi32> -> vector<16xf32>
        %add3A_692 = arith.addf %add3A_674, %bitcast_convert_type3A_687 : vector<16xf32>
        %add3A_693 = arith.addf %add3A_675, %bitcast_convert_type3A_691 : vector<16xf32>
        %scan3A_694 = arith.constant 2 : i32
        %scan3A_695 = arith.addi %scan3A_661, %scan3A_694 : i32
        %add3A_696 = arith.constant 50 : i32
        %add3A_697 = arith.addi %add3A_696, %scan3A_695 : i32
        %get3A_698 = arith.index_cast %add3A_697 : i32 to index
        %get3A_699 = arith.constant 0 : index
        %get3A_700 = tpu.vector_load %arg8[%get3A_698, %get3A_699] {strides = array<i32>} : memref<100x16xi32, #tpu.memory_space<vmem>>, vector<1x16xi32>,
        %get3A_701 = vector.shape_cast %get3A_700 : vector<1x16xi32> to vector<16xi32>
        %and3A_702 = arith.constant -65536 : i32
        %and3A_703 = vector.broadcast %and3A_702 : i32 to vector<16xi32>
        %and3A_704 = arith.andi %get3A_701, %and3A_703 : vector<16xi32>
        %bitcast_convert_type3A_705 = tpu.bitcast %and3A_704 : vector<16xi32> -> vector<16xf32>
        %shift_left3A_706 = arith.constant 16 : i32
        %shift_left3A_707 = vector.broadcast %shift_left3A_706 : i32 to vector<16xi32>
        %shift_left3A_708 = arith.shli %get3A_701, %shift_left3A_707 : vector<16xi32>
        %bitcast_convert_type3A_709 = tpu.bitcast %shift_left3A_708 : vector<16xi32> -> vector<16xf32>
        %add3A_710 = arith.addf %add3A_692, %bitcast_convert_type3A_705 : vector<16xf32>
        %add3A_711 = arith.addf %add3A_693, %bitcast_convert_type3A_709 : vector<16xf32>
        %scan3A_712 = arith.constant 3 : i32
        %scan3A_713 = arith.addi %scan3A_661, %scan3A_712 : i32
        %add3A_714 = arith.constant 50 : i32
        %add3A_715 = arith.addi %add3A_714, %scan3A_713 : i32
        %get3A_716 = arith.index_cast %add3A_715 : i32 to index
        %get3A_717 = arith.constant 0 : index
        %get3A_718 = tpu.vector_load %arg8[%get3A_716, %get3A_717] {strides = array<i32>} : memref<100x16xi32, #tpu.memory_space<vmem>>, vector<1x16xi32>,
        %get3A_719 = vector.shape_cast %get3A_718 : vector<1x16xi32> to vector<16xi32>
        %and3A_720 = arith.constant -65536 : i32
        %and3A_721 = vector.broadcast %and3A_720 : i32 to vector<16xi32>
        %and3A_722 = arith.andi %get3A_719, %and3A_721 : vector<16xi32>
        %bitcast_convert_type3A_723 = tpu.bitcast %and3A_722 : vector<16xi32> -> vector<16xf32>
        %shift_left3A_724 = arith.constant 16 : i32
        %shift_left3A_725 = vector.broadcast %shift_left3A_724 : i32 to vector<16xi32>
        %shift_left3A_726 = arith.shli %get3A_719, %shift_left3A_725 : vector<16xi32>
        %bitcast_convert_type3A_727 = tpu.bitcast %shift_left3A_726 : vector<16xi32> -> vector<16xf32>
        %add3A_728 = arith.addf %add3A_710, %bitcast_convert_type3A_723 : vector<16xf32>
        %add3A_729 = arith.addf %add3A_711, %bitcast_convert_type3A_727 : vector<16xf32>
        %scan3A_730 = arith.constant 4 : i32
        %scan3A_731 = arith.addi %scan3A_661, %scan3A_730 : i32
        %add3A_732 = arith.constant 50 : i32
        %add3A_733 = arith.addi %add3A_732, %scan3A_731 : i32
        %get3A_734 = arith.index_cast %add3A_733 : i32 to index
        %get3A_735 = arith.constant 0 : index
        %get3A_736 = tpu.vector_load %arg8[%get3A_734, %get3A_735] {strides = array<i32>} : memref<100x16xi32, #tpu.memory_space<vmem>>, vector<1x16xi32>,
        %get3A_737 = vector.shape_cast %get3A_736 : vector<1x16xi32> to vector<16xi32>
        %and3A_738 = arith.constant -65536 : i32
        %and3A_739 = vector.broadcast %and3A_738 : i32 to vector<16xi32>
        %and3A_740 = arith.andi %get3A_737, %and3A_739 : vector<16xi32>
        %bitcast_convert_type3A_741 = tpu.bitcast %and3A_740 : vector<16xi32> -> vector<16xf32>
        %shift_left3A_742 = arith.constant 16 : i32
        %shift_left3A_743 = vector.broadcast %shift_left3A_742 : i32 to vector<16xi32>
        %shift_left3A_744 = arith.shli %get3A_737, %shift_left3A_743 : vector<16xi32>
        %bitcast_convert_type3A_745 = tpu.bitcast %shift_left3A_744 : vector<16xi32> -> vector<16xf32>
        %add3A_746 = arith.addf %add3A_728, %bitcast_convert_type3A_741 : vector<16xf32>
        %add3A_747 = arith.addf %add3A_729, %bitcast_convert_type3A_745 : vector<16xf32>
        scf.yield %add3A_746, %add3A_747 : vector<16xf32>, vector<16xf32>
      }
      %scan3A_259 = arith.constant 50 : i32
      %mul3A_260 = arith.constant 2 : i32
      %mul3A_261 = arith.muli %add3A_213, %mul3A_260 : i32
      %add3A_262 = arith.constant 1 : i32
      %add3A_263 = arith.addi %mul3A_261, %add3A_262 : i32
      %mul3A_264 = arith.constant 2.000000e-02 : f32
      %mul3A_265 = vector.broadcast %mul3A_264 : f32 to vector<16xf32>
      %mul3A_266 = arith.mulf %scan3A_258#0, %mul3A_265 : vector<16xf32>
      %swap3A_267 = arith.index_cast %add3A_263 : i32 to index
      %swap3A_268 = arith.constant 0 : index
      %swap3A_269 = tpu.vector_load %arg14[%swap3A_267, %swap3A_268] {strides = array<i32>} : memref<512x32xf32, #tpu.memory_space<vmem>>, vector<1x16xf32>,
      %swap3A_270 = vector.shape_cast %swap3A_269 : vector<1x16xf32> to vector<16xf32>
      %swap3A_271 = vector.shape_cast %mul3A_266 : vector<16xf32> to vector<1x16xf32>
      tpu.vector_store %arg14[%swap3A_267, %swap3A_268], %swap3A_271 {strides = array<i32>} : memref<512x32xf32, #tpu.memory_space<vmem>>, vector<1x16xf32>,
      %mul3A_272 = arith.constant 2.000000e-02 : f32
      %mul3A_273 = vector.broadcast %mul3A_272 : f32 to vector<16xf32>
      %mul3A_274 = arith.mulf %scan3A_258#1, %mul3A_273 : vector<16xf32>
      %swap3A_275 = arith.index_cast %add3A_263 : i32 to index
      %swap3A_276 = arith.constant 16 : index
      %swap3A_277 = tpu.vector_load %arg14[%swap3A_275, %swap3A_276] {strides = array<i32>} : memref<512x32xf32, #tpu.memory_space<vmem>>, vector<1x16xf32>,
      %swap3A_278 = vector.shape_cast %swap3A_277 : vector<1x16xf32> to vector<16xf32>
      %swap3A_279 = vector.shape_cast %mul3A_274 : vector<16xf32> to vector<1x16xf32>
      tpu.vector_store %arg14[%swap3A_275, %swap3A_276], %swap3A_279 {strides = array<i32>} : memref<512x32xf32, #tpu.memory_space<vmem>>, vector<1x16xf32>,
      %lt3A_280 = arith.constant 31 : i32
      %lt3A_281 = arith.cmpi slt, %scan3A_64, %lt3A_280 : i32
      %convert_element_type3A_282 = arith.extui %lt3A_281 : i1 to i32
      %cond3A_283 = arith.constant 0 : i32
      %cond3A_284 = arith.cmpi ne, %convert_element_type3A_282, %cond3A_283 : i32
      scf.if %cond3A_284 {
        %add3A_661 = arith.constant 8 : i32
        %add3A_662 = arith.addi %add3A_213, %add3A_661 : i32
        %dma_start3A_663 = arith.constant 0 : i32
        %dma_start3A_664 = tpu.memref_slice %arg5[%add3A_662, %dma_start3A_663] : memref<256x100xi32, #tpu.memory_space<vmem>> -> memref<1x100xi32, #tpu.memory_space<vmem>>
        %dma_start3A_665 = tpu.memref_squeeze %dma_start3A_664 : memref<1x100xi32, #tpu.memory_space<vmem>> -> memref<100xi32, #tpu.memory_space<vmem>>
        %dma_start3A_666 = arith.constant 0 : i32
        %dma_start3A_667 = arith.constant 0 : i32
        %dma_start3A_668 = tpu.memref_slice %arg3[%dma_start3A_666, %dma_start3A_667] : memref<1015808x16xi32, #tpu.memory_space<hbm>> -> memref<1015808x16xi32, #tpu.memory_space<hbm>>
        tpu.enqueue_indirect_dma source(%dma_start3A_668 : memref<1015808x16xi32, #tpu.memory_space<hbm>>) target(%arg8 : memref<100x16xi32, #tpu.memory_space<vmem>>) offsets(%dma_start3A_665 : memref<100xi32, #tpu.memory_space<vmem>>) semaphore(%arg17 : memref<!tpu.dma_semaphore, #tpu.memory_space<semaphore_mem>>)
      } else {
      }
      %mul3A_285 = arith.constant 8 : i32
      %mul3A_286 = arith.muli %scan3A_64, %mul3A_285 : i32
      %add3A_287 = arith.constant 3 : i32
      %add3A_288 = arith.addi %mul3A_286, %add3A_287 : i32
      %dma_wait3A_289 = arith.constant 0 : i32
      %dma_wait3A_290 = tpu.memref_slice %arg5[%add3A_288, %dma_wait3A_289] : memref<256x100xi32, #tpu.memory_space<vmem>> -> memref<1x100xi32, #tpu.memory_space<vmem>>
      %dma_wait3A_291 = tpu.memref_squeeze %dma_wait3A_290 : memref<1x100xi32, #tpu.memory_space<vmem>> -> memref<100xi32, #tpu.memory_space<vmem>>
      %dma_wait3A_292 = arith.constant 0 : i32
      %dma_wait3A_293 = arith.constant 0 : i32
      %dma_wait3A_294 = tpu.memref_slice %arg3[%dma_wait3A_292, %dma_wait3A_293] : memref<1015808x16xi32, #tpu.memory_space<hbm>> -> memref<1015808x16xi32, #tpu.memory_space<hbm>>
      tpu.wait_indirect_dma semaphore(%arg18 : memref<!tpu.dma_semaphore, #tpu.memory_space<semaphore_mem>>) src(%dma_wait3A_294 : memref<1015808x16xi32, #tpu.memory_space<hbm>>) dst(%arg9 : memref<100x16xi32, #tpu.memory_space<vmem>>)
      %broadcast_in_dim3A_295 = arith.constant 0.000000e+00 : f32
      %broadcast_in_dim3A_296 = vector.broadcast %broadcast_in_dim3A_295 : f32 to vector<16xf32>
      %broadcast_in_dim3A_297 = arith.constant 0.000000e+00 : f32
      %broadcast_in_dim3A_298 = vector.broadcast %broadcast_in_dim3A_297 : f32 to vector<16xf32>
      %scan3A_299 = arith.constant 0 : i32
      %scan3A_300 = arith.constant 50 : i32
      %scan3A_301 = arith.addi %scan3A_299, %scan3A_300 : i32
      %scan3A_302 = arith.constant 5 : i32
      %scan3A_303:2 = scf.for %scan3A_661 = %scan3A_299 to %scan3A_301 step %scan3A_302 iter_args(%scan3A_662 = %broadcast_in_dim3A_296, %scan3A_663 = %broadcast_in_dim3A_298) -> (vector<16xf32>, vector<16xf32>)  : i32 {
        %add3A_664 = arith.constant 0 : i32
        %add3A_665 = arith.addi %add3A_664, %scan3A_661 : i32
        %get3A = arith.index_cast %add3A_665 : i32 to index
        %get3A_666 = arith.constant 0 : index
        %get3A_667 = tpu.vector_load %arg9[%get3A, %get3A_666] {strides = array<i32>} : memref<100x16xi32, #tpu.memory_space<vmem>>, vector<1x16xi32>,
        %get3A_668 = vector.shape_cast %get3A_667 : vector<1x16xi32> to vector<16xi32>
        %and3A = arith.constant -65536 : i32
        %and3A_669 = vector.broadcast %and3A : i32 to vector<16xi32>
        %and3A_670 = arith.andi %get3A_668, %and3A_669 : vector<16xi32>
        %bitcast_convert_type3A = tpu.bitcast %and3A_670 : vector<16xi32> -> vector<16xf32>
        %shift_left3A = arith.constant 16 : i32
        %shift_left3A_671 = vector.broadcast %shift_left3A : i32 to vector<16xi32>
        %shift_left3A_672 = arith.shli %get3A_668, %shift_left3A_671 : vector<16xi32>
        %bitcast_convert_type3A_673 = tpu.bitcast %shift_left3A_672 : vector<16xi32> -> vector<16xf32>
        %add3A_674 = arith.addf %scan3A_662, %bitcast_convert_type3A : vector<16xf32>
        %add3A_675 = arith.addf %scan3A_663, %bitcast_convert_type3A_673 : vector<16xf32>
        %scan3A_676 = arith.constant 1 : i32
        %scan3A_677 = arith.addi %scan3A_661, %scan3A_676 : i32
        %add3A_678 = arith.constant 0 : i32
        %add3A_679 = arith.addi %add3A_678, %scan3A_677 : i32
        %get3A_680 = arith.index_cast %add3A_679 : i32 to index
        %get3A_681 = arith.constant 0 : index
        %get3A_682 = tpu.vector_load %arg9[%get3A_680, %get3A_681] {strides = array<i32>} : memref<100x16xi32, #tpu.memory_space<vmem>>, vector<1x16xi32>,
        %get3A_683 = vector.shape_cast %get3A_682 : vector<1x16xi32> to vector<16xi32>
        %and3A_684 = arith.constant -65536 : i32
        %and3A_685 = vector.broadcast %and3A_684 : i32 to vector<16xi32>
        %and3A_686 = arith.andi %get3A_683, %and3A_685 : vector<16xi32>
        %bitcast_convert_type3A_687 = tpu.bitcast %and3A_686 : vector<16xi32> -> vector<16xf32>
        %shift_left3A_688 = arith.constant 16 : i32
        %shift_left3A_689 = vector.broadcast %shift_left3A_688 : i32 to vector<16xi32>
        %shift_left3A_690 = arith.shli %get3A_683, %shift_left3A_689 : vector<16xi32>
        %bitcast_convert_type3A_691 = tpu.bitcast %shift_left3A_690 : vector<16xi32> -> vector<16xf32>
        %add3A_692 = arith.addf %add3A_674, %bitcast_convert_type3A_687 : vector<16xf32>
        %add3A_693 = arith.addf %add3A_675, %bitcast_convert_type3A_691 : vector<16xf32>
        %scan3A_694 = arith.constant 2 : i32
        %scan3A_695 = arith.addi %scan3A_661, %scan3A_694 : i32
        %add3A_696 = arith.constant 0 : i32
        %add3A_697 = arith.addi %add3A_696, %scan3A_695 : i32
        %get3A_698 = arith.index_cast %add3A_697 : i32 to index
        %get3A_699 = arith.constant 0 : index
        %get3A_700 = tpu.vector_load %arg9[%get3A_698, %get3A_699] {strides = array<i32>} : memref<100x16xi32, #tpu.memory_space<vmem>>, vector<1x16xi32>,
        %get3A_701 = vector.shape_cast %get3A_700 : vector<1x16xi32> to vector<16xi32>
        %and3A_702 = arith.constant -65536 : i32
        %and3A_703 = vector.broadcast %and3A_702 : i32 to vector<16xi32>
        %and3A_704 = arith.andi %get3A_701, %and3A_703 : vector<16xi32>
        %bitcast_convert_type3A_705 = tpu.bitcast %and3A_704 : vector<16xi32> -> vector<16xf32>
        %shift_left3A_706 = arith.constant 16 : i32
        %shift_left3A_707 = vector.broadcast %shift_left3A_706 : i32 to vector<16xi32>
        %shift_left3A_708 = arith.shli %get3A_701, %shift_left3A_707 : vector<16xi32>
        %bitcast_convert_type3A_709 = tpu.bitcast %shift_left3A_708 : vector<16xi32> -> vector<16xf32>
        %add3A_710 = arith.addf %add3A_692, %bitcast_convert_type3A_705 : vector<16xf32>
        %add3A_711 = arith.addf %add3A_693, %bitcast_convert_type3A_709 : vector<16xf32>
        %scan3A_712 = arith.constant 3 : i32
        %scan3A_713 = arith.addi %scan3A_661, %scan3A_712 : i32
        %add3A_714 = arith.constant 0 : i32
        %add3A_715 = arith.addi %add3A_714, %scan3A_713 : i32
        %get3A_716 = arith.index_cast %add3A_715 : i32 to index
        %get3A_717 = arith.constant 0 : index
        %get3A_718 = tpu.vector_load %arg9[%get3A_716, %get3A_717] {strides = array<i32>} : memref<100x16xi32, #tpu.memory_space<vmem>>, vector<1x16xi32>,
        %get3A_719 = vector.shape_cast %get3A_718 : vector<1x16xi32> to vector<16xi32>
        %and3A_720 = arith.constant -65536 : i32
        %and3A_721 = vector.broadcast %and3A_720 : i32 to vector<16xi32>
        %and3A_722 = arith.andi %get3A_719, %and3A_721 : vector<16xi32>
        %bitcast_convert_type3A_723 = tpu.bitcast %and3A_722 : vector<16xi32> -> vector<16xf32>
        %shift_left3A_724 = arith.constant 16 : i32
        %shift_left3A_725 = vector.broadcast %shift_left3A_724 : i32 to vector<16xi32>
        %shift_left3A_726 = arith.shli %get3A_719, %shift_left3A_725 : vector<16xi32>
        %bitcast_convert_type3A_727 = tpu.bitcast %shift_left3A_726 : vector<16xi32> -> vector<16xf32>
        %add3A_728 = arith.addf %add3A_710, %bitcast_convert_type3A_723 : vector<16xf32>
        %add3A_729 = arith.addf %add3A_711, %bitcast_convert_type3A_727 : vector<16xf32>
        %scan3A_730 = arith.constant 4 : i32
        %scan3A_731 = arith.addi %scan3A_661, %scan3A_730 : i32
        %add3A_732 = arith.constant 0 : i32
        %add3A_733 = arith.addi %add3A_732, %scan3A_731 : i32
        %get3A_734 = arith.index_cast %add3A_733 : i32 to index
        %get3A_735 = arith.constant 0 : index
        %get3A_736 = tpu.vector_load %arg9[%get3A_734, %get3A_735] {strides = array<i32>} : memref<100x16xi32, #tpu.memory_space<vmem>>, vector<1x16xi32>,
        %get3A_737 = vector.shape_cast %get3A_736 : vector<1x16xi32> to vector<16xi32>
        %and3A_738 = arith.constant -65536 : i32
        %and3A_739 = vector.broadcast %and3A_738 : i32 to vector<16xi32>
        %and3A_740 = arith.andi %get3A_737, %and3A_739 : vector<16xi32>
        %bitcast_convert_type3A_741 = tpu.bitcast %and3A_740 : vector<16xi32> -> vector<16xf32>
        %shift_left3A_742 = arith.constant 16 : i32
        %shift_left3A_743 = vector.broadcast %shift_left3A_742 : i32 to vector<16xi32>
        %shift_left3A_744 = arith.shli %get3A_737, %shift_left3A_743 : vector<16xi32>
        %bitcast_convert_type3A_745 = tpu.bitcast %shift_left3A_744 : vector<16xi32> -> vector<16xf32>
        %add3A_746 = arith.addf %add3A_728, %bitcast_convert_type3A_741 : vector<16xf32>
        %add3A_747 = arith.addf %add3A_729, %bitcast_convert_type3A_745 : vector<16xf32>
        scf.yield %add3A_746, %add3A_747 : vector<16xf32>, vector<16xf32>
      }
      %scan3A_304 = arith.constant 50 : i32
      %mul3A_305 = arith.constant 2 : i32
      %mul3A_306 = arith.muli %add3A_288, %mul3A_305 : i32
      %add3A_307 = arith.constant 0 : i32
      %add3A_308 = arith.addi %mul3A_306, %add3A_307 : i32
      %mul3A_309 = arith.constant 2.000000e-02 : f32
      %mul3A_310 = vector.broadcast %mul3A_309 : f32 to vector<16xf32>
      %mul3A_311 = arith.mulf %scan3A_303#0, %mul3A_310 : vector<16xf32>
      %swap3A_312 = arith.index_cast %add3A_308 : i32 to index
      %swap3A_313 = arith.constant 0 : index
      %swap3A_314 = tpu.vector_load %arg14[%swap3A_312, %swap3A_313] {strides = array<i32>} : memref<512x32xf32, #tpu.memory_space<vmem>>, vector<1x16xf32>,
      %swap3A_315 = vector.shape_cast %swap3A_314 : vector<1x16xf32> to vector<16xf32>
      %swap3A_316 = vector.shape_cast %mul3A_311 : vector<16xf32> to vector<1x16xf32>
      tpu.vector_store %arg14[%swap3A_312, %swap3A_313], %swap3A_316 {strides = array<i32>} : memref<512x32xf32, #tpu.memory_space<vmem>>, vector<1x16xf32>,
      %mul3A_317 = arith.constant 2.000000e-02 : f32
      %mul3A_318 = vector.broadcast %mul3A_317 : f32 to vector<16xf32>
      %mul3A_319 = arith.mulf %scan3A_303#1, %mul3A_318 : vector<16xf32>
      %swap3A_320 = arith.index_cast %add3A_308 : i32 to index
      %swap3A_321 = arith.constant 16 : index
      %swap3A_322 = tpu.vector_load %arg14[%swap3A_320, %swap3A_321] {strides = array<i32>} : memref<512x32xf32, #tpu.memory_space<vmem>>, vector<1x16xf32>,
      %swap3A_323 = vector.shape_cast %swap3A_322 : vector<1x16xf32> to vector<16xf32>
      %swap3A_324 = vector.shape_cast %mul3A_319 : vector<16xf32> to vector<1x16xf32>
      tpu.vector_store %arg14[%swap3A_320, %swap3A_321], %swap3A_324 {strides = array<i32>} : memref<512x32xf32, #tpu.memory_space<vmem>>, vector<1x16xf32>,
      %broadcast_in_dim3A_325 = arith.constant 0.000000e+00 : f32
      %broadcast_in_dim3A_326 = vector.broadcast %broadcast_in_dim3A_325 : f32 to vector<16xf32>
      %broadcast_in_dim3A_327 = arith.constant 0.000000e+00 : f32
      %broadcast_in_dim3A_328 = vector.broadcast %broadcast_in_dim3A_327 : f32 to vector<16xf32>
      %scan3A_329 = arith.constant 0 : i32
      %scan3A_330 = arith.constant 50 : i32
      %scan3A_331 = arith.addi %scan3A_329, %scan3A_330 : i32
      %scan3A_332 = arith.constant 5 : i32
      %scan3A_333:2 = scf.for %scan3A_661 = %scan3A_329 to %scan3A_331 step %scan3A_332 iter_args(%scan3A_662 = %broadcast_in_dim3A_326, %scan3A_663 = %broadcast_in_dim3A_328) -> (vector<16xf32>, vector<16xf32>)  : i32 {
        %add3A_664 = arith.constant 50 : i32
        %add3A_665 = arith.addi %add3A_664, %scan3A_661 : i32
        %get3A = arith.index_cast %add3A_665 : i32 to index
        %get3A_666 = arith.constant 0 : index
        %get3A_667 = tpu.vector_load %arg9[%get3A, %get3A_666] {strides = array<i32>} : memref<100x16xi32, #tpu.memory_space<vmem>>, vector<1x16xi32>,
        %get3A_668 = vector.shape_cast %get3A_667 : vector<1x16xi32> to vector<16xi32>
        %and3A = arith.constant -65536 : i32
        %and3A_669 = vector.broadcast %and3A : i32 to vector<16xi32>
        %and3A_670 = arith.andi %get3A_668, %and3A_669 : vector<16xi32>
        %bitcast_convert_type3A = tpu.bitcast %and3A_670 : vector<16xi32> -> vector<16xf32>
        %shift_left3A = arith.constant 16 : i32
        %shift_left3A_671 = vector.broadcast %shift_left3A : i32 to vector<16xi32>
        %shift_left3A_672 = arith.shli %get3A_668, %shift_left3A_671 : vector<16xi32>
        %bitcast_convert_type3A_673 = tpu.bitcast %shift_left3A_672 : vector<16xi32> -> vector<16xf32>
        %add3A_674 = arith.addf %scan3A_662, %bitcast_convert_type3A : vector<16xf32>
        %add3A_675 = arith.addf %scan3A_663, %bitcast_convert_type3A_673 : vector<16xf32>
        %scan3A_676 = arith.constant 1 : i32
        %scan3A_677 = arith.addi %scan3A_661, %scan3A_676 : i32
        %add3A_678 = arith.constant 50 : i32
        %add3A_679 = arith.addi %add3A_678, %scan3A_677 : i32
        %get3A_680 = arith.index_cast %add3A_679 : i32 to index
        %get3A_681 = arith.constant 0 : index
        %get3A_682 = tpu.vector_load %arg9[%get3A_680, %get3A_681] {strides = array<i32>} : memref<100x16xi32, #tpu.memory_space<vmem>>, vector<1x16xi32>,
        %get3A_683 = vector.shape_cast %get3A_682 : vector<1x16xi32> to vector<16xi32>
        %and3A_684 = arith.constant -65536 : i32
        %and3A_685 = vector.broadcast %and3A_684 : i32 to vector<16xi32>
        %and3A_686 = arith.andi %get3A_683, %and3A_685 : vector<16xi32>
        %bitcast_convert_type3A_687 = tpu.bitcast %and3A_686 : vector<16xi32> -> vector<16xf32>
        %shift_left3A_688 = arith.constant 16 : i32
        %shift_left3A_689 = vector.broadcast %shift_left3A_688 : i32 to vector<16xi32>
        %shift_left3A_690 = arith.shli %get3A_683, %shift_left3A_689 : vector<16xi32>
        %bitcast_convert_type3A_691 = tpu.bitcast %shift_left3A_690 : vector<16xi32> -> vector<16xf32>
        %add3A_692 = arith.addf %add3A_674, %bitcast_convert_type3A_687 : vector<16xf32>
        %add3A_693 = arith.addf %add3A_675, %bitcast_convert_type3A_691 : vector<16xf32>
        %scan3A_694 = arith.constant 2 : i32
        %scan3A_695 = arith.addi %scan3A_661, %scan3A_694 : i32
        %add3A_696 = arith.constant 50 : i32
        %add3A_697 = arith.addi %add3A_696, %scan3A_695 : i32
        %get3A_698 = arith.index_cast %add3A_697 : i32 to index
        %get3A_699 = arith.constant 0 : index
        %get3A_700 = tpu.vector_load %arg9[%get3A_698, %get3A_699] {strides = array<i32>} : memref<100x16xi32, #tpu.memory_space<vmem>>, vector<1x16xi32>,
        %get3A_701 = vector.shape_cast %get3A_700 : vector<1x16xi32> to vector<16xi32>
        %and3A_702 = arith.constant -65536 : i32
        %and3A_703 = vector.broadcast %and3A_702 : i32 to vector<16xi32>
        %and3A_704 = arith.andi %get3A_701, %and3A_703 : vector<16xi32>
        %bitcast_convert_type3A_705 = tpu.bitcast %and3A_704 : vector<16xi32> -> vector<16xf32>
        %shift_left3A_706 = arith.constant 16 : i32
        %shift_left3A_707 = vector.broadcast %shift_left3A_706 : i32 to vector<16xi32>
        %shift_left3A_708 = arith.shli %get3A_701, %shift_left3A_707 : vector<16xi32>
        %bitcast_convert_type3A_709 = tpu.bitcast %shift_left3A_708 : vector<16xi32> -> vector<16xf32>
        %add3A_710 = arith.addf %add3A_692, %bitcast_convert_type3A_705 : vector<16xf32>
        %add3A_711 = arith.addf %add3A_693, %bitcast_convert_type3A_709 : vector<16xf32>
        %scan3A_712 = arith.constant 3 : i32
        %scan3A_713 = arith.addi %scan3A_661, %scan3A_712 : i32
        %add3A_714 = arith.constant 50 : i32
        %add3A_715 = arith.addi %add3A_714, %scan3A_713 : i32
        %get3A_716 = arith.index_cast %add3A_715 : i32 to index
        %get3A_717 = arith.constant 0 : index
        %get3A_718 = tpu.vector_load %arg9[%get3A_716, %get3A_717] {strides = array<i32>} : memref<100x16xi32, #tpu.memory_space<vmem>>, vector<1x16xi32>,
        %get3A_719 = vector.shape_cast %get3A_718 : vector<1x16xi32> to vector<16xi32>
        %and3A_720 = arith.constant -65536 : i32
        %and3A_721 = vector.broadcast %and3A_720 : i32 to vector<16xi32>
        %and3A_722 = arith.andi %get3A_719, %and3A_721 : vector<16xi32>
        %bitcast_convert_type3A_723 = tpu.bitcast %and3A_722 : vector<16xi32> -> vector<16xf32>
        %shift_left3A_724 = arith.constant 16 : i32
        %shift_left3A_725 = vector.broadcast %shift_left3A_724 : i32 to vector<16xi32>
        %shift_left3A_726 = arith.shli %get3A_719, %shift_left3A_725 : vector<16xi32>
        %bitcast_convert_type3A_727 = tpu.bitcast %shift_left3A_726 : vector<16xi32> -> vector<16xf32>
        %add3A_728 = arith.addf %add3A_710, %bitcast_convert_type3A_723 : vector<16xf32>
        %add3A_729 = arith.addf %add3A_711, %bitcast_convert_type3A_727 : vector<16xf32>
        %scan3A_730 = arith.constant 4 : i32
        %scan3A_731 = arith.addi %scan3A_661, %scan3A_730 : i32
        %add3A_732 = arith.constant 50 : i32
        %add3A_733 = arith.addi %add3A_732, %scan3A_731 : i32
        %get3A_734 = arith.index_cast %add3A_733 : i32 to index
        %get3A_735 = arith.constant 0 : index
        %get3A_736 = tpu.vector_load %arg9[%get3A_734, %get3A_735] {strides = array<i32>} : memref<100x16xi32, #tpu.memory_space<vmem>>, vector<1x16xi32>,
        %get3A_737 = vector.shape_cast %get3A_736 : vector<1x16xi32> to vector<16xi32>
        %and3A_738 = arith.constant -65536 : i32
        %and3A_739 = vector.broadcast %and3A_738 : i32 to vector<16xi32>
        %and3A_740 = arith.andi %get3A_737, %and3A_739 : vector<16xi32>
        %bitcast_convert_type3A_741 = tpu.bitcast %and3A_740 : vector<16xi32> -> vector<16xf32>
        %shift_left3A_742 = arith.constant 16 : i32
        %shift_left3A_743 = vector.broadcast %shift_left3A_742 : i32 to vector<16xi32>
        %shift_left3A_744 = arith.shli %get3A_737, %shift_left3A_743 : vector<16xi32>
        %bitcast_convert_type3A_745 = tpu.bitcast %shift_left3A_744 : vector<16xi32> -> vector<16xf32>
        %add3A_746 = arith.addf %add3A_728, %bitcast_convert_type3A_741 : vector<16xf32>
        %add3A_747 = arith.addf %add3A_729, %bitcast_convert_type3A_745 : vector<16xf32>
        scf.yield %add3A_746, %add3A_747 : vector<16xf32>, vector<16xf32>
      }
      %scan3A_334 = arith.constant 50 : i32
      %mul3A_335 = arith.constant 2 : i32
      %mul3A_336 = arith.muli %add3A_288, %mul3A_335 : i32
      %add3A_337 = arith.constant 1 : i32
      %add3A_338 = arith.addi %mul3A_336, %add3A_337 : i32
      %mul3A_339 = arith.constant 2.000000e-02 : f32
      %mul3A_340 = vector.broadcast %mul3A_339 : f32 to vector<16xf32>
      %mul3A_341 = arith.mulf %scan3A_333#0, %mul3A_340 : vector<16xf32>
      %swap3A_342 = arith.index_cast %add3A_338 : i32 to index
      %swap3A_343 = arith.constant 0 : index
      %swap3A_344 = tpu.vector_load %arg14[%swap3A_342, %swap3A_343] {strides = array<i32>} : memref<512x32xf32, #tpu.memory_space<vmem>>, vector<1x16xf32>,
      %swap3A_345 = vector.shape_cast %swap3A_344 : vector<1x16xf32> to vector<16xf32>
      %swap3A_346 = vector.shape_cast %mul3A_341 : vector<16xf32> to vector<1x16xf32>
      tpu.vector_store %arg14[%swap3A_342, %swap3A_343], %swap3A_346 {strides = array<i32>} : memref<512x32xf32, #tpu.memory_space<vmem>>, vector<1x16xf32>,
      %mul3A_347 = arith.constant 2.000000e-02 : f32
      %mul3A_348 = vector.broadcast %mul3A_347 : f32 to vector<16xf32>
      %mul3A_349 = arith.mulf %scan3A_333#1, %mul3A_348 : vector<16xf32>
      %swap3A_350 = arith.index_cast %add3A_338 : i32 to index
      %swap3A_351 = arith.constant 16 : index
      %swap3A_352 = tpu.vector_load %arg14[%swap3A_350, %swap3A_351] {strides = array<i32>} : memref<512x32xf32, #tpu.memory_space<vmem>>, vector<1x16xf32>,
      %swap3A_353 = vector.shape_cast %swap3A_352 : vector<1x16xf32> to vector<16xf32>
      %swap3A_354 = vector.shape_cast %mul3A_349 : vector<16xf32> to vector<1x16xf32>
      tpu.vector_store %arg14[%swap3A_350, %swap3A_351], %swap3A_354 {strides = array<i32>} : memref<512x32xf32, #tpu.memory_space<vmem>>, vector<1x16xf32>,
      %lt3A_355 = arith.constant 31 : i32
      %lt3A_356 = arith.cmpi slt, %scan3A_64, %lt3A_355 : i32
      %convert_element_type3A_357 = arith.extui %lt3A_356 : i1 to i32
      %cond3A_358 = arith.constant 0 : i32
      %cond3A_359 = arith.cmpi ne, %convert_element_type3A_357, %cond3A_358 : i32
      scf.if %cond3A_359 {
        %add3A_661 = arith.constant 8 : i32
        %add3A_662 = arith.addi %add3A_288, %add3A_661 : i32
        %dma_start3A_663 = arith.constant 0 : i32
        %dma_start3A_664 = tpu.memref_slice %arg5[%add3A_662, %dma_start3A_663] : memref<256x100xi32, #tpu.memory_space<vmem>> -> memref<1x100xi32, #tpu.memory_space<vmem>>
        %dma_start3A_665 = tpu.memref_squeeze %dma_start3A_664 : memref<1x100xi32, #tpu.memory_space<vmem>> -> memref<100xi32, #tpu.memory_space<vmem>>
        %dma_start3A_666 = arith.constant 0 : i32
        %dma_start3A_667 = arith.constant 0 : i32
        %dma_start3A_668 = tpu.memref_slice %arg3[%dma_start3A_666, %dma_start3A_667] : memref<1015808x16xi32, #tpu.memory_space<hbm>> -> memref<1015808x16xi32, #tpu.memory_space<hbm>>
        tpu.enqueue_indirect_dma source(%dma_start3A_668 : memref<1015808x16xi32, #tpu.memory_space<hbm>>) target(%arg9 : memref<100x16xi32, #tpu.memory_space<vmem>>) offsets(%dma_start3A_665 : memref<100xi32, #tpu.memory_space<vmem>>) semaphore(%arg18 : memref<!tpu.dma_semaphore, #tpu.memory_space<semaphore_mem>>)
      } else {
      }
      %mul3A_360 = arith.constant 8 : i32
      %mul3A_361 = arith.muli %scan3A_64, %mul3A_360 : i32
      %add3A_362 = arith.constant 4 : i32
      %add3A_363 = arith.addi %mul3A_361, %add3A_362 : i32
      %dma_wait3A_364 = arith.constant 0 : i32
      %dma_wait3A_365 = tpu.memref_slice %arg5[%add3A_363, %dma_wait3A_364] : memref<256x100xi32, #tpu.memory_space<vmem>> -> memref<1x100xi32, #tpu.memory_space<vmem>>
      %dma_wait3A_366 = tpu.memref_squeeze %dma_wait3A_365 : memref<1x100xi32, #tpu.memory_space<vmem>> -> memref<100xi32, #tpu.memory_space<vmem>>
      %dma_wait3A_367 = arith.constant 0 : i32
      %dma_wait3A_368 = arith.constant 0 : i32
      %dma_wait3A_369 = tpu.memref_slice %arg3[%dma_wait3A_367, %dma_wait3A_368] : memref<1015808x16xi32, #tpu.memory_space<hbm>> -> memref<1015808x16xi32, #tpu.memory_space<hbm>>
      tpu.wait_indirect_dma semaphore(%arg19 : memref<!tpu.dma_semaphore, #tpu.memory_space<semaphore_mem>>) src(%dma_wait3A_369 : memref<1015808x16xi32, #tpu.memory_space<hbm>>) dst(%arg10 : memref<100x16xi32, #tpu.memory_space<vmem>>)
      %broadcast_in_dim3A_370 = arith.constant 0.000000e+00 : f32
      %broadcast_in_dim3A_371 = vector.broadcast %broadcast_in_dim3A_370 : f32 to vector<16xf32>
      %broadcast_in_dim3A_372 = arith.constant 0.000000e+00 : f32
      %broadcast_in_dim3A_373 = vector.broadcast %broadcast_in_dim3A_372 : f32 to vector<16xf32>
      %scan3A_374 = arith.constant 0 : i32
      %scan3A_375 = arith.constant 50 : i32
      %scan3A_376 = arith.addi %scan3A_374, %scan3A_375 : i32
      %scan3A_377 = arith.constant 5 : i32
      %scan3A_378:2 = scf.for %scan3A_661 = %scan3A_374 to %scan3A_376 step %scan3A_377 iter_args(%scan3A_662 = %broadcast_in_dim3A_371, %scan3A_663 = %broadcast_in_dim3A_373) -> (vector<16xf32>, vector<16xf32>)  : i32 {
        %add3A_664 = arith.constant 0 : i32
        %add3A_665 = arith.addi %add3A_664, %scan3A_661 : i32
        %get3A = arith.index_cast %add3A_665 : i32 to index
        %get3A_666 = arith.constant 0 : index
        %get3A_667 = tpu.vector_load %arg10[%get3A, %get3A_666] {strides = array<i32>} : memref<100x16xi32, #tpu.memory_space<vmem>>, vector<1x16xi32>,
        %get3A_668 = vector.shape_cast %get3A_667 : vector<1x16xi32> to vector<16xi32>
        %and3A = arith.constant -65536 : i32
        %and3A_669 = vector.broadcast %and3A : i32 to vector<16xi32>
        %and3A_670 = arith.andi %get3A_668, %and3A_669 : vector<16xi32>
        %bitcast_convert_type3A = tpu.bitcast %and3A_670 : vector<16xi32> -> vector<16xf32>
        %shift_left3A = arith.constant 16 : i32
        %shift_left3A_671 = vector.broadcast %shift_left3A : i32 to vector<16xi32>
        %shift_left3A_672 = arith.shli %get3A_668, %shift_left3A_671 : vector<16xi32>
        %bitcast_convert_type3A_673 = tpu.bitcast %shift_left3A_672 : vector<16xi32> -> vector<16xf32>
        %add3A_674 = arith.addf %scan3A_662, %bitcast_convert_type3A : vector<16xf32>
        %add3A_675 = arith.addf %scan3A_663, %bitcast_convert_type3A_673 : vector<16xf32>
        %scan3A_676 = arith.constant 1 : i32
        %scan3A_677 = arith.addi %scan3A_661, %scan3A_676 : i32
        %add3A_678 = arith.constant 0 : i32
        %add3A_679 = arith.addi %add3A_678, %scan3A_677 : i32
        %get3A_680 = arith.index_cast %add3A_679 : i32 to index
        %get3A_681 = arith.constant 0 : index
        %get3A_682 = tpu.vector_load %arg10[%get3A_680, %get3A_681] {strides = array<i32>} : memref<100x16xi32, #tpu.memory_space<vmem>>, vector<1x16xi32>,
        %get3A_683 = vector.shape_cast %get3A_682 : vector<1x16xi32> to vector<16xi32>
        %and3A_684 = arith.constant -65536 : i32
        %and3A_685 = vector.broadcast %and3A_684 : i32 to vector<16xi32>
        %and3A_686 = arith.andi %get3A_683, %and3A_685 : vector<16xi32>
        %bitcast_convert_type3A_687 = tpu.bitcast %and3A_686 : vector<16xi32> -> vector<16xf32>
        %shift_left3A_688 = arith.constant 16 : i32
        %shift_left3A_689 = vector.broadcast %shift_left3A_688 : i32 to vector<16xi32>
        %shift_left3A_690 = arith.shli %get3A_683, %shift_left3A_689 : vector<16xi32>
        %bitcast_convert_type3A_691 = tpu.bitcast %shift_left3A_690 : vector<16xi32> -> vector<16xf32>
        %add3A_692 = arith.addf %add3A_674, %bitcast_convert_type3A_687 : vector<16xf32>
        %add3A_693 = arith.addf %add3A_675, %bitcast_convert_type3A_691 : vector<16xf32>
        %scan3A_694 = arith.constant 2 : i32
        %scan3A_695 = arith.addi %scan3A_661, %scan3A_694 : i32
        %add3A_696 = arith.constant 0 : i32
        %add3A_697 = arith.addi %add3A_696, %scan3A_695 : i32
        %get3A_698 = arith.index_cast %add3A_697 : i32 to index
        %get3A_699 = arith.constant 0 : index
        %get3A_700 = tpu.vector_load %arg10[%get3A_698, %get3A_699] {strides = array<i32>} : memref<100x16xi32, #tpu.memory_space<vmem>>, vector<1x16xi32>,
        %get3A_701 = vector.shape_cast %get3A_700 : vector<1x16xi32> to vector<16xi32>
        %and3A_702 = arith.constant -65536 : i32
        %and3A_703 = vector.broadcast %and3A_702 : i32 to vector<16xi32>
        %and3A_704 = arith.andi %get3A_701, %and3A_703 : vector<16xi32>
        %bitcast_convert_type3A_705 = tpu.bitcast %and3A_704 : vector<16xi32> -> vector<16xf32>
        %shift_left3A_706 = arith.constant 16 : i32
        %shift_left3A_707 = vector.broadcast %shift_left3A_706 : i32 to vector<16xi32>
        %shift_left3A_708 = arith.shli %get3A_701, %shift_left3A_707 : vector<16xi32>
        %bitcast_convert_type3A_709 = tpu.bitcast %shift_left3A_708 : vector<16xi32> -> vector<16xf32>
        %add3A_710 = arith.addf %add3A_692, %bitcast_convert_type3A_705 : vector<16xf32>
        %add3A_711 = arith.addf %add3A_693, %bitcast_convert_type3A_709 : vector<16xf32>
        %scan3A_712 = arith.constant 3 : i32
        %scan3A_713 = arith.addi %scan3A_661, %scan3A_712 : i32
        %add3A_714 = arith.constant 0 : i32
        %add3A_715 = arith.addi %add3A_714, %scan3A_713 : i32
        %get3A_716 = arith.index_cast %add3A_715 : i32 to index
        %get3A_717 = arith.constant 0 : index
        %get3A_718 = tpu.vector_load %arg10[%get3A_716, %get3A_717] {strides = array<i32>} : memref<100x16xi32, #tpu.memory_space<vmem>>, vector<1x16xi32>,
        %get3A_719 = vector.shape_cast %get3A_718 : vector<1x16xi32> to vector<16xi32>
        %and3A_720 = arith.constant -65536 : i32
        %and3A_721 = vector.broadcast %and3A_720 : i32 to vector<16xi32>
        %and3A_722 = arith.andi %get3A_719, %and3A_721 : vector<16xi32>
        %bitcast_convert_type3A_723 = tpu.bitcast %and3A_722 : vector<16xi32> -> vector<16xf32>
        %shift_left3A_724 = arith.constant 16 : i32
        %shift_left3A_725 = vector.broadcast %shift_left3A_724 : i32 to vector<16xi32>
        %shift_left3A_726 = arith.shli %get3A_719, %shift_left3A_725 : vector<16xi32>
        %bitcast_convert_type3A_727 = tpu.bitcast %shift_left3A_726 : vector<16xi32> -> vector<16xf32>
        %add3A_728 = arith.addf %add3A_710, %bitcast_convert_type3A_723 : vector<16xf32>
        %add3A_729 = arith.addf %add3A_711, %bitcast_convert_type3A_727 : vector<16xf32>
        %scan3A_730 = arith.constant 4 : i32
        %scan3A_731 = arith.addi %scan3A_661, %scan3A_730 : i32
        %add3A_732 = arith.constant 0 : i32
        %add3A_733 = arith.addi %add3A_732, %scan3A_731 : i32
        %get3A_734 = arith.index_cast %add3A_733 : i32 to index
        %get3A_735 = arith.constant 0 : index
        %get3A_736 = tpu.vector_load %arg10[%get3A_734, %get3A_735] {strides = array<i32>} : memref<100x16xi32, #tpu.memory_space<vmem>>, vector<1x16xi32>,
        %get3A_737 = vector.shape_cast %get3A_736 : vector<1x16xi32> to vector<16xi32>
        %and3A_738 = arith.constant -65536 : i32
        %and3A_739 = vector.broadcast %and3A_738 : i32 to vector<16xi32>
        %and3A_740 = arith.andi %get3A_737, %and3A_739 : vector<16xi32>
        %bitcast_convert_type3A_741 = tpu.bitcast %and3A_740 : vector<16xi32> -> vector<16xf32>
        %shift_left3A_742 = arith.constant 16 : i32
        %shift_left3A_743 = vector.broadcast %shift_left3A_742 : i32 to vector<16xi32>
        %shift_left3A_744 = arith.shli %get3A_737, %shift_left3A_743 : vector<16xi32>
        %bitcast_convert_type3A_745 = tpu.bitcast %shift_left3A_744 : vector<16xi32> -> vector<16xf32>
        %add3A_746 = arith.addf %add3A_728, %bitcast_convert_type3A_741 : vector<16xf32>
        %add3A_747 = arith.addf %add3A_729, %bitcast_convert_type3A_745 : vector<16xf32>
        scf.yield %add3A_746, %add3A_747 : vector<16xf32>, vector<16xf32>
      }
      %scan3A_379 = arith.constant 50 : i32
      %mul3A_380 = arith.constant 2 : i32
      %mul3A_381 = arith.muli %add3A_363, %mul3A_380 : i32
      %add3A_382 = arith.constant 0 : i32
      %add3A_383 = arith.addi %mul3A_381, %add3A_382 : i32
      %mul3A_384 = arith.constant 2.000000e-02 : f32
      %mul3A_385 = vector.broadcast %mul3A_384 : f32 to vector<16xf32>
      %mul3A_386 = arith.mulf %scan3A_378#0, %mul3A_385 : vector<16xf32>
      %swap3A_387 = arith.index_cast %add3A_383 : i32 to index
      %swap3A_388 = arith.constant 0 : index
      %swap3A_389 = tpu.vector_load %arg14[%swap3A_387, %swap3A_388] {strides = array<i32>} : memref<512x32xf32, #tpu.memory_space<vmem>>, vector<1x16xf32>,
      %swap3A_390 = vector.shape_cast %swap3A_389 : vector<1x16xf32> to vector<16xf32>
      %swap3A_391 = vector.shape_cast %mul3A_386 : vector<16xf32> to vector<1x16xf32>
      tpu.vector_store %arg14[%swap3A_387, %swap3A_388], %swap3A_391 {strides = array<i32>} : memref<512x32xf32, #tpu.memory_space<vmem>>, vector<1x16xf32>,
      %mul3A_392 = arith.constant 2.000000e-02 : f32
      %mul3A_393 = vector.broadcast %mul3A_392 : f32 to vector<16xf32>
      %mul3A_394 = arith.mulf %scan3A_378#1, %mul3A_393 : vector<16xf32>
      %swap3A_395 = arith.index_cast %add3A_383 : i32 to index
      %swap3A_396 = arith.constant 16 : index
      %swap3A_397 = tpu.vector_load %arg14[%swap3A_395, %swap3A_396] {strides = array<i32>} : memref<512x32xf32, #tpu.memory_space<vmem>>, vector<1x16xf32>,
      %swap3A_398 = vector.shape_cast %swap3A_397 : vector<1x16xf32> to vector<16xf32>
      %swap3A_399 = vector.shape_cast %mul3A_394 : vector<16xf32> to vector<1x16xf32>
      tpu.vector_store %arg14[%swap3A_395, %swap3A_396], %swap3A_399 {strides = array<i32>} : memref<512x32xf32, #tpu.memory_space<vmem>>, vector<1x16xf32>,
      %broadcast_in_dim3A_400 = arith.constant 0.000000e+00 : f32
      %broadcast_in_dim3A_401 = vector.broadcast %broadcast_in_dim3A_400 : f32 to vector<16xf32>
      %broadcast_in_dim3A_402 = arith.constant 0.000000e+00 : f32
      %broadcast_in_dim3A_403 = vector.broadcast %broadcast_in_dim3A_402 : f32 to vector<16xf32>
      %scan3A_404 = arith.constant 0 : i32
      %scan3A_405 = arith.constant 50 : i32
      %scan3A_406 = arith.addi %scan3A_404, %scan3A_405 : i32
      %scan3A_407 = arith.constant 5 : i32
      %scan3A_408:2 = scf.for %scan3A_661 = %scan3A_404 to %scan3A_406 step %scan3A_407 iter_args(%scan3A_662 = %broadcast_in_dim3A_401, %scan3A_663 = %broadcast_in_dim3A_403) -> (vector<16xf32>, vector<16xf32>)  : i32 {
        %add3A_664 = arith.constant 50 : i32
        %add3A_665 = arith.addi %add3A_664, %scan3A_661 : i32
        %get3A = arith.index_cast %add3A_665 : i32 to index
        %get3A_666 = arith.constant 0 : index
        %get3A_667 = tpu.vector_load %arg10[%get3A, %get3A_666] {strides = array<i32>} : memref<100x16xi32, #tpu.memory_space<vmem>>, vector<1x16xi32>,
        %get3A_668 = vector.shape_cast %get3A_667 : vector<1x16xi32> to vector<16xi32>
        %and3A = arith.constant -65536 : i32
        %and3A_669 = vector.broadcast %and3A : i32 to vector<16xi32>
        %and3A_670 = arith.andi %get3A_668, %and3A_669 : vector<16xi32>
        %bitcast_convert_type3A = tpu.bitcast %and3A_670 : vector<16xi32> -> vector<16xf32>
        %shift_left3A = arith.constant 16 : i32
        %shift_left3A_671 = vector.broadcast %shift_left3A : i32 to vector<16xi32>
        %shift_left3A_672 = arith.shli %get3A_668, %shift_left3A_671 : vector<16xi32>
        %bitcast_convert_type3A_673 = tpu.bitcast %shift_left3A_672 : vector<16xi32> -> vector<16xf32>
        %add3A_674 = arith.addf %scan3A_662, %bitcast_convert_type3A : vector<16xf32>
        %add3A_675 = arith.addf %scan3A_663, %bitcast_convert_type3A_673 : vector<16xf32>
        %scan3A_676 = arith.constant 1 : i32
        %scan3A_677 = arith.addi %scan3A_661, %scan3A_676 : i32
        %add3A_678 = arith.constant 50 : i32
        %add3A_679 = arith.addi %add3A_678, %scan3A_677 : i32
        %get3A_680 = arith.index_cast %add3A_679 : i32 to index
        %get3A_681 = arith.constant 0 : index
        %get3A_682 = tpu.vector_load %arg10[%get3A_680, %get3A_681] {strides = array<i32>} : memref<100x16xi32, #tpu.memory_space<vmem>>, vector<1x16xi32>,
        %get3A_683 = vector.shape_cast %get3A_682 : vector<1x16xi32> to vector<16xi32>
        %and3A_684 = arith.constant -65536 : i32
        %and3A_685 = vector.broadcast %and3A_684 : i32 to vector<16xi32>
        %and3A_686 = arith.andi %get3A_683, %and3A_685 : vector<16xi32>
        %bitcast_convert_type3A_687 = tpu.bitcast %and3A_686 : vector<16xi32> -> vector<16xf32>
        %shift_left3A_688 = arith.constant 16 : i32
        %shift_left3A_689 = vector.broadcast %shift_left3A_688 : i32 to vector<16xi32>
        %shift_left3A_690 = arith.shli %get3A_683, %shift_left3A_689 : vector<16xi32>
        %bitcast_convert_type3A_691 = tpu.bitcast %shift_left3A_690 : vector<16xi32> -> vector<16xf32>
        %add3A_692 = arith.addf %add3A_674, %bitcast_convert_type3A_687 : vector<16xf32>
        %add3A_693 = arith.addf %add3A_675, %bitcast_convert_type3A_691 : vector<16xf32>
        %scan3A_694 = arith.constant 2 : i32
        %scan3A_695 = arith.addi %scan3A_661, %scan3A_694 : i32
        %add3A_696 = arith.constant 50 : i32
        %add3A_697 = arith.addi %add3A_696, %scan3A_695 : i32
        %get3A_698 = arith.index_cast %add3A_697 : i32 to index
        %get3A_699 = arith.constant 0 : index
        %get3A_700 = tpu.vector_load %arg10[%get3A_698, %get3A_699] {strides = array<i32>} : memref<100x16xi32, #tpu.memory_space<vmem>>, vector<1x16xi32>,
        %get3A_701 = vector.shape_cast %get3A_700 : vector<1x16xi32> to vector<16xi32>
        %and3A_702 = arith.constant -65536 : i32
        %and3A_703 = vector.broadcast %and3A_702 : i32 to vector<16xi32>
        %and3A_704 = arith.andi %get3A_701, %and3A_703 : vector<16xi32>
        %bitcast_convert_type3A_705 = tpu.bitcast %and3A_704 : vector<16xi32> -> vector<16xf32>
        %shift_left3A_706 = arith.constant 16 : i32
        %shift_left3A_707 = vector.broadcast %shift_left3A_706 : i32 to vector<16xi32>
        %shift_left3A_708 = arith.shli %get3A_701, %shift_left3A_707 : vector<16xi32>
        %bitcast_convert_type3A_709 = tpu.bitcast %shift_left3A_708 : vector<16xi32> -> vector<16xf32>
        %add3A_710 = arith.addf %add3A_692, %bitcast_convert_type3A_705 : vector<16xf32>
        %add3A_711 = arith.addf %add3A_693, %bitcast_convert_type3A_709 : vector<16xf32>
        %scan3A_712 = arith.constant 3 : i32
        %scan3A_713 = arith.addi %scan3A_661, %scan3A_712 : i32
        %add3A_714 = arith.constant 50 : i32
        %add3A_715 = arith.addi %add3A_714, %scan3A_713 : i32
        %get3A_716 = arith.index_cast %add3A_715 : i32 to index
        %get3A_717 = arith.constant 0 : index
        %get3A_718 = tpu.vector_load %arg10[%get3A_716, %get3A_717] {strides = array<i32>} : memref<100x16xi32, #tpu.memory_space<vmem>>, vector<1x16xi32>,
        %get3A_719 = vector.shape_cast %get3A_718 : vector<1x16xi32> to vector<16xi32>
        %and3A_720 = arith.constant -65536 : i32
        %and3A_721 = vector.broadcast %and3A_720 : i32 to vector<16xi32>
        %and3A_722 = arith.andi %get3A_719, %and3A_721 : vector<16xi32>
        %bitcast_convert_type3A_723 = tpu.bitcast %and3A_722 : vector<16xi32> -> vector<16xf32>
        %shift_left3A_724 = arith.constant 16 : i32
        %shift_left3A_725 = vector.broadcast %shift_left3A_724 : i32 to vector<16xi32>
        %shift_left3A_726 = arith.shli %get3A_719, %shift_left3A_725 : vector<16xi32>
        %bitcast_convert_type3A_727 = tpu.bitcast %shift_left3A_726 : vector<16xi32> -> vector<16xf32>
        %add3A_728 = arith.addf %add3A_710, %bitcast_convert_type3A_723 : vector<16xf32>
        %add3A_729 = arith.addf %add3A_711, %bitcast_convert_type3A_727 : vector<16xf32>
        %scan3A_730 = arith.constant 4 : i32
        %scan3A_731 = arith.addi %scan3A_661, %scan3A_730 : i32
        %add3A_732 = arith.constant 50 : i32
        %add3A_733 = arith.addi %add3A_732, %scan3A_731 : i32
        %get3A_734 = arith.index_cast %add3A_733 : i32 to index
        %get3A_735 = arith.constant 0 : index
        %get3A_736 = tpu.vector_load %arg10[%get3A_734, %get3A_735] {strides = array<i32>} : memref<100x16xi32, #tpu.memory_space<vmem>>, vector<1x16xi32>,
        %get3A_737 = vector.shape_cast %get3A_736 : vector<1x16xi32> to vector<16xi32>
        %and3A_738 = arith.constant -65536 : i32
        %and3A_739 = vector.broadcast %and3A_738 : i32 to vector<16xi32>
        %and3A_740 = arith.andi %get3A_737, %and3A_739 : vector<16xi32>
        %bitcast_convert_type3A_741 = tpu.bitcast %and3A_740 : vector<16xi32> -> vector<16xf32>
        %shift_left3A_742 = arith.constant 16 : i32
        %shift_left3A_743 = vector.broadcast %shift_left3A_742 : i32 to vector<16xi32>
        %shift_left3A_744 = arith.shli %get3A_737, %shift_left3A_743 : vector<16xi32>
        %bitcast_convert_type3A_745 = tpu.bitcast %shift_left3A_744 : vector<16xi32> -> vector<16xf32>
        %add3A_746 = arith.addf %add3A_728, %bitcast_convert_type3A_741 : vector<16xf32>
        %add3A_747 = arith.addf %add3A_729, %bitcast_convert_type3A_745 : vector<16xf32>
        scf.yield %add3A_746, %add3A_747 : vector<16xf32>, vector<16xf32>
      }
      %scan3A_409 = arith.constant 50 : i32
      %mul3A_410 = arith.constant 2 : i32
      %mul3A_411 = arith.muli %add3A_363, %mul3A_410 : i32
      %add3A_412 = arith.constant 1 : i32
      %add3A_413 = arith.addi %mul3A_411, %add3A_412 : i32
      %mul3A_414 = arith.constant 2.000000e-02 : f32
      %mul3A_415 = vector.broadcast %mul3A_414 : f32 to vector<16xf32>
      %mul3A_416 = arith.mulf %scan3A_408#0, %mul3A_415 : vector<16xf32>
      %swap3A_417 = arith.index_cast %add3A_413 : i32 to index
      %swap3A_418 = arith.constant 0 : index
      %swap3A_419 = tpu.vector_load %arg14[%swap3A_417, %swap3A_418] {strides = array<i32>} : memref<512x32xf32, #tpu.memory_space<vmem>>, vector<1x16xf32>,
      %swap3A_420 = vector.shape_cast %swap3A_419 : vector<1x16xf32> to vector<16xf32>
      %swap3A_421 = vector.shape_cast %mul3A_416 : vector<16xf32> to vector<1x16xf32>
      tpu.vector_store %arg14[%swap3A_417, %swap3A_418], %swap3A_421 {strides = array<i32>} : memref<512x32xf32, #tpu.memory_space<vmem>>, vector<1x16xf32>,
      %mul3A_422 = arith.constant 2.000000e-02 : f32
      %mul3A_423 = vector.broadcast %mul3A_422 : f32 to vector<16xf32>
      %mul3A_424 = arith.mulf %scan3A_408#1, %mul3A_423 : vector<16xf32>
      %swap3A_425 = arith.index_cast %add3A_413 : i32 to index
      %swap3A_426 = arith.constant 16 : index
      %swap3A_427 = tpu.vector_load %arg14[%swap3A_425, %swap3A_426] {strides = array<i32>} : memref<512x32xf32, #tpu.memory_space<vmem>>, vector<1x16xf32>,
      %swap3A_428 = vector.shape_cast %swap3A_427 : vector<1x16xf32> to vector<16xf32>
      %swap3A_429 = vector.shape_cast %mul3A_424 : vector<16xf32> to vector<1x16xf32>
      tpu.vector_store %arg14[%swap3A_425, %swap3A_426], %swap3A_429 {strides = array<i32>} : memref<512x32xf32, #tpu.memory_space<vmem>>, vector<1x16xf32>,
      %lt3A_430 = arith.constant 31 : i32
      %lt3A_431 = arith.cmpi slt, %scan3A_64, %lt3A_430 : i32
      %convert_element_type3A_432 = arith.extui %lt3A_431 : i1 to i32
      %cond3A_433 = arith.constant 0 : i32
      %cond3A_434 = arith.cmpi ne, %convert_element_type3A_432, %cond3A_433 : i32
      scf.if %cond3A_434 {
        %add3A_661 = arith.constant 8 : i32
        %add3A_662 = arith.addi %add3A_363, %add3A_661 : i32
        %dma_start3A_663 = arith.constant 0 : i32
        %dma_start3A_664 = tpu.memref_slice %arg5[%add3A_662, %dma_start3A_663] : memref<256x100xi32, #tpu.memory_space<vmem>> -> memref<1x100xi32, #tpu.memory_space<vmem>>
        %dma_start3A_665 = tpu.memref_squeeze %dma_start3A_664 : memref<1x100xi32, #tpu.memory_space<vmem>> -> memref<100xi32, #tpu.memory_space<vmem>>
        %dma_start3A_666 = arith.constant 0 : i32
        %dma_start3A_667 = arith.constant 0 : i32
        %dma_start3A_668 = tpu.memref_slice %arg3[%dma_start3A_666, %dma_start3A_667] : memref<1015808x16xi32, #tpu.memory_space<hbm>> -> memref<1015808x16xi32, #tpu.memory_space<hbm>>
        tpu.enqueue_indirect_dma source(%dma_start3A_668 : memref<1015808x16xi32, #tpu.memory_space<hbm>>) target(%arg10 : memref<100x16xi32, #tpu.memory_space<vmem>>) offsets(%dma_start3A_665 : memref<100xi32, #tpu.memory_space<vmem>>) semaphore(%arg19 : memref<!tpu.dma_semaphore, #tpu.memory_space<semaphore_mem>>)
      } else {
      }
      %mul3A_435 = arith.constant 8 : i32
      %mul3A_436 = arith.muli %scan3A_64, %mul3A_435 : i32
      %add3A_437 = arith.constant 5 : i32
      %add3A_438 = arith.addi %mul3A_436, %add3A_437 : i32
      %dma_wait3A_439 = arith.constant 0 : i32
      %dma_wait3A_440 = tpu.memref_slice %arg5[%add3A_438, %dma_wait3A_439] : memref<256x100xi32, #tpu.memory_space<vmem>> -> memref<1x100xi32, #tpu.memory_space<vmem>>
      %dma_wait3A_441 = tpu.memref_squeeze %dma_wait3A_440 : memref<1x100xi32, #tpu.memory_space<vmem>> -> memref<100xi32, #tpu.memory_space<vmem>>
      %dma_wait3A_442 = arith.constant 0 : i32
      %dma_wait3A_443 = arith.constant 0 : i32
      %dma_wait3A_444 = tpu.memref_slice %arg3[%dma_wait3A_442, %dma_wait3A_443] : memref<1015808x16xi32, #tpu.memory_space<hbm>> -> memref<1015808x16xi32, #tpu.memory_space<hbm>>
      tpu.wait_indirect_dma semaphore(%arg20 : memref<!tpu.dma_semaphore, #tpu.memory_space<semaphore_mem>>) src(%dma_wait3A_444 : memref<1015808x16xi32, #tpu.memory_space<hbm>>) dst(%arg11 : memref<100x16xi32, #tpu.memory_space<vmem>>)
      %broadcast_in_dim3A_445 = arith.constant 0.000000e+00 : f32
      %broadcast_in_dim3A_446 = vector.broadcast %broadcast_in_dim3A_445 : f32 to vector<16xf32>
      %broadcast_in_dim3A_447 = arith.constant 0.000000e+00 : f32
      %broadcast_in_dim3A_448 = vector.broadcast %broadcast_in_dim3A_447 : f32 to vector<16xf32>
      %scan3A_449 = arith.constant 0 : i32
      %scan3A_450 = arith.constant 50 : i32
      %scan3A_451 = arith.addi %scan3A_449, %scan3A_450 : i32
      %scan3A_452 = arith.constant 5 : i32
      %scan3A_453:2 = scf.for %scan3A_661 = %scan3A_449 to %scan3A_451 step %scan3A_452 iter_args(%scan3A_662 = %broadcast_in_dim3A_446, %scan3A_663 = %broadcast_in_dim3A_448) -> (vector<16xf32>, vector<16xf32>)  : i32 {
        %add3A_664 = arith.constant 0 : i32
        %add3A_665 = arith.addi %add3A_664, %scan3A_661 : i32
        %get3A = arith.index_cast %add3A_665 : i32 to index
        %get3A_666 = arith.constant 0 : index
        %get3A_667 = tpu.vector_load %arg11[%get3A, %get3A_666] {strides = array<i32>} : memref<100x16xi32, #tpu.memory_space<vmem>>, vector<1x16xi32>,
        %get3A_668 = vector.shape_cast %get3A_667 : vector<1x16xi32> to vector<16xi32>
        %and3A = arith.constant -65536 : i32
        %and3A_669 = vector.broadcast %and3A : i32 to vector<16xi32>
        %and3A_670 = arith.andi %get3A_668, %and3A_669 : vector<16xi32>
        %bitcast_convert_type3A = tpu.bitcast %and3A_670 : vector<16xi32> -> vector<16xf32>
        %shift_left3A = arith.constant 16 : i32
        %shift_left3A_671 = vector.broadcast %shift_left3A : i32 to vector<16xi32>
        %shift_left3A_672 = arith.shli %get3A_668, %shift_left3A_671 : vector<16xi32>
        %bitcast_convert_type3A_673 = tpu.bitcast %shift_left3A_672 : vector<16xi32> -> vector<16xf32>
        %add3A_674 = arith.addf %scan3A_662, %bitcast_convert_type3A : vector<16xf32>
        %add3A_675 = arith.addf %scan3A_663, %bitcast_convert_type3A_673 : vector<16xf32>
        %scan3A_676 = arith.constant 1 : i32
        %scan3A_677 = arith.addi %scan3A_661, %scan3A_676 : i32
        %add3A_678 = arith.constant 0 : i32
        %add3A_679 = arith.addi %add3A_678, %scan3A_677 : i32
        %get3A_680 = arith.index_cast %add3A_679 : i32 to index
        %get3A_681 = arith.constant 0 : index
        %get3A_682 = tpu.vector_load %arg11[%get3A_680, %get3A_681] {strides = array<i32>} : memref<100x16xi32, #tpu.memory_space<vmem>>, vector<1x16xi32>,
        %get3A_683 = vector.shape_cast %get3A_682 : vector<1x16xi32> to vector<16xi32>
        %and3A_684 = arith.constant -65536 : i32
        %and3A_685 = vector.broadcast %and3A_684 : i32 to vector<16xi32>
        %and3A_686 = arith.andi %get3A_683, %and3A_685 : vector<16xi32>
        %bitcast_convert_type3A_687 = tpu.bitcast %and3A_686 : vector<16xi32> -> vector<16xf32>
        %shift_left3A_688 = arith.constant 16 : i32
        %shift_left3A_689 = vector.broadcast %shift_left3A_688 : i32 to vector<16xi32>
        %shift_left3A_690 = arith.shli %get3A_683, %shift_left3A_689 : vector<16xi32>
        %bitcast_convert_type3A_691 = tpu.bitcast %shift_left3A_690 : vector<16xi32> -> vector<16xf32>
        %add3A_692 = arith.addf %add3A_674, %bitcast_convert_type3A_687 : vector<16xf32>
        %add3A_693 = arith.addf %add3A_675, %bitcast_convert_type3A_691 : vector<16xf32>
        %scan3A_694 = arith.constant 2 : i32
        %scan3A_695 = arith.addi %scan3A_661, %scan3A_694 : i32
        %add3A_696 = arith.constant 0 : i32
        %add3A_697 = arith.addi %add3A_696, %scan3A_695 : i32
        %get3A_698 = arith.index_cast %add3A_697 : i32 to index
        %get3A_699 = arith.constant 0 : index
        %get3A_700 = tpu.vector_load %arg11[%get3A_698, %get3A_699] {strides = array<i32>} : memref<100x16xi32, #tpu.memory_space<vmem>>, vector<1x16xi32>,
        %get3A_701 = vector.shape_cast %get3A_700 : vector<1x16xi32> to vector<16xi32>
        %and3A_702 = arith.constant -65536 : i32
        %and3A_703 = vector.broadcast %and3A_702 : i32 to vector<16xi32>
        %and3A_704 = arith.andi %get3A_701, %and3A_703 : vector<16xi32>
        %bitcast_convert_type3A_705 = tpu.bitcast %and3A_704 : vector<16xi32> -> vector<16xf32>
        %shift_left3A_706 = arith.constant 16 : i32
        %shift_left3A_707 = vector.broadcast %shift_left3A_706 : i32 to vector<16xi32>
        %shift_left3A_708 = arith.shli %get3A_701, %shift_left3A_707 : vector<16xi32>
        %bitcast_convert_type3A_709 = tpu.bitcast %shift_left3A_708 : vector<16xi32> -> vector<16xf32>
        %add3A_710 = arith.addf %add3A_692, %bitcast_convert_type3A_705 : vector<16xf32>
        %add3A_711 = arith.addf %add3A_693, %bitcast_convert_type3A_709 : vector<16xf32>
        %scan3A_712 = arith.constant 3 : i32
        %scan3A_713 = arith.addi %scan3A_661, %scan3A_712 : i32
        %add3A_714 = arith.constant 0 : i32
        %add3A_715 = arith.addi %add3A_714, %scan3A_713 : i32
        %get3A_716 = arith.index_cast %add3A_715 : i32 to index
        %get3A_717 = arith.constant 0 : index
        %get3A_718 = tpu.vector_load %arg11[%get3A_716, %get3A_717] {strides = array<i32>} : memref<100x16xi32, #tpu.memory_space<vmem>>, vector<1x16xi32>,
        %get3A_719 = vector.shape_cast %get3A_718 : vector<1x16xi32> to vector<16xi32>
        %and3A_720 = arith.constant -65536 : i32
        %and3A_721 = vector.broadcast %and3A_720 : i32 to vector<16xi32>
        %and3A_722 = arith.andi %get3A_719, %and3A_721 : vector<16xi32>
        %bitcast_convert_type3A_723 = tpu.bitcast %and3A_722 : vector<16xi32> -> vector<16xf32>
        %shift_left3A_724 = arith.constant 16 : i32
        %shift_left3A_725 = vector.broadcast %shift_left3A_724 : i32 to vector<16xi32>
        %shift_left3A_726 = arith.shli %get3A_719, %shift_left3A_725 : vector<16xi32>
        %bitcast_convert_type3A_727 = tpu.bitcast %shift_left3A_726 : vector<16xi32> -> vector<16xf32>
        %add3A_728 = arith.addf %add3A_710, %bitcast_convert_type3A_723 : vector<16xf32>
        %add3A_729 = arith.addf %add3A_711, %bitcast_convert_type3A_727 : vector<16xf32>
        %scan3A_730 = arith.constant 4 : i32
        %scan3A_731 = arith.addi %scan3A_661, %scan3A_730 : i32
        %add3A_732 = arith.constant 0 : i32
        %add3A_733 = arith.addi %add3A_732, %scan3A_731 : i32
        %get3A_734 = arith.index_cast %add3A_733 : i32 to index
        %get3A_735 = arith.constant 0 : index
        %get3A_736 = tpu.vector_load %arg11[%get3A_734, %get3A_735] {strides = array<i32>} : memref<100x16xi32, #tpu.memory_space<vmem>>, vector<1x16xi32>,
        %get3A_737 = vector.shape_cast %get3A_736 : vector<1x16xi32> to vector<16xi32>
        %and3A_738 = arith.constant -65536 : i32
        %and3A_739 = vector.broadcast %and3A_738 : i32 to vector<16xi32>
        %and3A_740 = arith.andi %get3A_737, %and3A_739 : vector<16xi32>
        %bitcast_convert_type3A_741 = tpu.bitcast %and3A_740 : vector<16xi32> -> vector<16xf32>
        %shift_left3A_742 = arith.constant 16 : i32
        %shift_left3A_743 = vector.broadcast %shift_left3A_742 : i32 to vector<16xi32>
        %shift_left3A_744 = arith.shli %get3A_737, %shift_left3A_743 : vector<16xi32>
        %bitcast_convert_type3A_745 = tpu.bitcast %shift_left3A_744 : vector<16xi32> -> vector<16xf32>
        %add3A_746 = arith.addf %add3A_728, %bitcast_convert_type3A_741 : vector<16xf32>
        %add3A_747 = arith.addf %add3A_729, %bitcast_convert_type3A_745 : vector<16xf32>
        scf.yield %add3A_746, %add3A_747 : vector<16xf32>, vector<16xf32>
      }
      %scan3A_454 = arith.constant 50 : i32
      %mul3A_455 = arith.constant 2 : i32
      %mul3A_456 = arith.muli %add3A_438, %mul3A_455 : i32
      %add3A_457 = arith.constant 0 : i32
      %add3A_458 = arith.addi %mul3A_456, %add3A_457 : i32
      %mul3A_459 = arith.constant 2.000000e-02 : f32
      %mul3A_460 = vector.broadcast %mul3A_459 : f32 to vector<16xf32>
      %mul3A_461 = arith.mulf %scan3A_453#0, %mul3A_460 : vector<16xf32>
      %swap3A_462 = arith.index_cast %add3A_458 : i32 to index
      %swap3A_463 = arith.constant 0 : index
      %swap3A_464 = tpu.vector_load %arg14[%swap3A_462, %swap3A_463] {strides = array<i32>} : memref<512x32xf32, #tpu.memory_space<vmem>>, vector<1x16xf32>,
      %swap3A_465 = vector.shape_cast %swap3A_464 : vector<1x16xf32> to vector<16xf32>
      %swap3A_466 = vector.shape_cast %mul3A_461 : vector<16xf32> to vector<1x16xf32>
      tpu.vector_store %arg14[%swap3A_462, %swap3A_463], %swap3A_466 {strides = array<i32>} : memref<512x32xf32, #tpu.memory_space<vmem>>, vector<1x16xf32>,
      %mul3A_467 = arith.constant 2.000000e-02 : f32
      %mul3A_468 = vector.broadcast %mul3A_467 : f32 to vector<16xf32>
      %mul3A_469 = arith.mulf %scan3A_453#1, %mul3A_468 : vector<16xf32>
      %swap3A_470 = arith.index_cast %add3A_458 : i32 to index
      %swap3A_471 = arith.constant 16 : index
      %swap3A_472 = tpu.vector_load %arg14[%swap3A_470, %swap3A_471] {strides = array<i32>} : memref<512x32xf32, #tpu.memory_space<vmem>>, vector<1x16xf32>,
      %swap3A_473 = vector.shape_cast %swap3A_472 : vector<1x16xf32> to vector<16xf32>
      %swap3A_474 = vector.shape_cast %mul3A_469 : vector<16xf32> to vector<1x16xf32>
      tpu.vector_store %arg14[%swap3A_470, %swap3A_471], %swap3A_474 {strides = array<i32>} : memref<512x32xf32, #tpu.memory_space<vmem>>, vector<1x16xf32>,
      %broadcast_in_dim3A_475 = arith.constant 0.000000e+00 : f32
      %broadcast_in_dim3A_476 = vector.broadcast %broadcast_in_dim3A_475 : f32 to vector<16xf32>
      %broadcast_in_dim3A_477 = arith.constant 0.000000e+00 : f32
      %broadcast_in_dim3A_478 = vector.broadcast %broadcast_in_dim3A_477 : f32 to vector<16xf32>
      %scan3A_479 = arith.constant 0 : i32
      %scan3A_480 = arith.constant 50 : i32
      %scan3A_481 = arith.addi %scan3A_479, %scan3A_480 : i32
      %scan3A_482 = arith.constant 5 : i32
      %scan3A_483:2 = scf.for %scan3A_661 = %scan3A_479 to %scan3A_481 step %scan3A_482 iter_args(%scan3A_662 = %broadcast_in_dim3A_476, %scan3A_663 = %broadcast_in_dim3A_478) -> (vector<16xf32>, vector<16xf32>)  : i32 {
        %add3A_664 = arith.constant 50 : i32
        %add3A_665 = arith.addi %add3A_664, %scan3A_661 : i32
        %get3A = arith.index_cast %add3A_665 : i32 to index
        %get3A_666 = arith.constant 0 : index
        %get3A_667 = tpu.vector_load %arg11[%get3A, %get3A_666] {strides = array<i32>} : memref<100x16xi32, #tpu.memory_space<vmem>>, vector<1x16xi32>,
        %get3A_668 = vector.shape_cast %get3A_667 : vector<1x16xi32> to vector<16xi32>
        %and3A = arith.constant -65536 : i32
        %and3A_669 = vector.broadcast %and3A : i32 to vector<16xi32>
        %and3A_670 = arith.andi %get3A_668, %and3A_669 : vector<16xi32>
        %bitcast_convert_type3A = tpu.bitcast %and3A_670 : vector<16xi32> -> vector<16xf32>
        %shift_left3A = arith.constant 16 : i32
        %shift_left3A_671 = vector.broadcast %shift_left3A : i32 to vector<16xi32>
        %shift_left3A_672 = arith.shli %get3A_668, %shift_left3A_671 : vector<16xi32>
        %bitcast_convert_type3A_673 = tpu.bitcast %shift_left3A_672 : vector<16xi32> -> vector<16xf32>
        %add3A_674 = arith.addf %scan3A_662, %bitcast_convert_type3A : vector<16xf32>
        %add3A_675 = arith.addf %scan3A_663, %bitcast_convert_type3A_673 : vector<16xf32>
        %scan3A_676 = arith.constant 1 : i32
        %scan3A_677 = arith.addi %scan3A_661, %scan3A_676 : i32
        %add3A_678 = arith.constant 50 : i32
        %add3A_679 = arith.addi %add3A_678, %scan3A_677 : i32
        %get3A_680 = arith.index_cast %add3A_679 : i32 to index
        %get3A_681 = arith.constant 0 : index
        %get3A_682 = tpu.vector_load %arg11[%get3A_680, %get3A_681] {strides = array<i32>} : memref<100x16xi32, #tpu.memory_space<vmem>>, vector<1x16xi32>,
        %get3A_683 = vector.shape_cast %get3A_682 : vector<1x16xi32> to vector<16xi32>
        %and3A_684 = arith.constant -65536 : i32
        %and3A_685 = vector.broadcast %and3A_684 : i32 to vector<16xi32>
        %and3A_686 = arith.andi %get3A_683, %and3A_685 : vector<16xi32>
        %bitcast_convert_type3A_687 = tpu.bitcast %and3A_686 : vector<16xi32> -> vector<16xf32>
        %shift_left3A_688 = arith.constant 16 : i32
        %shift_left3A_689 = vector.broadcast %shift_left3A_688 : i32 to vector<16xi32>
        %shift_left3A_690 = arith.shli %get3A_683, %shift_left3A_689 : vector<16xi32>
        %bitcast_convert_type3A_691 = tpu.bitcast %shift_left3A_690 : vector<16xi32> -> vector<16xf32>
        %add3A_692 = arith.addf %add3A_674, %bitcast_convert_type3A_687 : vector<16xf32>
        %add3A_693 = arith.addf %add3A_675, %bitcast_convert_type3A_691 : vector<16xf32>
        %scan3A_694 = arith.constant 2 : i32
        %scan3A_695 = arith.addi %scan3A_661, %scan3A_694 : i32
        %add3A_696 = arith.constant 50 : i32
        %add3A_697 = arith.addi %add3A_696, %scan3A_695 : i32
        %get3A_698 = arith.index_cast %add3A_697 : i32 to index
        %get3A_699 = arith.constant 0 : index
        %get3A_700 = tpu.vector_load %arg11[%get3A_698, %get3A_699] {strides = array<i32>} : memref<100x16xi32, #tpu.memory_space<vmem>>, vector<1x16xi32>,
        %get3A_701 = vector.shape_cast %get3A_700 : vector<1x16xi32> to vector<16xi32>
        %and3A_702 = arith.constant -65536 : i32
        %and3A_703 = vector.broadcast %and3A_702 : i32 to vector<16xi32>
        %and3A_704 = arith.andi %get3A_701, %and3A_703 : vector<16xi32>
        %bitcast_convert_type3A_705 = tpu.bitcast %and3A_704 : vector<16xi32> -> vector<16xf32>
        %shift_left3A_706 = arith.constant 16 : i32
        %shift_left3A_707 = vector.broadcast %shift_left3A_706 : i32 to vector<16xi32>
        %shift_left3A_708 = arith.shli %get3A_701, %shift_left3A_707 : vector<16xi32>
        %bitcast_convert_type3A_709 = tpu.bitcast %shift_left3A_708 : vector<16xi32> -> vector<16xf32>
        %add3A_710 = arith.addf %add3A_692, %bitcast_convert_type3A_705 : vector<16xf32>
        %add3A_711 = arith.addf %add3A_693, %bitcast_convert_type3A_709 : vector<16xf32>
        %scan3A_712 = arith.constant 3 : i32
        %scan3A_713 = arith.addi %scan3A_661, %scan3A_712 : i32
        %add3A_714 = arith.constant 50 : i32
        %add3A_715 = arith.addi %add3A_714, %scan3A_713 : i32
        %get3A_716 = arith.index_cast %add3A_715 : i32 to index
        %get3A_717 = arith.constant 0 : index
        %get3A_718 = tpu.vector_load %arg11[%get3A_716, %get3A_717] {strides = array<i32>} : memref<100x16xi32, #tpu.memory_space<vmem>>, vector<1x16xi32>,
        %get3A_719 = vector.shape_cast %get3A_718 : vector<1x16xi32> to vector<16xi32>
        %and3A_720 = arith.constant -65536 : i32
        %and3A_721 = vector.broadcast %and3A_720 : i32 to vector<16xi32>
        %and3A_722 = arith.andi %get3A_719, %and3A_721 : vector<16xi32>
        %bitcast_convert_type3A_723 = tpu.bitcast %and3A_722 : vector<16xi32> -> vector<16xf32>
        %shift_left3A_724 = arith.constant 16 : i32
        %shift_left3A_725 = vector.broadcast %shift_left3A_724 : i32 to vector<16xi32>
        %shift_left3A_726 = arith.shli %get3A_719, %shift_left3A_725 : vector<16xi32>
        %bitcast_convert_type3A_727 = tpu.bitcast %shift_left3A_726 : vector<16xi32> -> vector<16xf32>
        %add3A_728 = arith.addf %add3A_710, %bitcast_convert_type3A_723 : vector<16xf32>
        %add3A_729 = arith.addf %add3A_711, %bitcast_convert_type3A_727 : vector<16xf32>
        %scan3A_730 = arith.constant 4 : i32
        %scan3A_731 = arith.addi %scan3A_661, %scan3A_730 : i32
        %add3A_732 = arith.constant 50 : i32
        %add3A_733 = arith.addi %add3A_732, %scan3A_731 : i32
        %get3A_734 = arith.index_cast %add3A_733 : i32 to index
        %get3A_735 = arith.constant 0 : index
        %get3A_736 = tpu.vector_load %arg11[%get3A_734, %get3A_735] {strides = array<i32>} : memref<100x16xi32, #tpu.memory_space<vmem>>, vector<1x16xi32>,
        %get3A_737 = vector.shape_cast %get3A_736 : vector<1x16xi32> to vector<16xi32>
        %and3A_738 = arith.constant -65536 : i32
        %and3A_739 = vector.broadcast %and3A_738 : i32 to vector<16xi32>
        %and3A_740 = arith.andi %get3A_737, %and3A_739 : vector<16xi32>
        %bitcast_convert_type3A_741 = tpu.bitcast %and3A_740 : vector<16xi32> -> vector<16xf32>
        %shift_left3A_742 = arith.constant 16 : i32
        %shift_left3A_743 = vector.broadcast %shift_left3A_742 : i32 to vector<16xi32>
        %shift_left3A_744 = arith.shli %get3A_737, %shift_left3A_743 : vector<16xi32>
        %bitcast_convert_type3A_745 = tpu.bitcast %shift_left3A_744 : vector<16xi32> -> vector<16xf32>
        %add3A_746 = arith.addf %add3A_728, %bitcast_convert_type3A_741 : vector<16xf32>
        %add3A_747 = arith.addf %add3A_729, %bitcast_convert_type3A_745 : vector<16xf32>
        scf.yield %add3A_746, %add3A_747 : vector<16xf32>, vector<16xf32>
      }
      %scan3A_484 = arith.constant 50 : i32
      %mul3A_485 = arith.constant 2 : i32
      %mul3A_486 = arith.muli %add3A_438, %mul3A_485 : i32
      %add3A_487 = arith.constant 1 : i32
      %add3A_488 = arith.addi %mul3A_486, %add3A_487 : i32
      %mul3A_489 = arith.constant 2.000000e-02 : f32
      %mul3A_490 = vector.broadcast %mul3A_489 : f32 to vector<16xf32>
      %mul3A_491 = arith.mulf %scan3A_483#0, %mul3A_490 : vector<16xf32>
      %swap3A_492 = arith.index_cast %add3A_488 : i32 to index
      %swap3A_493 = arith.constant 0 : index
      %swap3A_494 = tpu.vector_load %arg14[%swap3A_492, %swap3A_493] {strides = array<i32>} : memref<512x32xf32, #tpu.memory_space<vmem>>, vector<1x16xf32>,
      %swap3A_495 = vector.shape_cast %swap3A_494 : vector<1x16xf32> to vector<16xf32>
      %swap3A_496 = vector.shape_cast %mul3A_491 : vector<16xf32> to vector<1x16xf32>
      tpu.vector_store %arg14[%swap3A_492, %swap3A_493], %swap3A_496 {strides = array<i32>} : memref<512x32xf32, #tpu.memory_space<vmem>>, vector<1x16xf32>,
      %mul3A_497 = arith.constant 2.000000e-02 : f32
      %mul3A_498 = vector.broadcast %mul3A_497 : f32 to vector<16xf32>
      %mul3A_499 = arith.mulf %scan3A_483#1, %mul3A_498 : vector<16xf32>
      %swap3A_500 = arith.index_cast %add3A_488 : i32 to index
      %swap3A_501 = arith.constant 16 : index
      %swap3A_502 = tpu.vector_load %arg14[%swap3A_500, %swap3A_501] {strides = array<i32>} : memref<512x32xf32, #tpu.memory_space<vmem>>, vector<1x16xf32>,
      %swap3A_503 = vector.shape_cast %swap3A_502 : vector<1x16xf32> to vector<16xf32>
      %swap3A_504 = vector.shape_cast %mul3A_499 : vector<16xf32> to vector<1x16xf32>
      tpu.vector_store %arg14[%swap3A_500, %swap3A_501], %swap3A_504 {strides = array<i32>} : memref<512x32xf32, #tpu.memory_space<vmem>>, vector<1x16xf32>,
      %lt3A_505 = arith.constant 31 : i32
      %lt3A_506 = arith.cmpi slt, %scan3A_64, %lt3A_505 : i32
      %convert_element_type3A_507 = arith.extui %lt3A_506 : i1 to i32
      %cond3A_508 = arith.constant 0 : i32
      %cond3A_509 = arith.cmpi ne, %convert_element_type3A_507, %cond3A_508 : i32
      scf.if %cond3A_509 {
        %add3A_661 = arith.constant 8 : i32
        %add3A_662 = arith.addi %add3A_438, %add3A_661 : i32
        %dma_start3A_663 = arith.constant 0 : i32
        %dma_start3A_664 = tpu.memref_slice %arg5[%add3A_662, %dma_start3A_663] : memref<256x100xi32, #tpu.memory_space<vmem>> -> memref<1x100xi32, #tpu.memory_space<vmem>>
        %dma_start3A_665 = tpu.memref_squeeze %dma_start3A_664 : memref<1x100xi32, #tpu.memory_space<vmem>> -> memref<100xi32, #tpu.memory_space<vmem>>
        %dma_start3A_666 = arith.constant 0 : i32
        %dma_start3A_667 = arith.constant 0 : i32
        %dma_start3A_668 = tpu.memref_slice %arg3[%dma_start3A_666, %dma_start3A_667] : memref<1015808x16xi32, #tpu.memory_space<hbm>> -> memref<1015808x16xi32, #tpu.memory_space<hbm>>
        tpu.enqueue_indirect_dma source(%dma_start3A_668 : memref<1015808x16xi32, #tpu.memory_space<hbm>>) target(%arg11 : memref<100x16xi32, #tpu.memory_space<vmem>>) offsets(%dma_start3A_665 : memref<100xi32, #tpu.memory_space<vmem>>) semaphore(%arg20 : memref<!tpu.dma_semaphore, #tpu.memory_space<semaphore_mem>>)
      } else {
      }
      %mul3A_510 = arith.constant 8 : i32
      %mul3A_511 = arith.muli %scan3A_64, %mul3A_510 : i32
      %add3A_512 = arith.constant 6 : i32
      %add3A_513 = arith.addi %mul3A_511, %add3A_512 : i32
      %dma_wait3A_514 = arith.constant 0 : i32
      %dma_wait3A_515 = tpu.memref_slice %arg5[%add3A_513, %dma_wait3A_514] : memref<256x100xi32, #tpu.memory_space<vmem>> -> memref<1x100xi32, #tpu.memory_space<vmem>>
      %dma_wait3A_516 = tpu.memref_squeeze %dma_wait3A_515 : memref<1x100xi32, #tpu.memory_space<vmem>> -> memref<100xi32, #tpu.memory_space<vmem>>
      %dma_wait3A_517 = arith.constant 0 : i32
      %dma_wait3A_518 = arith.constant 0 : i32
      %dma_wait3A_519 = tpu.memref_slice %arg3[%dma_wait3A_517, %dma_wait3A_518] : memref<1015808x16xi32, #tpu.memory_space<hbm>> -> memref<1015808x16xi32, #tpu.memory_space<hbm>>
      tpu.wait_indirect_dma semaphore(%arg21 : memref<!tpu.dma_semaphore, #tpu.memory_space<semaphore_mem>>) src(%dma_wait3A_519 : memref<1015808x16xi32, #tpu.memory_space<hbm>>) dst(%arg12 : memref<100x16xi32, #tpu.memory_space<vmem>>)
      %broadcast_in_dim3A_520 = arith.constant 0.000000e+00 : f32
      %broadcast_in_dim3A_521 = vector.broadcast %broadcast_in_dim3A_520 : f32 to vector<16xf32>
      %broadcast_in_dim3A_522 = arith.constant 0.000000e+00 : f32
      %broadcast_in_dim3A_523 = vector.broadcast %broadcast_in_dim3A_522 : f32 to vector<16xf32>
      %scan3A_524 = arith.constant 0 : i32
      %scan3A_525 = arith.constant 50 : i32
      %scan3A_526 = arith.addi %scan3A_524, %scan3A_525 : i32
      %scan3A_527 = arith.constant 5 : i32
      %scan3A_528:2 = scf.for %scan3A_661 = %scan3A_524 to %scan3A_526 step %scan3A_527 iter_args(%scan3A_662 = %broadcast_in_dim3A_521, %scan3A_663 = %broadcast_in_dim3A_523) -> (vector<16xf32>, vector<16xf32>)  : i32 {
        %add3A_664 = arith.constant 0 : i32
        %add3A_665 = arith.addi %add3A_664, %scan3A_661 : i32
        %get3A = arith.index_cast %add3A_665 : i32 to index
        %get3A_666 = arith.constant 0 : index
        %get3A_667 = tpu.vector_load %arg12[%get3A, %get3A_666] {strides = array<i32>} : memref<100x16xi32, #tpu.memory_space<vmem>>, vector<1x16xi32>,
        %get3A_668 = vector.shape_cast %get3A_667 : vector<1x16xi32> to vector<16xi32>
        %and3A = arith.constant -65536 : i32
        %and3A_669 = vector.broadcast %and3A : i32 to vector<16xi32>
        %and3A_670 = arith.andi %get3A_668, %and3A_669 : vector<16xi32>
        %bitcast_convert_type3A = tpu.bitcast %and3A_670 : vector<16xi32> -> vector<16xf32>
        %shift_left3A = arith.constant 16 : i32
        %shift_left3A_671 = vector.broadcast %shift_left3A : i32 to vector<16xi32>
        %shift_left3A_672 = arith.shli %get3A_668, %shift_left3A_671 : vector<16xi32>
        %bitcast_convert_type3A_673 = tpu.bitcast %shift_left3A_672 : vector<16xi32> -> vector<16xf32>
        %add3A_674 = arith.addf %scan3A_662, %bitcast_convert_type3A : vector<16xf32>
        %add3A_675 = arith.addf %scan3A_663, %bitcast_convert_type3A_673 : vector<16xf32>
        %scan3A_676 = arith.constant 1 : i32
        %scan3A_677 = arith.addi %scan3A_661, %scan3A_676 : i32
        %add3A_678 = arith.constant 0 : i32
        %add3A_679 = arith.addi %add3A_678, %scan3A_677 : i32
        %get3A_680 = arith.index_cast %add3A_679 : i32 to index
        %get3A_681 = arith.constant 0 : index
        %get3A_682 = tpu.vector_load %arg12[%get3A_680, %get3A_681] {strides = array<i32>} : memref<100x16xi32, #tpu.memory_space<vmem>>, vector<1x16xi32>,
        %get3A_683 = vector.shape_cast %get3A_682 : vector<1x16xi32> to vector<16xi32>
        %and3A_684 = arith.constant -65536 : i32
        %and3A_685 = vector.broadcast %and3A_684 : i32 to vector<16xi32>
        %and3A_686 = arith.andi %get3A_683, %and3A_685 : vector<16xi32>
        %bitcast_convert_type3A_687 = tpu.bitcast %and3A_686 : vector<16xi32> -> vector<16xf32>
        %shift_left3A_688 = arith.constant 16 : i32
        %shift_left3A_689 = vector.broadcast %shift_left3A_688 : i32 to vector<16xi32>
        %shift_left3A_690 = arith.shli %get3A_683, %shift_left3A_689 : vector<16xi32>
        %bitcast_convert_type3A_691 = tpu.bitcast %shift_left3A_690 : vector<16xi32> -> vector<16xf32>
        %add3A_692 = arith.addf %add3A_674, %bitcast_convert_type3A_687 : vector<16xf32>
        %add3A_693 = arith.addf %add3A_675, %bitcast_convert_type3A_691 : vector<16xf32>
        %scan3A_694 = arith.constant 2 : i32
        %scan3A_695 = arith.addi %scan3A_661, %scan3A_694 : i32
        %add3A_696 = arith.constant 0 : i32
        %add3A_697 = arith.addi %add3A_696, %scan3A_695 : i32
        %get3A_698 = arith.index_cast %add3A_697 : i32 to index
        %get3A_699 = arith.constant 0 : index
        %get3A_700 = tpu.vector_load %arg12[%get3A_698, %get3A_699] {strides = array<i32>} : memref<100x16xi32, #tpu.memory_space<vmem>>, vector<1x16xi32>,
        %get3A_701 = vector.shape_cast %get3A_700 : vector<1x16xi32> to vector<16xi32>
        %and3A_702 = arith.constant -65536 : i32
        %and3A_703 = vector.broadcast %and3A_702 : i32 to vector<16xi32>
        %and3A_704 = arith.andi %get3A_701, %and3A_703 : vector<16xi32>
        %bitcast_convert_type3A_705 = tpu.bitcast %and3A_704 : vector<16xi32> -> vector<16xf32>
        %shift_left3A_706 = arith.constant 16 : i32
        %shift_left3A_707 = vector.broadcast %shift_left3A_706 : i32 to vector<16xi32>
        %shift_left3A_708 = arith.shli %get3A_701, %shift_left3A_707 : vector<16xi32>
        %bitcast_convert_type3A_709 = tpu.bitcast %shift_left3A_708 : vector<16xi32> -> vector<16xf32>
        %add3A_710 = arith.addf %add3A_692, %bitcast_convert_type3A_705 : vector<16xf32>
        %add3A_711 = arith.addf %add3A_693, %bitcast_convert_type3A_709 : vector<16xf32>
        %scan3A_712 = arith.constant 3 : i32
        %scan3A_713 = arith.addi %scan3A_661, %scan3A_712 : i32
        %add3A_714 = arith.constant 0 : i32
        %add3A_715 = arith.addi %add3A_714, %scan3A_713 : i32
        %get3A_716 = arith.index_cast %add3A_715 : i32 to index
        %get3A_717 = arith.constant 0 : index
        %get3A_718 = tpu.vector_load %arg12[%get3A_716, %get3A_717] {strides = array<i32>} : memref<100x16xi32, #tpu.memory_space<vmem>>, vector<1x16xi32>,
        %get3A_719 = vector.shape_cast %get3A_718 : vector<1x16xi32> to vector<16xi32>
        %and3A_720 = arith.constant -65536 : i32
        %and3A_721 = vector.broadcast %and3A_720 : i32 to vector<16xi32>
        %and3A_722 = arith.andi %get3A_719, %and3A_721 : vector<16xi32>
        %bitcast_convert_type3A_723 = tpu.bitcast %and3A_722 : vector<16xi32> -> vector<16xf32>
        %shift_left3A_724 = arith.constant 16 : i32
        %shift_left3A_725 = vector.broadcast %shift_left3A_724 : i32 to vector<16xi32>
        %shift_left3A_726 = arith.shli %get3A_719, %shift_left3A_725 : vector<16xi32>
        %bitcast_convert_type3A_727 = tpu.bitcast %shift_left3A_726 : vector<16xi32> -> vector<16xf32>
        %add3A_728 = arith.addf %add3A_710, %bitcast_convert_type3A_723 : vector<16xf32>
        %add3A_729 = arith.addf %add3A_711, %bitcast_convert_type3A_727 : vector<16xf32>
        %scan3A_730 = arith.constant 4 : i32
        %scan3A_731 = arith.addi %scan3A_661, %scan3A_730 : i32
        %add3A_732 = arith.constant 0 : i32
        %add3A_733 = arith.addi %add3A_732, %scan3A_731 : i32
        %get3A_734 = arith.index_cast %add3A_733 : i32 to index
        %get3A_735 = arith.constant 0 : index
        %get3A_736 = tpu.vector_load %arg12[%get3A_734, %get3A_735] {strides = array<i32>} : memref<100x16xi32, #tpu.memory_space<vmem>>, vector<1x16xi32>,
        %get3A_737 = vector.shape_cast %get3A_736 : vector<1x16xi32> to vector<16xi32>
        %and3A_738 = arith.constant -65536 : i32
        %and3A_739 = vector.broadcast %and3A_738 : i32 to vector<16xi32>
        %and3A_740 = arith.andi %get3A_737, %and3A_739 : vector<16xi32>
        %bitcast_convert_type3A_741 = tpu.bitcast %and3A_740 : vector<16xi32> -> vector<16xf32>
        %shift_left3A_742 = arith.constant 16 : i32
        %shift_left3A_743 = vector.broadcast %shift_left3A_742 : i32 to vector<16xi32>
        %shift_left3A_744 = arith.shli %get3A_737, %shift_left3A_743 : vector<16xi32>
        %bitcast_convert_type3A_745 = tpu.bitcast %shift_left3A_744 : vector<16xi32> -> vector<16xf32>
        %add3A_746 = arith.addf %add3A_728, %bitcast_convert_type3A_741 : vector<16xf32>
        %add3A_747 = arith.addf %add3A_729, %bitcast_convert_type3A_745 : vector<16xf32>
        scf.yield %add3A_746, %add3A_747 : vector<16xf32>, vector<16xf32>
      }
      %scan3A_529 = arith.constant 50 : i32
      %mul3A_530 = arith.constant 2 : i32
      %mul3A_531 = arith.muli %add3A_513, %mul3A_530 : i32
      %add3A_532 = arith.constant 0 : i32
      %add3A_533 = arith.addi %mul3A_531, %add3A_532 : i32
      %mul3A_534 = arith.constant 2.000000e-02 : f32
      %mul3A_535 = vector.broadcast %mul3A_534 : f32 to vector<16xf32>
      %mul3A_536 = arith.mulf %scan3A_528#0, %mul3A_535 : vector<16xf32>
      %swap3A_537 = arith.index_cast %add3A_533 : i32 to index
      %swap3A_538 = arith.constant 0 : index
      %swap3A_539 = tpu.vector_load %arg14[%swap3A_537, %swap3A_538] {strides = array<i32>} : memref<512x32xf32, #tpu.memory_space<vmem>>, vector<1x16xf32>,
      %swap3A_540 = vector.shape_cast %swap3A_539 : vector<1x16xf32> to vector<16xf32>
      %swap3A_541 = vector.shape_cast %mul3A_536 : vector<16xf32> to vector<1x16xf32>
      tpu.vector_store %arg14[%swap3A_537, %swap3A_538], %swap3A_541 {strides = array<i32>} : memref<512x32xf32, #tpu.memory_space<vmem>>, vector<1x16xf32>,
      %mul3A_542 = arith.constant 2.000000e-02 : f32
      %mul3A_543 = vector.broadcast %mul3A_542 : f32 to vector<16xf32>
      %mul3A_544 = arith.mulf %scan3A_528#1, %mul3A_543 : vector<16xf32>
      %swap3A_545 = arith.index_cast %add3A_533 : i32 to index
      %swap3A_546 = arith.constant 16 : index
      %swap3A_547 = tpu.vector_load %arg14[%swap3A_545, %swap3A_546] {strides = array<i32>} : memref<512x32xf32, #tpu.memory_space<vmem>>, vector<1x16xf32>,
      %swap3A_548 = vector.shape_cast %swap3A_547 : vector<1x16xf32> to vector<16xf32>
      %swap3A_549 = vector.shape_cast %mul3A_544 : vector<16xf32> to vector<1x16xf32>
      tpu.vector_store %arg14[%swap3A_545, %swap3A_546], %swap3A_549 {strides = array<i32>} : memref<512x32xf32, #tpu.memory_space<vmem>>, vector<1x16xf32>,
      %broadcast_in_dim3A_550 = arith.constant 0.000000e+00 : f32
      %broadcast_in_dim3A_551 = vector.broadcast %broadcast_in_dim3A_550 : f32 to vector<16xf32>
      %broadcast_in_dim3A_552 = arith.constant 0.000000e+00 : f32
      %broadcast_in_dim3A_553 = vector.broadcast %broadcast_in_dim3A_552 : f32 to vector<16xf32>
      %scan3A_554 = arith.constant 0 : i32
      %scan3A_555 = arith.constant 50 : i32
      %scan3A_556 = arith.addi %scan3A_554, %scan3A_555 : i32
      %scan3A_557 = arith.constant 5 : i32
      %scan3A_558:2 = scf.for %scan3A_661 = %scan3A_554 to %scan3A_556 step %scan3A_557 iter_args(%scan3A_662 = %broadcast_in_dim3A_551, %scan3A_663 = %broadcast_in_dim3A_553) -> (vector<16xf32>, vector<16xf32>)  : i32 {
        %add3A_664 = arith.constant 50 : i32
        %add3A_665 = arith.addi %add3A_664, %scan3A_661 : i32
        %get3A = arith.index_cast %add3A_665 : i32 to index
        %get3A_666 = arith.constant 0 : index
        %get3A_667 = tpu.vector_load %arg12[%get3A, %get3A_666] {strides = array<i32>} : memref<100x16xi32, #tpu.memory_space<vmem>>, vector<1x16xi32>,
        %get3A_668 = vector.shape_cast %get3A_667 : vector<1x16xi32> to vector<16xi32>
        %and3A = arith.constant -65536 : i32
        %and3A_669 = vector.broadcast %and3A : i32 to vector<16xi32>
        %and3A_670 = arith.andi %get3A_668, %and3A_669 : vector<16xi32>
        %bitcast_convert_type3A = tpu.bitcast %and3A_670 : vector<16xi32> -> vector<16xf32>
        %shift_left3A = arith.constant 16 : i32
        %shift_left3A_671 = vector.broadcast %shift_left3A : i32 to vector<16xi32>
        %shift_left3A_672 = arith.shli %get3A_668, %shift_left3A_671 : vector<16xi32>
        %bitcast_convert_type3A_673 = tpu.bitcast %shift_left3A_672 : vector<16xi32> -> vector<16xf32>
        %add3A_674 = arith.addf %scan3A_662, %bitcast_convert_type3A : vector<16xf32>
        %add3A_675 = arith.addf %scan3A_663, %bitcast_convert_type3A_673 : vector<16xf32>
        %scan3A_676 = arith.constant 1 : i32
        %scan3A_677 = arith.addi %scan3A_661, %scan3A_676 : i32
        %add3A_678 = arith.constant 50 : i32
        %add3A_679 = arith.addi %add3A_678, %scan3A_677 : i32
        %get3A_680 = arith.index_cast %add3A_679 : i32 to index
        %get3A_681 = arith.constant 0 : index
        %get3A_682 = tpu.vector_load %arg12[%get3A_680, %get3A_681] {strides = array<i32>} : memref<100x16xi32, #tpu.memory_space<vmem>>, vector<1x16xi32>,
        %get3A_683 = vector.shape_cast %get3A_682 : vector<1x16xi32> to vector<16xi32>
        %and3A_684 = arith.constant -65536 : i32
        %and3A_685 = vector.broadcast %and3A_684 : i32 to vector<16xi32>
        %and3A_686 = arith.andi %get3A_683, %and3A_685 : vector<16xi32>
        %bitcast_convert_type3A_687 = tpu.bitcast %and3A_686 : vector<16xi32> -> vector<16xf32>
        %shift_left3A_688 = arith.constant 16 : i32
        %shift_left3A_689 = vector.broadcast %shift_left3A_688 : i32 to vector<16xi32>
        %shift_left3A_690 = arith.shli %get3A_683, %shift_left3A_689 : vector<16xi32>
        %bitcast_convert_type3A_691 = tpu.bitcast %shift_left3A_690 : vector<16xi32> -> vector<16xf32>
        %add3A_692 = arith.addf %add3A_674, %bitcast_convert_type3A_687 : vector<16xf32>
        %add3A_693 = arith.addf %add3A_675, %bitcast_convert_type3A_691 : vector<16xf32>
        %scan3A_694 = arith.constant 2 : i32
        %scan3A_695 = arith.addi %scan3A_661, %scan3A_694 : i32
        %add3A_696 = arith.constant 50 : i32
        %add3A_697 = arith.addi %add3A_696, %scan3A_695 : i32
        %get3A_698 = arith.index_cast %add3A_697 : i32 to index
        %get3A_699 = arith.constant 0 : index
        %get3A_700 = tpu.vector_load %arg12[%get3A_698, %get3A_699] {strides = array<i32>} : memref<100x16xi32, #tpu.memory_space<vmem>>, vector<1x16xi32>,
        %get3A_701 = vector.shape_cast %get3A_700 : vector<1x16xi32> to vector<16xi32>
        %and3A_702 = arith.constant -65536 : i32
        %and3A_703 = vector.broadcast %and3A_702 : i32 to vector<16xi32>
        %and3A_704 = arith.andi %get3A_701, %and3A_703 : vector<16xi32>
        %bitcast_convert_type3A_705 = tpu.bitcast %and3A_704 : vector<16xi32> -> vector<16xf32>
        %shift_left3A_706 = arith.constant 16 : i32
        %shift_left3A_707 = vector.broadcast %shift_left3A_706 : i32 to vector<16xi32>
        %shift_left3A_708 = arith.shli %get3A_701, %shift_left3A_707 : vector<16xi32>
        %bitcast_convert_type3A_709 = tpu.bitcast %shift_left3A_708 : vector<16xi32> -> vector<16xf32>
        %add3A_710 = arith.addf %add3A_692, %bitcast_convert_type3A_705 : vector<16xf32>
        %add3A_711 = arith.addf %add3A_693, %bitcast_convert_type3A_709 : vector<16xf32>
        %scan3A_712 = arith.constant 3 : i32
        %scan3A_713 = arith.addi %scan3A_661, %scan3A_712 : i32
        %add3A_714 = arith.constant 50 : i32
        %add3A_715 = arith.addi %add3A_714, %scan3A_713 : i32
        %get3A_716 = arith.index_cast %add3A_715 : i32 to index
        %get3A_717 = arith.constant 0 : index
        %get3A_718 = tpu.vector_load %arg12[%get3A_716, %get3A_717] {strides = array<i32>} : memref<100x16xi32, #tpu.memory_space<vmem>>, vector<1x16xi32>,
        %get3A_719 = vector.shape_cast %get3A_718 : vector<1x16xi32> to vector<16xi32>
        %and3A_720 = arith.constant -65536 : i32
        %and3A_721 = vector.broadcast %and3A_720 : i32 to vector<16xi32>
        %and3A_722 = arith.andi %get3A_719, %and3A_721 : vector<16xi32>
        %bitcast_convert_type3A_723 = tpu.bitcast %and3A_722 : vector<16xi32> -> vector<16xf32>
        %shift_left3A_724 = arith.constant 16 : i32
        %shift_left3A_725 = vector.broadcast %shift_left3A_724 : i32 to vector<16xi32>
        %shift_left3A_726 = arith.shli %get3A_719, %shift_left3A_725 : vector<16xi32>
        %bitcast_convert_type3A_727 = tpu.bitcast %shift_left3A_726 : vector<16xi32> -> vector<16xf32>
        %add3A_728 = arith.addf %add3A_710, %bitcast_convert_type3A_723 : vector<16xf32>
        %add3A_729 = arith.addf %add3A_711, %bitcast_convert_type3A_727 : vector<16xf32>
        %scan3A_730 = arith.constant 4 : i32
        %scan3A_731 = arith.addi %scan3A_661, %scan3A_730 : i32
        %add3A_732 = arith.constant 50 : i32
        %add3A_733 = arith.addi %add3A_732, %scan3A_731 : i32
        %get3A_734 = arith.index_cast %add3A_733 : i32 to index
        %get3A_735 = arith.constant 0 : index
        %get3A_736 = tpu.vector_load %arg12[%get3A_734, %get3A_735] {strides = array<i32>} : memref<100x16xi32, #tpu.memory_space<vmem>>, vector<1x16xi32>,
        %get3A_737 = vector.shape_cast %get3A_736 : vector<1x16xi32> to vector<16xi32>
        %and3A_738 = arith.constant -65536 : i32
        %and3A_739 = vector.broadcast %and3A_738 : i32 to vector<16xi32>
        %and3A_740 = arith.andi %get3A_737, %and3A_739 : vector<16xi32>
        %bitcast_convert_type3A_741 = tpu.bitcast %and3A_740 : vector<16xi32> -> vector<16xf32>
        %shift_left3A_742 = arith.constant 16 : i32
        %shift_left3A_743 = vector.broadcast %shift_left3A_742 : i32 to vector<16xi32>
        %shift_left3A_744 = arith.shli %get3A_737, %shift_left3A_743 : vector<16xi32>
        %bitcast_convert_type3A_745 = tpu.bitcast %shift_left3A_744 : vector<16xi32> -> vector<16xf32>
        %add3A_746 = arith.addf %add3A_728, %bitcast_convert_type3A_741 : vector<16xf32>
        %add3A_747 = arith.addf %add3A_729, %bitcast_convert_type3A_745 : vector<16xf32>
        scf.yield %add3A_746, %add3A_747 : vector<16xf32>, vector<16xf32>
      }
      %scan3A_559 = arith.constant 50 : i32
      %mul3A_560 = arith.constant 2 : i32
      %mul3A_561 = arith.muli %add3A_513, %mul3A_560 : i32
      %add3A_562 = arith.constant 1 : i32
      %add3A_563 = arith.addi %mul3A_561, %add3A_562 : i32
      %mul3A_564 = arith.constant 2.000000e-02 : f32
      %mul3A_565 = vector.broadcast %mul3A_564 : f32 to vector<16xf32>
      %mul3A_566 = arith.mulf %scan3A_558#0, %mul3A_565 : vector<16xf32>
      %swap3A_567 = arith.index_cast %add3A_563 : i32 to index
      %swap3A_568 = arith.constant 0 : index
      %swap3A_569 = tpu.vector_load %arg14[%swap3A_567, %swap3A_568] {strides = array<i32>} : memref<512x32xf32, #tpu.memory_space<vmem>>, vector<1x16xf32>,
      %swap3A_570 = vector.shape_cast %swap3A_569 : vector<1x16xf32> to vector<16xf32>
      %swap3A_571 = vector.shape_cast %mul3A_566 : vector<16xf32> to vector<1x16xf32>
      tpu.vector_store %arg14[%swap3A_567, %swap3A_568], %swap3A_571 {strides = array<i32>} : memref<512x32xf32, #tpu.memory_space<vmem>>, vector<1x16xf32>,
      %mul3A_572 = arith.constant 2.000000e-02 : f32
      %mul3A_573 = vector.broadcast %mul3A_572 : f32 to vector<16xf32>
      %mul3A_574 = arith.mulf %scan3A_558#1, %mul3A_573 : vector<16xf32>
      %swap3A_575 = arith.index_cast %add3A_563 : i32 to index
      %swap3A_576 = arith.constant 16 : index
      %swap3A_577 = tpu.vector_load %arg14[%swap3A_575, %swap3A_576] {strides = array<i32>} : memref<512x32xf32, #tpu.memory_space<vmem>>, vector<1x16xf32>,
      %swap3A_578 = vector.shape_cast %swap3A_577 : vector<1x16xf32> to vector<16xf32>
      %swap3A_579 = vector.shape_cast %mul3A_574 : vector<16xf32> to vector<1x16xf32>
      tpu.vector_store %arg14[%swap3A_575, %swap3A_576], %swap3A_579 {strides = array<i32>} : memref<512x32xf32, #tpu.memory_space<vmem>>, vector<1x16xf32>,
      %lt3A_580 = arith.constant 31 : i32
      %lt3A_581 = arith.cmpi slt, %scan3A_64, %lt3A_580 : i32
      %convert_element_type3A_582 = arith.extui %lt3A_581 : i1 to i32
      %cond3A_583 = arith.constant 0 : i32
      %cond3A_584 = arith.cmpi ne, %convert_element_type3A_582, %cond3A_583 : i32
      scf.if %cond3A_584 {
        %add3A_661 = arith.constant 8 : i32
        %add3A_662 = arith.addi %add3A_513, %add3A_661 : i32
        %dma_start3A_663 = arith.constant 0 : i32
        %dma_start3A_664 = tpu.memref_slice %arg5[%add3A_662, %dma_start3A_663] : memref<256x100xi32, #tpu.memory_space<vmem>> -> memref<1x100xi32, #tpu.memory_space<vmem>>
        %dma_start3A_665 = tpu.memref_squeeze %dma_start3A_664 : memref<1x100xi32, #tpu.memory_space<vmem>> -> memref<100xi32, #tpu.memory_space<vmem>>
        %dma_start3A_666 = arith.constant 0 : i32
        %dma_start3A_667 = arith.constant 0 : i32
        %dma_start3A_668 = tpu.memref_slice %arg3[%dma_start3A_666, %dma_start3A_667] : memref<1015808x16xi32, #tpu.memory_space<hbm>> -> memref<1015808x16xi32, #tpu.memory_space<hbm>>
        tpu.enqueue_indirect_dma source(%dma_start3A_668 : memref<1015808x16xi32, #tpu.memory_space<hbm>>) target(%arg12 : memref<100x16xi32, #tpu.memory_space<vmem>>) offsets(%dma_start3A_665 : memref<100xi32, #tpu.memory_space<vmem>>) semaphore(%arg21 : memref<!tpu.dma_semaphore, #tpu.memory_space<semaphore_mem>>)
      } else {
      }
      %mul3A_585 = arith.constant 8 : i32
      %mul3A_586 = arith.muli %scan3A_64, %mul3A_585 : i32
      %add3A_587 = arith.constant 7 : i32
      %add3A_588 = arith.addi %mul3A_586, %add3A_587 : i32
      %dma_wait3A_589 = arith.constant 0 : i32
      %dma_wait3A_590 = tpu.memref_slice %arg5[%add3A_588, %dma_wait3A_589] : memref<256x100xi32, #tpu.memory_space<vmem>> -> memref<1x100xi32, #tpu.memory_space<vmem>>
      %dma_wait3A_591 = tpu.memref_squeeze %dma_wait3A_590 : memref<1x100xi32, #tpu.memory_space<vmem>> -> memref<100xi32, #tpu.memory_space<vmem>>
      %dma_wait3A_592 = arith.constant 0 : i32
      %dma_wait3A_593 = arith.constant 0 : i32
      %dma_wait3A_594 = tpu.memref_slice %arg3[%dma_wait3A_592, %dma_wait3A_593] : memref<1015808x16xi32, #tpu.memory_space<hbm>> -> memref<1015808x16xi32, #tpu.memory_space<hbm>>
      tpu.wait_indirect_dma semaphore(%arg22 : memref<!tpu.dma_semaphore, #tpu.memory_space<semaphore_mem>>) src(%dma_wait3A_594 : memref<1015808x16xi32, #tpu.memory_space<hbm>>) dst(%arg13 : memref<100x16xi32, #tpu.memory_space<vmem>>)
      %broadcast_in_dim3A_595 = arith.constant 0.000000e+00 : f32
      %broadcast_in_dim3A_596 = vector.broadcast %broadcast_in_dim3A_595 : f32 to vector<16xf32>
      %broadcast_in_dim3A_597 = arith.constant 0.000000e+00 : f32
      %broadcast_in_dim3A_598 = vector.broadcast %broadcast_in_dim3A_597 : f32 to vector<16xf32>
      %scan3A_599 = arith.constant 0 : i32
      %scan3A_600 = arith.constant 50 : i32
      %scan3A_601 = arith.addi %scan3A_599, %scan3A_600 : i32
      %scan3A_602 = arith.constant 5 : i32
      %scan3A_603:2 = scf.for %scan3A_661 = %scan3A_599 to %scan3A_601 step %scan3A_602 iter_args(%scan3A_662 = %broadcast_in_dim3A_596, %scan3A_663 = %broadcast_in_dim3A_598) -> (vector<16xf32>, vector<16xf32>)  : i32 {
        %add3A_664 = arith.constant 0 : i32
        %add3A_665 = arith.addi %add3A_664, %scan3A_661 : i32
        %get3A = arith.index_cast %add3A_665 : i32 to index
        %get3A_666 = arith.constant 0 : index
        %get3A_667 = tpu.vector_load %arg13[%get3A, %get3A_666] {strides = array<i32>} : memref<100x16xi32, #tpu.memory_space<vmem>>, vector<1x16xi32>,
        %get3A_668 = vector.shape_cast %get3A_667 : vector<1x16xi32> to vector<16xi32>
        %and3A = arith.constant -65536 : i32
        %and3A_669 = vector.broadcast %and3A : i32 to vector<16xi32>
        %and3A_670 = arith.andi %get3A_668, %and3A_669 : vector<16xi32>
        %bitcast_convert_type3A = tpu.bitcast %and3A_670 : vector<16xi32> -> vector<16xf32>
        %shift_left3A = arith.constant 16 : i32
        %shift_left3A_671 = vector.broadcast %shift_left3A : i32 to vector<16xi32>
        %shift_left3A_672 = arith.shli %get3A_668, %shift_left3A_671 : vector<16xi32>
        %bitcast_convert_type3A_673 = tpu.bitcast %shift_left3A_672 : vector<16xi32> -> vector<16xf32>
        %add3A_674 = arith.addf %scan3A_662, %bitcast_convert_type3A : vector<16xf32>
        %add3A_675 = arith.addf %scan3A_663, %bitcast_convert_type3A_673 : vector<16xf32>
        %scan3A_676 = arith.constant 1 : i32
        %scan3A_677 = arith.addi %scan3A_661, %scan3A_676 : i32
        %add3A_678 = arith.constant 0 : i32
        %add3A_679 = arith.addi %add3A_678, %scan3A_677 : i32
        %get3A_680 = arith.index_cast %add3A_679 : i32 to index
        %get3A_681 = arith.constant 0 : index
        %get3A_682 = tpu.vector_load %arg13[%get3A_680, %get3A_681] {strides = array<i32>} : memref<100x16xi32, #tpu.memory_space<vmem>>, vector<1x16xi32>,
        %get3A_683 = vector.shape_cast %get3A_682 : vector<1x16xi32> to vector<16xi32>
        %and3A_684 = arith.constant -65536 : i32
        %and3A_685 = vector.broadcast %and3A_684 : i32 to vector<16xi32>
        %and3A_686 = arith.andi %get3A_683, %and3A_685 : vector<16xi32>
        %bitcast_convert_type3A_687 = tpu.bitcast %and3A_686 : vector<16xi32> -> vector<16xf32>
        %shift_left3A_688 = arith.constant 16 : i32
        %shift_left3A_689 = vector.broadcast %shift_left3A_688 : i32 to vector<16xi32>
        %shift_left3A_690 = arith.shli %get3A_683, %shift_left3A_689 : vector<16xi32>
        %bitcast_convert_type3A_691 = tpu.bitcast %shift_left3A_690 : vector<16xi32> -> vector<16xf32>
        %add3A_692 = arith.addf %add3A_674, %bitcast_convert_type3A_687 : vector<16xf32>
        %add3A_693 = arith.addf %add3A_675, %bitcast_convert_type3A_691 : vector<16xf32>
        %scan3A_694 = arith.constant 2 : i32
        %scan3A_695 = arith.addi %scan3A_661, %scan3A_694 : i32
        %add3A_696 = arith.constant 0 : i32
        %add3A_697 = arith.addi %add3A_696, %scan3A_695 : i32
        %get3A_698 = arith.index_cast %add3A_697 : i32 to index
        %get3A_699 = arith.constant 0 : index
        %get3A_700 = tpu.vector_load %arg13[%get3A_698, %get3A_699] {strides = array<i32>} : memref<100x16xi32, #tpu.memory_space<vmem>>, vector<1x16xi32>,
        %get3A_701 = vector.shape_cast %get3A_700 : vector<1x16xi32> to vector<16xi32>
        %and3A_702 = arith.constant -65536 : i32
        %and3A_703 = vector.broadcast %and3A_702 : i32 to vector<16xi32>
        %and3A_704 = arith.andi %get3A_701, %and3A_703 : vector<16xi32>
        %bitcast_convert_type3A_705 = tpu.bitcast %and3A_704 : vector<16xi32> -> vector<16xf32>
        %shift_left3A_706 = arith.constant 16 : i32
        %shift_left3A_707 = vector.broadcast %shift_left3A_706 : i32 to vector<16xi32>
        %shift_left3A_708 = arith.shli %get3A_701, %shift_left3A_707 : vector<16xi32>
        %bitcast_convert_type3A_709 = tpu.bitcast %shift_left3A_708 : vector<16xi32> -> vector<16xf32>
        %add3A_710 = arith.addf %add3A_692, %bitcast_convert_type3A_705 : vector<16xf32>
        %add3A_711 = arith.addf %add3A_693, %bitcast_convert_type3A_709 : vector<16xf32>
        %scan3A_712 = arith.constant 3 : i32
        %scan3A_713 = arith.addi %scan3A_661, %scan3A_712 : i32
        %add3A_714 = arith.constant 0 : i32
        %add3A_715 = arith.addi %add3A_714, %scan3A_713 : i32
        %get3A_716 = arith.index_cast %add3A_715 : i32 to index
        %get3A_717 = arith.constant 0 : index
        %get3A_718 = tpu.vector_load %arg13[%get3A_716, %get3A_717] {strides = array<i32>} : memref<100x16xi32, #tpu.memory_space<vmem>>, vector<1x16xi32>,
        %get3A_719 = vector.shape_cast %get3A_718 : vector<1x16xi32> to vector<16xi32>
        %and3A_720 = arith.constant -65536 : i32
        %and3A_721 = vector.broadcast %and3A_720 : i32 to vector<16xi32>
        %and3A_722 = arith.andi %get3A_719, %and3A_721 : vector<16xi32>
        %bitcast_convert_type3A_723 = tpu.bitcast %and3A_722 : vector<16xi32> -> vector<16xf32>
        %shift_left3A_724 = arith.constant 16 : i32
        %shift_left3A_725 = vector.broadcast %shift_left3A_724 : i32 to vector<16xi32>
        %shift_left3A_726 = arith.shli %get3A_719, %shift_left3A_725 : vector<16xi32>
        %bitcast_convert_type3A_727 = tpu.bitcast %shift_left3A_726 : vector<16xi32> -> vector<16xf32>
        %add3A_728 = arith.addf %add3A_710, %bitcast_convert_type3A_723 : vector<16xf32>
        %add3A_729 = arith.addf %add3A_711, %bitcast_convert_type3A_727 : vector<16xf32>
        %scan3A_730 = arith.constant 4 : i32
        %scan3A_731 = arith.addi %scan3A_661, %scan3A_730 : i32
        %add3A_732 = arith.constant 0 : i32
        %add3A_733 = arith.addi %add3A_732, %scan3A_731 : i32
        %get3A_734 = arith.index_cast %add3A_733 : i32 to index
        %get3A_735 = arith.constant 0 : index
        %get3A_736 = tpu.vector_load %arg13[%get3A_734, %get3A_735] {strides = array<i32>} : memref<100x16xi32, #tpu.memory_space<vmem>>, vector<1x16xi32>,
        %get3A_737 = vector.shape_cast %get3A_736 : vector<1x16xi32> to vector<16xi32>
        %and3A_738 = arith.constant -65536 : i32
        %and3A_739 = vector.broadcast %and3A_738 : i32 to vector<16xi32>
        %and3A_740 = arith.andi %get3A_737, %and3A_739 : vector<16xi32>
        %bitcast_convert_type3A_741 = tpu.bitcast %and3A_740 : vector<16xi32> -> vector<16xf32>
        %shift_left3A_742 = arith.constant 16 : i32
        %shift_left3A_743 = vector.broadcast %shift_left3A_742 : i32 to vector<16xi32>
        %shift_left3A_744 = arith.shli %get3A_737, %shift_left3A_743 : vector<16xi32>
        %bitcast_convert_type3A_745 = tpu.bitcast %shift_left3A_744 : vector<16xi32> -> vector<16xf32>
        %add3A_746 = arith.addf %add3A_728, %bitcast_convert_type3A_741 : vector<16xf32>
        %add3A_747 = arith.addf %add3A_729, %bitcast_convert_type3A_745 : vector<16xf32>
        scf.yield %add3A_746, %add3A_747 : vector<16xf32>, vector<16xf32>
      }
      %scan3A_604 = arith.constant 50 : i32
      %mul3A_605 = arith.constant 2 : i32
      %mul3A_606 = arith.muli %add3A_588, %mul3A_605 : i32
      %add3A_607 = arith.constant 0 : i32
      %add3A_608 = arith.addi %mul3A_606, %add3A_607 : i32
      %mul3A_609 = arith.constant 2.000000e-02 : f32
      %mul3A_610 = vector.broadcast %mul3A_609 : f32 to vector<16xf32>
      %mul3A_611 = arith.mulf %scan3A_603#0, %mul3A_610 : vector<16xf32>
      %swap3A_612 = arith.index_cast %add3A_608 : i32 to index
      %swap3A_613 = arith.constant 0 : index
      %swap3A_614 = tpu.vector_load %arg14[%swap3A_612, %swap3A_613] {strides = array<i32>} : memref<512x32xf32, #tpu.memory_space<vmem>>, vector<1x16xf32>,
      %swap3A_615 = vector.shape_cast %swap3A_614 : vector<1x16xf32> to vector<16xf32>
      %swap3A_616 = vector.shape_cast %mul3A_611 : vector<16xf32> to vector<1x16xf32>
      tpu.vector_store %arg14[%swap3A_612, %swap3A_613], %swap3A_616 {strides = array<i32>} : memref<512x32xf32, #tpu.memory_space<vmem>>, vector<1x16xf32>,
      %mul3A_617 = arith.constant 2.000000e-02 : f32
      %mul3A_618 = vector.broadcast %mul3A_617 : f32 to vector<16xf32>
      %mul3A_619 = arith.mulf %scan3A_603#1, %mul3A_618 : vector<16xf32>
      %swap3A_620 = arith.index_cast %add3A_608 : i32 to index
      %swap3A_621 = arith.constant 16 : index
      %swap3A_622 = tpu.vector_load %arg14[%swap3A_620, %swap3A_621] {strides = array<i32>} : memref<512x32xf32, #tpu.memory_space<vmem>>, vector<1x16xf32>,
      %swap3A_623 = vector.shape_cast %swap3A_622 : vector<1x16xf32> to vector<16xf32>
      %swap3A_624 = vector.shape_cast %mul3A_619 : vector<16xf32> to vector<1x16xf32>
      tpu.vector_store %arg14[%swap3A_620, %swap3A_621], %swap3A_624 {strides = array<i32>} : memref<512x32xf32, #tpu.memory_space<vmem>>, vector<1x16xf32>,
      %broadcast_in_dim3A_625 = arith.constant 0.000000e+00 : f32
      %broadcast_in_dim3A_626 = vector.broadcast %broadcast_in_dim3A_625 : f32 to vector<16xf32>
      %broadcast_in_dim3A_627 = arith.constant 0.000000e+00 : f32
      %broadcast_in_dim3A_628 = vector.broadcast %broadcast_in_dim3A_627 : f32 to vector<16xf32>
      %scan3A_629 = arith.constant 0 : i32
      %scan3A_630 = arith.constant 50 : i32
      %scan3A_631 = arith.addi %scan3A_629, %scan3A_630 : i32
      %scan3A_632 = arith.constant 5 : i32
      %scan3A_633:2 = scf.for %scan3A_661 = %scan3A_629 to %scan3A_631 step %scan3A_632 iter_args(%scan3A_662 = %broadcast_in_dim3A_626, %scan3A_663 = %broadcast_in_dim3A_628) -> (vector<16xf32>, vector<16xf32>)  : i32 {
        %add3A_664 = arith.constant 50 : i32
        %add3A_665 = arith.addi %add3A_664, %scan3A_661 : i32
        %get3A = arith.index_cast %add3A_665 : i32 to index
        %get3A_666 = arith.constant 0 : index
        %get3A_667 = tpu.vector_load %arg13[%get3A, %get3A_666] {strides = array<i32>} : memref<100x16xi32, #tpu.memory_space<vmem>>, vector<1x16xi32>,
        %get3A_668 = vector.shape_cast %get3A_667 : vector<1x16xi32> to vector<16xi32>
        %and3A = arith.constant -65536 : i32
        %and3A_669 = vector.broadcast %and3A : i32 to vector<16xi32>
        %and3A_670 = arith.andi %get3A_668, %and3A_669 : vector<16xi32>
        %bitcast_convert_type3A = tpu.bitcast %and3A_670 : vector<16xi32> -> vector<16xf32>
        %shift_left3A = arith.constant 16 : i32
        %shift_left3A_671 = vector.broadcast %shift_left3A : i32 to vector<16xi32>
        %shift_left3A_672 = arith.shli %get3A_668, %shift_left3A_671 : vector<16xi32>
        %bitcast_convert_type3A_673 = tpu.bitcast %shift_left3A_672 : vector<16xi32> -> vector<16xf32>
        %add3A_674 = arith.addf %scan3A_662, %bitcast_convert_type3A : vector<16xf32>
        %add3A_675 = arith.addf %scan3A_663, %bitcast_convert_type3A_673 : vector<16xf32>
        %scan3A_676 = arith.constant 1 : i32
        %scan3A_677 = arith.addi %scan3A_661, %scan3A_676 : i32
        %add3A_678 = arith.constant 50 : i32
        %add3A_679 = arith.addi %add3A_678, %scan3A_677 : i32
        %get3A_680 = arith.index_cast %add3A_679 : i32 to index
        %get3A_681 = arith.constant 0 : index
        %get3A_682 = tpu.vector_load %arg13[%get3A_680, %get3A_681] {strides = array<i32>} : memref<100x16xi32, #tpu.memory_space<vmem>>, vector<1x16xi32>,
        %get3A_683 = vector.shape_cast %get3A_682 : vector<1x16xi32> to vector<16xi32>
        %and3A_684 = arith.constant -65536 : i32
        %and3A_685 = vector.broadcast %and3A_684 : i32 to vector<16xi32>
        %and3A_686 = arith.andi %get3A_683, %and3A_685 : vector<16xi32>
        %bitcast_convert_type3A_687 = tpu.bitcast %and3A_686 : vector<16xi32> -> vector<16xf32>
        %shift_left3A_688 = arith.constant 16 : i32
        %shift_left3A_689 = vector.broadcast %shift_left3A_688 : i32 to vector<16xi32>
        %shift_left3A_690 = arith.shli %get3A_683, %shift_left3A_689 : vector<16xi32>
        %bitcast_convert_type3A_691 = tpu.bitcast %shift_left3A_690 : vector<16xi32> -> vector<16xf32>
        %add3A_692 = arith.addf %add3A_674, %bitcast_convert_type3A_687 : vector<16xf32>
        %add3A_693 = arith.addf %add3A_675, %bitcast_convert_type3A_691 : vector<16xf32>
        %scan3A_694 = arith.constant 2 : i32
        %scan3A_695 = arith.addi %scan3A_661, %scan3A_694 : i32
        %add3A_696 = arith.constant 50 : i32
        %add3A_697 = arith.addi %add3A_696, %scan3A_695 : i32
        %get3A_698 = arith.index_cast %add3A_697 : i32 to index
        %get3A_699 = arith.constant 0 : index
        %get3A_700 = tpu.vector_load %arg13[%get3A_698, %get3A_699] {strides = array<i32>} : memref<100x16xi32, #tpu.memory_space<vmem>>, vector<1x16xi32>,
        %get3A_701 = vector.shape_cast %get3A_700 : vector<1x16xi32> to vector<16xi32>
        %and3A_702 = arith.constant -65536 : i32
        %and3A_703 = vector.broadcast %and3A_702 : i32 to vector<16xi32>
        %and3A_704 = arith.andi %get3A_701, %and3A_703 : vector<16xi32>
        %bitcast_convert_type3A_705 = tpu.bitcast %and3A_704 : vector<16xi32> -> vector<16xf32>
        %shift_left3A_706 = arith.constant 16 : i32
        %shift_left3A_707 = vector.broadcast %shift_left3A_706 : i32 to vector<16xi32>
        %shift_left3A_708 = arith.shli %get3A_701, %shift_left3A_707 : vector<16xi32>
        %bitcast_convert_type3A_709 = tpu.bitcast %shift_left3A_708 : vector<16xi32> -> vector<16xf32>
        %add3A_710 = arith.addf %add3A_692, %bitcast_convert_type3A_705 : vector<16xf32>
        %add3A_711 = arith.addf %add3A_693, %bitcast_convert_type3A_709 : vector<16xf32>
        %scan3A_712 = arith.constant 3 : i32
        %scan3A_713 = arith.addi %scan3A_661, %scan3A_712 : i32
        %add3A_714 = arith.constant 50 : i32
        %add3A_715 = arith.addi %add3A_714, %scan3A_713 : i32
        %get3A_716 = arith.index_cast %add3A_715 : i32 to index
        %get3A_717 = arith.constant 0 : index
        %get3A_718 = tpu.vector_load %arg13[%get3A_716, %get3A_717] {strides = array<i32>} : memref<100x16xi32, #tpu.memory_space<vmem>>, vector<1x16xi32>,
        %get3A_719 = vector.shape_cast %get3A_718 : vector<1x16xi32> to vector<16xi32>
        %and3A_720 = arith.constant -65536 : i32
        %and3A_721 = vector.broadcast %and3A_720 : i32 to vector<16xi32>
        %and3A_722 = arith.andi %get3A_719, %and3A_721 : vector<16xi32>
        %bitcast_convert_type3A_723 = tpu.bitcast %and3A_722 : vector<16xi32> -> vector<16xf32>
        %shift_left3A_724 = arith.constant 16 : i32
        %shift_left3A_725 = vector.broadcast %shift_left3A_724 : i32 to vector<16xi32>
        %shift_left3A_726 = arith.shli %get3A_719, %shift_left3A_725 : vector<16xi32>
        %bitcast_convert_type3A_727 = tpu.bitcast %shift_left3A_726 : vector<16xi32> -> vector<16xf32>
        %add3A_728 = arith.addf %add3A_710, %bitcast_convert_type3A_723 : vector<16xf32>
        %add3A_729 = arith.addf %add3A_711, %bitcast_convert_type3A_727 : vector<16xf32>
        %scan3A_730 = arith.constant 4 : i32
        %scan3A_731 = arith.addi %scan3A_661, %scan3A_730 : i32
        %add3A_732 = arith.constant 50 : i32
        %add3A_733 = arith.addi %add3A_732, %scan3A_731 : i32
        %get3A_734 = arith.index_cast %add3A_733 : i32 to index
        %get3A_735 = arith.constant 0 : index
        %get3A_736 = tpu.vector_load %arg13[%get3A_734, %get3A_735] {strides = array<i32>} : memref<100x16xi32, #tpu.memory_space<vmem>>, vector<1x16xi32>,
        %get3A_737 = vector.shape_cast %get3A_736 : vector<1x16xi32> to vector<16xi32>
        %and3A_738 = arith.constant -65536 : i32
        %and3A_739 = vector.broadcast %and3A_738 : i32 to vector<16xi32>
        %and3A_740 = arith.andi %get3A_737, %and3A_739 : vector<16xi32>
        %bitcast_convert_type3A_741 = tpu.bitcast %and3A_740 : vector<16xi32> -> vector<16xf32>
        %shift_left3A_742 = arith.constant 16 : i32
        %shift_left3A_743 = vector.broadcast %shift_left3A_742 : i32 to vector<16xi32>
        %shift_left3A_744 = arith.shli %get3A_737, %shift_left3A_743 : vector<16xi32>
        %bitcast_convert_type3A_745 = tpu.bitcast %shift_left3A_744 : vector<16xi32> -> vector<16xf32>
        %add3A_746 = arith.addf %add3A_728, %bitcast_convert_type3A_741 : vector<16xf32>
        %add3A_747 = arith.addf %add3A_729, %bitcast_convert_type3A_745 : vector<16xf32>
        scf.yield %add3A_746, %add3A_747 : vector<16xf32>, vector<16xf32>
      }
      %scan3A_634 = arith.constant 50 : i32
      %mul3A_635 = arith.constant 2 : i32
      %mul3A_636 = arith.muli %add3A_588, %mul3A_635 : i32
      %add3A_637 = arith.constant 1 : i32
      %add3A_638 = arith.addi %mul3A_636, %add3A_637 : i32
      %mul3A_639 = arith.constant 2.000000e-02 : f32
      %mul3A_640 = vector.broadcast %mul3A_639 : f32 to vector<16xf32>
      %mul3A_641 = arith.mulf %scan3A_633#0, %mul3A_640 : vector<16xf32>
      %swap3A_642 = arith.index_cast %add3A_638 : i32 to index
      %swap3A_643 = arith.constant 0 : index
      %swap3A_644 = tpu.vector_load %arg14[%swap3A_642, %swap3A_643] {strides = array<i32>} : memref<512x32xf32, #tpu.memory_space<vmem>>, vector<1x16xf32>,
      %swap3A_645 = vector.shape_cast %swap3A_644 : vector<1x16xf32> to vector<16xf32>
      %swap3A_646 = vector.shape_cast %mul3A_641 : vector<16xf32> to vector<1x16xf32>
      tpu.vector_store %arg14[%swap3A_642, %swap3A_643], %swap3A_646 {strides = array<i32>} : memref<512x32xf32, #tpu.memory_space<vmem>>, vector<1x16xf32>,
      %mul3A_647 = arith.constant 2.000000e-02 : f32
      %mul3A_648 = vector.broadcast %mul3A_647 : f32 to vector<16xf32>
      %mul3A_649 = arith.mulf %scan3A_633#1, %mul3A_648 : vector<16xf32>
      %swap3A_650 = arith.index_cast %add3A_638 : i32 to index
      %swap3A_651 = arith.constant 16 : index
      %swap3A_652 = tpu.vector_load %arg14[%swap3A_650, %swap3A_651] {strides = array<i32>} : memref<512x32xf32, #tpu.memory_space<vmem>>, vector<1x16xf32>,
      %swap3A_653 = vector.shape_cast %swap3A_652 : vector<1x16xf32> to vector<16xf32>
      %swap3A_654 = vector.shape_cast %mul3A_649 : vector<16xf32> to vector<1x16xf32>
      tpu.vector_store %arg14[%swap3A_650, %swap3A_651], %swap3A_654 {strides = array<i32>} : memref<512x32xf32, #tpu.memory_space<vmem>>, vector<1x16xf32>,
      %lt3A_655 = arith.constant 31 : i32
      %lt3A_656 = arith.cmpi slt, %scan3A_64, %lt3A_655 : i32
      %convert_element_type3A_657 = arith.extui %lt3A_656 : i1 to i32
      %cond3A_658 = arith.constant 0 : i32
      %cond3A_659 = arith.cmpi ne, %convert_element_type3A_657, %cond3A_658 : i32
      scf.if %cond3A_659 {
        %add3A_661 = arith.constant 8 : i32
        %add3A_662 = arith.addi %add3A_588, %add3A_661 : i32
        %dma_start3A_663 = arith.constant 0 : i32
        %dma_start3A_664 = tpu.memref_slice %arg5[%add3A_662, %dma_start3A_663] : memref<256x100xi32, #tpu.memory_space<vmem>> -> memref<1x100xi32, #tpu.memory_space<vmem>>
        %dma_start3A_665 = tpu.memref_squeeze %dma_start3A_664 : memref<1x100xi32, #tpu.memory_space<vmem>> -> memref<100xi32, #tpu.memory_space<vmem>>
        %dma_start3A_666 = arith.constant 0 : i32
        %dma_start3A_667 = arith.constant 0 : i32
        %dma_start3A_668 = tpu.memref_slice %arg3[%dma_start3A_666, %dma_start3A_667] : memref<1015808x16xi32, #tpu.memory_space<hbm>> -> memref<1015808x16xi32, #tpu.memory_space<hbm>>
        tpu.enqueue_indirect_dma source(%dma_start3A_668 : memref<1015808x16xi32, #tpu.memory_space<hbm>>) target(%arg13 : memref<100x16xi32, #tpu.memory_space<vmem>>) offsets(%dma_start3A_665 : memref<100xi32, #tpu.memory_space<vmem>>) semaphore(%arg22 : memref<!tpu.dma_semaphore, #tpu.memory_space<semaphore_mem>>)
      } else {
      }
      %scan3A_660 = arith.constant 0 : i32
      scf.yield %scan3A_660 : i32
    }
    %scan3A_63 = arith.constant 32 : i32
    "tpu.region"() ({
      %run_scoped3A = tpu.sem_alloc : memref<!tpu.dma_semaphore, #tpu.memory_space<semaphore_mem>>
      %dma_start3A_64 = arith.constant 0 : i32
      %dma_start3A_65 = tpu.memref_slice %arg4[%mul3A_2, %dma_start3A_64] : memref<16384x32xf32, #tpu.memory_space<hbm>> -> memref<512x32xf32, #tpu.memory_space<hbm>>
      %dma_start3A_66 = arith.constant 0 : i32
      %dma_start3A_67 = tpu.memref_slice %arg4[%mul3A_2, %dma_start3A_66] : memref<16384x32xf32, #tpu.memory_space<hbm>> -> memref<512x32xf32, #tpu.memory_space<hbm>>
      tpu.enqueue_dma source(%arg14 : memref<512x32xf32, #tpu.memory_space<vmem>>) target(%dma_start3A_67 : memref<512x32xf32, #tpu.memory_space<hbm>>) target_semaphore(%run_scoped3A : memref<!tpu.dma_semaphore, #tpu.memory_space<semaphore_mem>>)
      %dma_wait3A = arith.constant 0 : i32
      %dma_wait3A_68 = tpu.memref_slice %arg4[%mul3A_2, %dma_wait3A] : memref<16384x32xf32, #tpu.memory_space<hbm>> -> memref<512x32xf32, #tpu.memory_space<hbm>>
      %dma_wait3A_69 = arith.constant 0 : i32
      %dma_wait3A_70 = tpu.memref_slice %arg4[%mul3A_2, %dma_wait3A_69] : memref<16384x32xf32, #tpu.memory_space<hbm>> -> memref<512x32xf32, #tpu.memory_space<hbm>>
      tpu.wait_dma2 semaphore(%run_scoped3A : memref<!tpu.dma_semaphore, #tpu.memory_space<semaphore_mem>>) src(%arg14 : memref<512x32xf32, #tpu.memory_space<vmem>>) dst(%dma_wait3A_70 : memref<512x32xf32, #tpu.memory_space<hbm>>)
      tpu.yield
    }) : () -> ()
    return
  }
}

module attributes {stable_mosaic.version = 14 : i64} {
  func.func @_proj_body(%arg0: i32, %arg1: memref<32x64xf32, #tpu.memory_space<vmem>>, %arg2: memref<64x4096xf32, #tpu.memory_space<vmem>>, %arg3: memref<64x4096xf32, #tpu.memory_space<vmem>>, %arg4: memref<64x4096xf32, #tpu.memory_space<vmem>>, %arg5: memref<64x4096xf32, #tpu.memory_space<vmem>>, %arg6: memref<64x4096xf32, #tpu.memory_space<vmem>>, %arg7: memref<64x4096xf32, #tpu.memory_space<vmem>>, %arg8: memref<64x4096xf32, #tpu.memory_space<vmem>>, %arg9: memref<64x4096xf32, #tpu.memory_space<vmem>>, %arg10: memref<4096x128xi32, #tpu.memory_space<vmem>>) attributes {dimension_semantics = [#tpu.dimension_semantics<arbitrary>], iteration_bounds = array<i64: 31>, scalar_prefetch = 0 : i64, scratch_operands = 0 : i64, tpu.core_type = #tpu.core_type<tc>, window_params = [{pipeline_mode = #tpu.pipeline_mode<synchronous>, transform_indices = @transform_0, window_bounds = array<i64: 32, 64>}, {transform_indices = @transform_1, window_bounds = array<i64: 64, 4096>}, {transform_indices = @transform_2, window_bounds = array<i64: 64, 4096>}, {transform_indices = @transform_3, window_bounds = array<i64: 64, 4096>}, {transform_indices = @transform_4, window_bounds = array<i64: 64, 4096>}, {transform_indices = @transform_5, window_bounds = array<i64: 64, 4096>}, {transform_indices = @transform_6, window_bounds = array<i64: 64, 4096>}, {transform_indices = @transform_7, window_bounds = array<i64: 64, 4096>}, {transform_indices = @transform_8, window_bounds = array<i64: 64, 4096>}, {transform_indices = @transform_9, window_bounds = array<i64: 4096, 128>}]} {
    %get3A = arith.constant 0 : index
    %get3A_0 = arith.constant 0 : index
    %get3A_1 = vector.load %arg1[%get3A, %get3A_0] : memref<32x64xf32, #tpu.memory_space<vmem>>, vector<32x64xf32>
    %get3A_2 = arith.constant 0 : index
    %get3A_3 = arith.constant 0 : index
    %get3A_4 = vector.load %arg2[%get3A_2, %get3A_3] : memref<64x4096xf32, #tpu.memory_space<vmem>>, vector<64x4096xf32>
    %dot_general3A = arith.constant dense<0.000000e+00> : vector<32x4096xf32>
    %dot_general3A_5 = tpu.matmul %get3A_1, %get3A_4, %dot_general3A {dimension_numbers = #tpu.dot_dimension_numbers<[1], [0], [0], [1], [0, 0, 1, 1], [], []>, transpose_lhs_hint = false} : vector<32x64xf32>, vector<64x4096xf32>, vector<32x4096xf32> -> vector<32x4096xf32>
    %bitcast_convert_type3A = tpu.bitcast %dot_general3A_5 : vector<32x4096xf32> -> vector<32x4096xi32>
    %add3A = arith.constant 32768 : i32
    %add3A_6 = vector.broadcast %add3A : i32 to vector<32x4096xi32>
    %add3A_7 = arith.addi %bitcast_convert_type3A, %add3A_6 : vector<32x4096xi32>
    %slice3A = vector.extract_strided_slice %add3A_7 {offsets = [0, 0], sizes = [16, 4096], strides = [1, 1]} : vector<32x4096xi32> to vector<16x4096xi32>
    %and3A = arith.constant -65536 : i32
    %and3A_8 = vector.broadcast %and3A : i32 to vector<16x4096xi32>
    %and3A_9 = arith.andi %slice3A, %and3A_8 : vector<16x4096xi32>
    %slice3A_10 = vector.extract_strided_slice %add3A_7 {offsets = [16, 0], sizes = [16, 4096], strides = [1, 1]} : vector<32x4096xi32> to vector<16x4096xi32>
    %shift_right_logical3A = arith.constant 16 : i32
    %shift_right_logical3A_11 = vector.broadcast %shift_right_logical3A : i32 to vector<16x4096xi32>
    %shift_right_logical3A_12 = arith.shrui %slice3A_10, %shift_right_logical3A_11 : vector<16x4096xi32>
    %or3A = arith.ori %and3A_9, %shift_right_logical3A_12 : vector<16x4096xi32>
    %get3A_13 = arith.constant 0 : index
    %get3A_14 = arith.constant 0 : index
    %get3A_15 = vector.load %arg3[%get3A_13, %get3A_14] : memref<64x4096xf32, #tpu.memory_space<vmem>>, vector<64x4096xf32>
    %dot_general3A_16 = arith.constant dense<0.000000e+00> : vector<32x4096xf32>
    %dot_general3A_17 = tpu.matmul %get3A_1, %get3A_15, %dot_general3A_16 {dimension_numbers = #tpu.dot_dimension_numbers<[1], [0], [0], [1], [0, 0, 1, 1], [], []>, transpose_lhs_hint = false} : vector<32x64xf32>, vector<64x4096xf32>, vector<32x4096xf32> -> vector<32x4096xf32>
    %bitcast_convert_type3A_18 = tpu.bitcast %dot_general3A_17 : vector<32x4096xf32> -> vector<32x4096xi32>
    %add3A_19 = arith.constant 32768 : i32
    %add3A_20 = vector.broadcast %add3A_19 : i32 to vector<32x4096xi32>
    %add3A_21 = arith.addi %bitcast_convert_type3A_18, %add3A_20 : vector<32x4096xi32>
    %slice3A_22 = vector.extract_strided_slice %add3A_21 {offsets = [0, 0], sizes = [16, 4096], strides = [1, 1]} : vector<32x4096xi32> to vector<16x4096xi32>
    %and3A_23 = arith.constant -65536 : i32
    %and3A_24 = vector.broadcast %and3A_23 : i32 to vector<16x4096xi32>
    %and3A_25 = arith.andi %slice3A_22, %and3A_24 : vector<16x4096xi32>
    %slice3A_26 = vector.extract_strided_slice %add3A_21 {offsets = [16, 0], sizes = [16, 4096], strides = [1, 1]} : vector<32x4096xi32> to vector<16x4096xi32>
    %shift_right_logical3A_27 = arith.constant 16 : i32
    %shift_right_logical3A_28 = vector.broadcast %shift_right_logical3A_27 : i32 to vector<16x4096xi32>
    %shift_right_logical3A_29 = arith.shrui %slice3A_26, %shift_right_logical3A_28 : vector<16x4096xi32>
    %or3A_30 = arith.ori %and3A_25, %shift_right_logical3A_29 : vector<16x4096xi32>
    %get3A_31 = arith.constant 0 : index
    %get3A_32 = arith.constant 0 : index
    %get3A_33 = vector.load %arg4[%get3A_31, %get3A_32] : memref<64x4096xf32, #tpu.memory_space<vmem>>, vector<64x4096xf32>
    %dot_general3A_34 = arith.constant dense<0.000000e+00> : vector<32x4096xf32>
    %dot_general3A_35 = tpu.matmul %get3A_1, %get3A_33, %dot_general3A_34 {dimension_numbers = #tpu.dot_dimension_numbers<[1], [0], [0], [1], [0, 0, 1, 1], [], []>, transpose_lhs_hint = false} : vector<32x64xf32>, vector<64x4096xf32>, vector<32x4096xf32> -> vector<32x4096xf32>
    %bitcast_convert_type3A_36 = tpu.bitcast %dot_general3A_35 : vector<32x4096xf32> -> vector<32x4096xi32>
    %add3A_37 = arith.constant 32768 : i32
    %add3A_38 = vector.broadcast %add3A_37 : i32 to vector<32x4096xi32>
    %add3A_39 = arith.addi %bitcast_convert_type3A_36, %add3A_38 : vector<32x4096xi32>
    %slice3A_40 = vector.extract_strided_slice %add3A_39 {offsets = [0, 0], sizes = [16, 4096], strides = [1, 1]} : vector<32x4096xi32> to vector<16x4096xi32>
    %and3A_41 = arith.constant -65536 : i32
    %and3A_42 = vector.broadcast %and3A_41 : i32 to vector<16x4096xi32>
    %and3A_43 = arith.andi %slice3A_40, %and3A_42 : vector<16x4096xi32>
    %slice3A_44 = vector.extract_strided_slice %add3A_39 {offsets = [16, 0], sizes = [16, 4096], strides = [1, 1]} : vector<32x4096xi32> to vector<16x4096xi32>
    %shift_right_logical3A_45 = arith.constant 16 : i32
    %shift_right_logical3A_46 = vector.broadcast %shift_right_logical3A_45 : i32 to vector<16x4096xi32>
    %shift_right_logical3A_47 = arith.shrui %slice3A_44, %shift_right_logical3A_46 : vector<16x4096xi32>
    %or3A_48 = arith.ori %and3A_43, %shift_right_logical3A_47 : vector<16x4096xi32>
    %get3A_49 = arith.constant 0 : index
    %get3A_50 = arith.constant 0 : index
    %get3A_51 = vector.load %arg5[%get3A_49, %get3A_50] : memref<64x4096xf32, #tpu.memory_space<vmem>>, vector<64x4096xf32>
    %dot_general3A_52 = arith.constant dense<0.000000e+00> : vector<32x4096xf32>
    %dot_general3A_53 = tpu.matmul %get3A_1, %get3A_51, %dot_general3A_52 {dimension_numbers = #tpu.dot_dimension_numbers<[1], [0], [0], [1], [0, 0, 1, 1], [], []>, transpose_lhs_hint = false} : vector<32x64xf32>, vector<64x4096xf32>, vector<32x4096xf32> -> vector<32x4096xf32>
    %bitcast_convert_type3A_54 = tpu.bitcast %dot_general3A_53 : vector<32x4096xf32> -> vector<32x4096xi32>
    %add3A_55 = arith.constant 32768 : i32
    %add3A_56 = vector.broadcast %add3A_55 : i32 to vector<32x4096xi32>
    %add3A_57 = arith.addi %bitcast_convert_type3A_54, %add3A_56 : vector<32x4096xi32>
    %slice3A_58 = vector.extract_strided_slice %add3A_57 {offsets = [0, 0], sizes = [16, 4096], strides = [1, 1]} : vector<32x4096xi32> to vector<16x4096xi32>
    %and3A_59 = arith.constant -65536 : i32
    %and3A_60 = vector.broadcast %and3A_59 : i32 to vector<16x4096xi32>
    %and3A_61 = arith.andi %slice3A_58, %and3A_60 : vector<16x4096xi32>
    %slice3A_62 = vector.extract_strided_slice %add3A_57 {offsets = [16, 0], sizes = [16, 4096], strides = [1, 1]} : vector<32x4096xi32> to vector<16x4096xi32>
    %shift_right_logical3A_63 = arith.constant 16 : i32
    %shift_right_logical3A_64 = vector.broadcast %shift_right_logical3A_63 : i32 to vector<16x4096xi32>
    %shift_right_logical3A_65 = arith.shrui %slice3A_62, %shift_right_logical3A_64 : vector<16x4096xi32>
    %or3A_66 = arith.ori %and3A_61, %shift_right_logical3A_65 : vector<16x4096xi32>
    %get3A_67 = arith.constant 0 : index
    %get3A_68 = arith.constant 0 : index
    %get3A_69 = vector.load %arg6[%get3A_67, %get3A_68] : memref<64x4096xf32, #tpu.memory_space<vmem>>, vector<64x4096xf32>
    %dot_general3A_70 = arith.constant dense<0.000000e+00> : vector<32x4096xf32>
    %dot_general3A_71 = tpu.matmul %get3A_1, %get3A_69, %dot_general3A_70 {dimension_numbers = #tpu.dot_dimension_numbers<[1], [0], [0], [1], [0, 0, 1, 1], [], []>, transpose_lhs_hint = false} : vector<32x64xf32>, vector<64x4096xf32>, vector<32x4096xf32> -> vector<32x4096xf32>
    %bitcast_convert_type3A_72 = tpu.bitcast %dot_general3A_71 : vector<32x4096xf32> -> vector<32x4096xi32>
    %add3A_73 = arith.constant 32768 : i32
    %add3A_74 = vector.broadcast %add3A_73 : i32 to vector<32x4096xi32>
    %add3A_75 = arith.addi %bitcast_convert_type3A_72, %add3A_74 : vector<32x4096xi32>
    %slice3A_76 = vector.extract_strided_slice %add3A_75 {offsets = [0, 0], sizes = [16, 4096], strides = [1, 1]} : vector<32x4096xi32> to vector<16x4096xi32>
    %and3A_77 = arith.constant -65536 : i32
    %and3A_78 = vector.broadcast %and3A_77 : i32 to vector<16x4096xi32>
    %and3A_79 = arith.andi %slice3A_76, %and3A_78 : vector<16x4096xi32>
    %slice3A_80 = vector.extract_strided_slice %add3A_75 {offsets = [16, 0], sizes = [16, 4096], strides = [1, 1]} : vector<32x4096xi32> to vector<16x4096xi32>
    %shift_right_logical3A_81 = arith.constant 16 : i32
    %shift_right_logical3A_82 = vector.broadcast %shift_right_logical3A_81 : i32 to vector<16x4096xi32>
    %shift_right_logical3A_83 = arith.shrui %slice3A_80, %shift_right_logical3A_82 : vector<16x4096xi32>
    %or3A_84 = arith.ori %and3A_79, %shift_right_logical3A_83 : vector<16x4096xi32>
    %get3A_85 = arith.constant 0 : index
    %get3A_86 = arith.constant 0 : index
    %get3A_87 = vector.load %arg7[%get3A_85, %get3A_86] : memref<64x4096xf32, #tpu.memory_space<vmem>>, vector<64x4096xf32>
    %dot_general3A_88 = arith.constant dense<0.000000e+00> : vector<32x4096xf32>
    %dot_general3A_89 = tpu.matmul %get3A_1, %get3A_87, %dot_general3A_88 {dimension_numbers = #tpu.dot_dimension_numbers<[1], [0], [0], [1], [0, 0, 1, 1], [], []>, transpose_lhs_hint = false} : vector<32x64xf32>, vector<64x4096xf32>, vector<32x4096xf32> -> vector<32x4096xf32>
    %bitcast_convert_type3A_90 = tpu.bitcast %dot_general3A_89 : vector<32x4096xf32> -> vector<32x4096xi32>
    %add3A_91 = arith.constant 32768 : i32
    %add3A_92 = vector.broadcast %add3A_91 : i32 to vector<32x4096xi32>
    %add3A_93 = arith.addi %bitcast_convert_type3A_90, %add3A_92 : vector<32x4096xi32>
    %slice3A_94 = vector.extract_strided_slice %add3A_93 {offsets = [0, 0], sizes = [16, 4096], strides = [1, 1]} : vector<32x4096xi32> to vector<16x4096xi32>
    %and3A_95 = arith.constant -65536 : i32
    %and3A_96 = vector.broadcast %and3A_95 : i32 to vector<16x4096xi32>
    %and3A_97 = arith.andi %slice3A_94, %and3A_96 : vector<16x4096xi32>
    %slice3A_98 = vector.extract_strided_slice %add3A_93 {offsets = [16, 0], sizes = [16, 4096], strides = [1, 1]} : vector<32x4096xi32> to vector<16x4096xi32>
    %shift_right_logical3A_99 = arith.constant 16 : i32
    %shift_right_logical3A_100 = vector.broadcast %shift_right_logical3A_99 : i32 to vector<16x4096xi32>
    %shift_right_logical3A_101 = arith.shrui %slice3A_98, %shift_right_logical3A_100 : vector<16x4096xi32>
    %or3A_102 = arith.ori %and3A_97, %shift_right_logical3A_101 : vector<16x4096xi32>
    %get3A_103 = arith.constant 0 : index
    %get3A_104 = arith.constant 0 : index
    %get3A_105 = vector.load %arg8[%get3A_103, %get3A_104] : memref<64x4096xf32, #tpu.memory_space<vmem>>, vector<64x4096xf32>
    %dot_general3A_106 = arith.constant dense<0.000000e+00> : vector<32x4096xf32>
    %dot_general3A_107 = tpu.matmul %get3A_1, %get3A_105, %dot_general3A_106 {dimension_numbers = #tpu.dot_dimension_numbers<[1], [0], [0], [1], [0, 0, 1, 1], [], []>, transpose_lhs_hint = false} : vector<32x64xf32>, vector<64x4096xf32>, vector<32x4096xf32> -> vector<32x4096xf32>
    %bitcast_convert_type3A_108 = tpu.bitcast %dot_general3A_107 : vector<32x4096xf32> -> vector<32x4096xi32>
    %add3A_109 = arith.constant 32768 : i32
    %add3A_110 = vector.broadcast %add3A_109 : i32 to vector<32x4096xi32>
    %add3A_111 = arith.addi %bitcast_convert_type3A_108, %add3A_110 : vector<32x4096xi32>
    %slice3A_112 = vector.extract_strided_slice %add3A_111 {offsets = [0, 0], sizes = [16, 4096], strides = [1, 1]} : vector<32x4096xi32> to vector<16x4096xi32>
    %and3A_113 = arith.constant -65536 : i32
    %and3A_114 = vector.broadcast %and3A_113 : i32 to vector<16x4096xi32>
    %and3A_115 = arith.andi %slice3A_112, %and3A_114 : vector<16x4096xi32>
    %slice3A_116 = vector.extract_strided_slice %add3A_111 {offsets = [16, 0], sizes = [16, 4096], strides = [1, 1]} : vector<32x4096xi32> to vector<16x4096xi32>
    %shift_right_logical3A_117 = arith.constant 16 : i32
    %shift_right_logical3A_118 = vector.broadcast %shift_right_logical3A_117 : i32 to vector<16x4096xi32>
    %shift_right_logical3A_119 = arith.shrui %slice3A_116, %shift_right_logical3A_118 : vector<16x4096xi32>
    %or3A_120 = arith.ori %and3A_115, %shift_right_logical3A_119 : vector<16x4096xi32>
    %get3A_121 = arith.constant 0 : index
    %get3A_122 = arith.constant 0 : index
    %get3A_123 = vector.load %arg9[%get3A_121, %get3A_122] : memref<64x4096xf32, #tpu.memory_space<vmem>>, vector<64x4096xf32>
    %dot_general3A_124 = arith.constant dense<0.000000e+00> : vector<32x4096xf32>
    %dot_general3A_125 = tpu.matmul %get3A_1, %get3A_123, %dot_general3A_124 {dimension_numbers = #tpu.dot_dimension_numbers<[1], [0], [0], [1], [0, 0, 1, 1], [], []>, transpose_lhs_hint = false} : vector<32x64xf32>, vector<64x4096xf32>, vector<32x4096xf32> -> vector<32x4096xf32>
    %bitcast_convert_type3A_126 = tpu.bitcast %dot_general3A_125 : vector<32x4096xf32> -> vector<32x4096xi32>
    %add3A_127 = arith.constant 32768 : i32
    %add3A_128 = vector.broadcast %add3A_127 : i32 to vector<32x4096xi32>
    %add3A_129 = arith.addi %bitcast_convert_type3A_126, %add3A_128 : vector<32x4096xi32>
    %slice3A_130 = vector.extract_strided_slice %add3A_129 {offsets = [0, 0], sizes = [16, 4096], strides = [1, 1]} : vector<32x4096xi32> to vector<16x4096xi32>
    %and3A_131 = arith.constant -65536 : i32
    %and3A_132 = vector.broadcast %and3A_131 : i32 to vector<16x4096xi32>
    %and3A_133 = arith.andi %slice3A_130, %and3A_132 : vector<16x4096xi32>
    %slice3A_134 = vector.extract_strided_slice %add3A_129 {offsets = [16, 0], sizes = [16, 4096], strides = [1, 1]} : vector<32x4096xi32> to vector<16x4096xi32>
    %shift_right_logical3A_135 = arith.constant 16 : i32
    %shift_right_logical3A_136 = vector.broadcast %shift_right_logical3A_135 : i32 to vector<16x4096xi32>
    %shift_right_logical3A_137 = arith.shrui %slice3A_134, %shift_right_logical3A_136 : vector<16x4096xi32>
    %or3A_138 = arith.ori %and3A_133, %shift_right_logical3A_137 : vector<16x4096xi32>
    %concatenate3A = tpu.concatenate %or3A, %or3A_30, %or3A_48, %or3A_66, %or3A_84, %or3A_102, %or3A_120, %or3A_138 in 0 : vector<16x4096xi32>, vector<16x4096xi32>, vector<16x4096xi32>, vector<16x4096xi32>, vector<16x4096xi32>, vector<16x4096xi32>, vector<16x4096xi32>, vector<16x4096xi32> -> vector<128x4096xi32>
    %transpose3A = tpu.transpose %concatenate3A, [1, 0] : vector<128x4096xi32> -> vector<4096x128xi32>
    %swap3A = arith.constant 0 : index
    %swap3A_139 = arith.constant 0 : index
    %swap3A_140 = vector.load %arg10[%swap3A, %swap3A_139] : memref<4096x128xi32, #tpu.memory_space<vmem>>, vector<4096x128xi32>
    tpu.vector_store %arg10[%swap3A, %swap3A_139], %transpose3A {strides = array<i32>} : memref<4096x128xi32, #tpu.memory_space<vmem>>, vector<4096x128xi32>,
    return
  }
  func.func @transform_0(%arg0: i32) -> (i32, i32) {
    %c0_i32 = arith.constant 0 : i32
    %c0_i32_0 = arith.constant 0 : i32
    %c0_i32_1 = arith.constant 0 : i32
    return %c0_i32, %c0_i32_0 : i32, i32
  }
  func.func @transform_1(%arg0: i32) -> (i32, i32) {
    %add3A = arith.constant 0 : i32
    %add3A_0 = arith.addi %arg0, %add3A : i32
    %min3A = arith.constant 244 : i32
    %min3A_1 = arith.minsi %add3A_0, %min3A : i32
    %c0_i32 = arith.constant 0 : i32
    %c0_i32_2 = arith.constant 0 : i32
    return %c0_i32, %min3A_1 : i32, i32
  }
  func.func @transform_2(%arg0: i32) -> (i32, i32) {
    %add3A = arith.constant 31 : i32
    %add3A_0 = arith.addi %arg0, %add3A : i32
    %min3A = arith.constant 244 : i32
    %min3A_1 = arith.minsi %add3A_0, %min3A : i32
    %c0_i32 = arith.constant 0 : i32
    %c0_i32_2 = arith.constant 0 : i32
    return %c0_i32, %min3A_1 : i32, i32
  }
  func.func @transform_3(%arg0: i32) -> (i32, i32) {
    %add3A = arith.constant 62 : i32
    %add3A_0 = arith.addi %arg0, %add3A : i32
    %min3A = arith.constant 244 : i32
    %min3A_1 = arith.minsi %add3A_0, %min3A : i32
    %c0_i32 = arith.constant 0 : i32
    %c0_i32_2 = arith.constant 0 : i32
    return %c0_i32, %min3A_1 : i32, i32
  }
  func.func @transform_4(%arg0: i32) -> (i32, i32) {
    %add3A = arith.constant 93 : i32
    %add3A_0 = arith.addi %arg0, %add3A : i32
    %min3A = arith.constant 244 : i32
    %min3A_1 = arith.minsi %add3A_0, %min3A : i32
    %c0_i32 = arith.constant 0 : i32
    %c0_i32_2 = arith.constant 0 : i32
    return %c0_i32, %min3A_1 : i32, i32
  }
  func.func @transform_5(%arg0: i32) -> (i32, i32) {
    %add3A = arith.constant 124 : i32
    %add3A_0 = arith.addi %arg0, %add3A : i32
    %min3A = arith.constant 244 : i32
    %min3A_1 = arith.minsi %add3A_0, %min3A : i32
    %c0_i32 = arith.constant 0 : i32
    %c0_i32_2 = arith.constant 0 : i32
    return %c0_i32, %min3A_1 : i32, i32
  }
  func.func @transform_6(%arg0: i32) -> (i32, i32) {
    %add3A = arith.constant 155 : i32
    %add3A_0 = arith.addi %arg0, %add3A : i32
    %min3A = arith.constant 244 : i32
    %min3A_1 = arith.minsi %add3A_0, %min3A : i32
    %c0_i32 = arith.constant 0 : i32
    %c0_i32_2 = arith.constant 0 : i32
    return %c0_i32, %min3A_1 : i32, i32
  }
  func.func @transform_7(%arg0: i32) -> (i32, i32) {
    %add3A = arith.constant 186 : i32
    %add3A_0 = arith.addi %arg0, %add3A : i32
    %min3A = arith.constant 244 : i32
    %min3A_1 = arith.minsi %add3A_0, %min3A : i32
    %c0_i32 = arith.constant 0 : i32
    %c0_i32_2 = arith.constant 0 : i32
    return %c0_i32, %min3A_1 : i32, i32
  }
  func.func @transform_8(%arg0: i32) -> (i32, i32) {
    %add3A = arith.constant 217 : i32
    %add3A_0 = arith.addi %arg0, %add3A : i32
    %min3A = arith.constant 244 : i32
    %min3A_1 = arith.minsi %add3A_0, %min3A : i32
    %c0_i32 = arith.constant 0 : i32
    %c0_i32_2 = arith.constant 0 : i32
    return %c0_i32, %min3A_1 : i32, i32
  }
  func.func @transform_9(%arg0: i32) -> (i32, i32) {
    %c0_i32 = arith.constant 0 : i32
    %c0_i32_0 = arith.constant 0 : i32
    return %arg0, %c0_i32 : i32, i32
  }
}

module attributes {stable_mosaic.version = 14 : i64} {
  func.func @_tail_body(%arg0: memref<1xf32, #tpu.memory_space<smem>>, %arg1: memref<16384x32xf32, #tpu.memory_space<vmem>>, %arg2: memref<1x32xf32, #tpu.memory_space<vmem>>, %arg3: memref<1x32xf32, #tpu.memory_space<vmem>>, %arg4: memref<16384x1xf32, #tpu.memory_space<vmem>>) attributes {dimension_semantics = [], scalar_prefetch = 0 : i64, scratch_operands = 0 : i64, tpu.core_type = #tpu.core_type<tc>} {
    %get3A = arith.constant 0 : index
    %get3A_0 = arith.constant 0 : index
    %get3A_1 = vector.load %arg1[%get3A, %get3A_0] : memref<16384x32xf32, #tpu.memory_space<vmem>>, vector<16384x32xf32>
    %get3A_2 = arith.constant 0 : index
    %get3A_3 = arith.constant 0 : index
    %get3A_4 = vector.load %arg2[%get3A_2, %get3A_3] : memref<1x32xf32, #tpu.memory_space<vmem>>, vector<1x32xf32>
    %add3A = vector.broadcast %get3A_4 : vector<1x32xf32> to vector<16384x32xf32>
    %add3A_5 = arith.addf %get3A_1, %add3A : vector<16384x32xf32>
    %max3A = arith.constant 0.000000e+00 : f32
    %max3A_6 = vector.broadcast %max3A : f32 to vector<16384x32xf32>
    %max3A_7 = arith.maximumf %add3A_5, %max3A_6 : vector<16384x32xf32>
    %get3A_8 = arith.constant 0 : index
    %get3A_9 = arith.constant 0 : index
    %get3A_10 = vector.load %arg3[%get3A_8, %get3A_9] : memref<1x32xf32, #tpu.memory_space<vmem>>, vector<1x32xf32>
    %mul3A = vector.broadcast %get3A_10 : vector<1x32xf32> to vector<16384x32xf32>
    %mul3A_11 = arith.mulf %max3A_7, %mul3A : vector<16384x32xf32>
    %reduce_sum3A = arith.constant dense<0.000000e+00> : vector<16384xf32>
    %reduce_sum3A_12 = vector.multi_reduction <add>, %mul3A_11, %reduce_sum3A [1] : vector<16384x32xf32> to vector<16384xf32>
    %broadcast_in_dim3A = vector.shape_cast %reduce_sum3A_12 : vector<16384xf32> to vector<16384x1xf32>
    %get3A_13 = arith.constant 0 : index
    %get3A_14 = memref.load %arg0[%get3A_13] : memref<1xf32, #tpu.memory_space<smem>>
    %add3A_15 = vector.broadcast %get3A_14 : f32 to vector<16384x1xf32>
    %add3A_16 = arith.addf %broadcast_in_dim3A, %add3A_15 : vector<16384x1xf32>
    %logistic3A = arith.negf %add3A_16 : vector<16384x1xf32>
    %logistic3A_17 = math.exp %logistic3A : vector<16384x1xf32>
    %logistic3A_18 = arith.constant 1.000000e+00 : f32
    %logistic3A_19 = vector.broadcast %logistic3A_18 : f32 to vector<16384x1xf32>
    %logistic3A_20 = arith.addf %logistic3A_19, %logistic3A_17 : vector<16384x1xf32>
    %logistic3A_21 = arith.divf %logistic3A_19, %logistic3A_20 : vector<16384x1xf32>
    %swap3A = arith.constant 0 : index
    %swap3A_22 = arith.constant 0 : index
    %swap3A_23 = vector.load %arg4[%swap3A, %swap3A_22] : memref<16384x1xf32, #tpu.memory_space<vmem>>, vector<16384x1xf32>
    tpu.vector_store %arg4[%swap3A, %swap3A_22], %logistic3A_21 {strides = array<i32>} : memref<16384x1xf32, #tpu.memory_space<vmem>>, vector<16384x1xf32>,
    return
  }
}

</mosaic_0001>

<sc_bundles>
// kernel: kernel.5.cloned.1.call-start
scs
__scs_entry_jumppad:
0x0: {  	(pc) =	sbr.rel $0x88, $3  }
0x1: {  	(tag) =	ssettag $0x0;
	lr =	simm.s32 $0x1  }
0x2: {  	[smem:$0x3F9B] =	sst lr;
	_ =	strace $0xD0000000  }
0x3: {  	_ = 	snop  }
0x4: {  	_ = 	snop  }
0x5: {  	_ = 	snop  }
0x6: {  	_ = 	snop  }
0x7: {  	_ = 	snop  }
__scs_overlays_trampoline_lowered:
0x8: {  	[smem:$0x3FAA] =	sst s0  }
0x9: {  	[smem:$0x3FAB] =	sst s1  }
0xa: {  	[smem:$0x3FAC] =	sst s2  }
0xb: {  	[smem:$0x3FAD] =	sst s3  }
0xc: {  	[smem:$0x3FAE] =	sst s4  }
0xd: {  	[smem:$0x3FAF] =	sst s5  }
0xe: {  	[smem:$0x3FB0] =	sst s6  }
0xf: {  	[smem:$0x3FB1] =	sst s7  }
0x10: {  	[smem:$0x3FB2] =	sst s8  }
0x11: {  	[smem:$0x3FB3] =	sst s9;
	s0 =	simm.s32 @!p0 $0x0  }
0x12: {  	s1 =	sld [smem:$0x3F99];
	s0 =	simm.s32 @p0 $0x1  }
0x13: {  	[smem:$0x3FB4] =	sst s0;
	s0 =	simm.s32 @!p1 $0x0  }
0x14: {  	s2 =	sld [smem:$0x3F98];
	s0 =	simm.s32 @p1 $0x1  }
0x15: {  	[smem:$0x3FB5] =	sst s0;
	s0 =	simm.s32 @!p2 $0x0  }
0x16: {  	s3 =	sld [smem:$0x3FDB];
	s0 =	simm.s32 @p2 $0x1  }
0x17: {  	s4 =	simm.s32 $0x1BF5;
	[smem:$0x3FB7] =	sst s0  }
0x18: {  	s0 =	sld [smem:$0x3F9A];
	_ =	swait.ge [sflag:s4], $0x0  }
0x19: {  	s7 =	sld [smem:$0x3F9B]  }
0x1a: {  	s8 =	sadd.s32 $0xFFFFE003, lr  }
0x1b: {  	s9 =	sadd.s32 $0xFFFFFEF7, lr;
	s5 =	simm.s32 $0xFFFFFFFF;
	p2 =	slt.u32 s8, $0xFFFFF086  }
0x1c: {  	p1 =	slt.u32 s9, $0xF7A;
	s5 =	simm.s32 @!p2 $0x0  }
0x1d: {  	s5 =	simm.s32 @p1 $0x1;
	p0 =	seq.s32 s7, s2  }
0x1e: {  	s7 =	smul.u32 @!p0 $0xF7A, s2;
	p2 =	seq.s32 @!p0 s5, $0x0  }
0x1f: {  	s9 =	smul.u32 $0xF7A, s1;
	s8 =	simm.s32 @!p0 $0x1BF5;
	p2 =	por !p2, p0  }
0x20: {  	[sflag:s8] =	ssyncset.s32 @!p0 $0xFFFFF086;
	s6 =	sadd.s32 @!p0 s3, s7;
	s7 =	simm.s32 @!p0 $0x108  }
0x21: {  	s3 =	sadd.s32 s3, s9;
	s6 =	sadd.s32 @!p0 $0x88, s6;
	s7 =	simm.s32 @p2 $0x1082  }
0x22: {  	[simem:s7], [sflag:s8] =	dma.local @!p0 [hbm:s6], $0xF7A  }
0x23: {  	s9 =	sor.u32 $0xD0000000, s2;
	s6 =	simm.s32 $0x108;
	_ =	swait.ge @!p0 [sflag:s8], $0x0  }
0x24: {  	s3 =	sadd.s32 $0x88, s3;
	s6 =	simm.s32 @!p1 $0x1082;
	[sflag:s4] =	ssyncset.s32 $0xFFFFF086  }
0x25: {  	[simem:s6], [sflag:s4] =	dma.local [hbm:s3], $0xF7A  }
0x26: {  	[smem:$0x3F9B] =	sst s1;
	(tag) =	ssettag s2;
	_ =	strace s9  }
0x27: {  	s1 =	sld [smem:$0x3FAB]  }
0x28: {  	s2 =	sld [smem:$0x3FAC]  }
0x29: {  	s4 =	sld [smem:$0x3FAE]  }
0x2a: {  	p0 =	seq.s32 s5, $0x0;
	s5 =	sld [smem:$0x3FAF]  }
0x2b: {  	s6 =	sld [smem:$0x3FB0]  }
0x2c: {  	s7 =	sld [smem:$0x3FB1]  }
0x2d: {  	s3 =	simm.s32 $0x108;
	s8 =	sld [smem:$0x3FB2]  }
0x2e: {  	s3 =	simm.s32 @!p0 $0x1082;
	s9 =	sld [smem:$0x3FB3]  }
0x2f: {  	lr =	sadd.s32 s0, s3;
	s0 =	sld [smem:$0x3FAA]  }
0x30: {  	s3 =	sld [smem:$0x3FAD]  }
0x31: {  	[smem:$0x3FB6] =	sst s10  }
0x32: {  	s10 =	sld [smem:$0x3FB4];
	_ =	sdelay $0x3  }
0x33: {  	p0 =	seq.s32 s10, $0x1;
	s10 =	sld [smem:$0x3FB6];
	_ =	sdelay $0x3  }
0x34: {  	[smem:$0x3FB6] =	sst s10  }
0x35: {  	s10 =	sld [smem:$0x3FB5];
	_ =	sdelay $0x3  }
0x36: {  	p1 =	seq.s32 s10, $0x1;
	s10 =	sld [smem:$0x3FB6];
	_ =	sdelay $0x3  }
0x37: {  	[smem:$0x3FB6] =	sst s10  }
0x38: {  	s10 =	sld [smem:$0x3FB7]  }
0x39: {  	_ = 	snop;
	(pc) =	sbr.ind lr, $3  }
0x3a: {  	_ = 	snop  }
0x3b: {  	_ = 	snop  }
0x3c: {  	p2 =	seq.s32 s10, $0x1;
	s10 =	sld [smem:$0x3FB6]  }
0x3d: {  	_ =	shalt  }
0x3e: {  	_ =	shalt  }
0x3f: {  	_ =	shalt  }
0x40: {  	_ =	shalt  }
0x41: {  	_ =	shalt  }
0x42: {  	_ =	shalt  }
0x43: {  	_ =	shalt  }
0x44: {  	_ =	shalt  }
0x45: {  	_ =	shalt  }
0x46: {  	_ =	shalt  }
0x47: {  	_ =	shalt  }
0x48: {  	_ =	shalt  }
0x49: {  	_ =	shalt  }
0x4a: {  	_ =	shalt  }
0x4b: {  	_ =	shalt  }
0x4c: {  	_ =	shalt  }
0x4d: {  	_ =	shalt  }
0x4e: {  	_ =	shalt  }
0x4f: {  	_ =	shalt  }
0x50: {  	_ =	shalt  }
0x51: {  	_ =	shalt  }
0x52: {  	_ =	shalt  }
0x53: {  	_ =	shalt  }
0x54: {  	_ =	shalt  }
0x55: {  	_ =	shalt  }
0x56: {  	_ =	shalt  }
0x57: {  	_ =	shalt  }
0x58: {  	_ =	shalt  }
0x59: {  	_ =	shalt  }
0x5a: {  	_ =	shalt  }
0x5b: {  	_ =	shalt  }
0x5c: {  	_ =	shalt  }
0x5d: {  	_ =	shalt  }
0x5e: {  	_ =	shalt  }
0x5f: {  	_ =	shalt  }
0x60: {  	_ =	shalt  }
0x61: {  	_ =	shalt  }
0x62: {  	_ =	shalt  }
0x63: {  	_ =	shalt  }
0x64: {  	_ =	shalt  }
0x65: {  	_ =	shalt  }
0x66: {  	_ =	shalt  }
0x67: {  	_ =	shalt  }
0x68: {  	_ =	shalt  }
0x69: {  	_ =	shalt  }
0x6a: {  	_ =	shalt  }
0x6b: {  	_ =	shalt  }
0x6c: {  	_ =	shalt  }
0x6d: {  	_ =	shalt  }
0x6e: {  	_ =	shalt  }
0x6f: {  	_ =	shalt  }
0x70: {  	_ =	shalt  }
0x71: {  	_ =	shalt  }
0x72: {  	_ =	shalt  }
0x73: {  	_ =	shalt  }
0x74: {  	_ =	shalt  }
0x75: {  	_ =	shalt  }
0x76: {  	_ =	shalt  }
0x77: {  	_ =	shalt  }
0x78: {  	_ =	shalt  }
0x79: {  	_ =	shalt  }
0x7a: {  	_ =	shalt  }
0x7b: {  	_ =	shalt  }
0x7c: {  	_ =	shalt  }
0x7d: {  	_ =	shalt  }
0x7e: {  	_ =	shalt  }
0x7f: {  	_ =	shalt  }
0x80: {  	_ =	shalt  }
0x81: {  	_ =	shalt  }
0x82: {  	_ =	shalt  }
0x83: {  	_ =	shalt  }
0x84: {  	_ =	shalt  }
0x85: {  	_ =	shalt  }
0x86: {  	_ =	shalt  }
0x87: {  	_ =	shalt  }
.Lfunc_end0:
.L_simem_size_0:
called_computation_lowered:
.L_overlay_start_0:
0x88: {  	s2 =	sld [smem:$0x3FD9]  }
0x89: {  	s3 =	sld [smem:$0x3FFE];
	_ =	sdelay $0x1  }
0x8a: {  	s1 =	srdreg.scid  }
0x8b: {  	s0 =	sand.u32 $0x1, s1  }
0x8c: {  	s16 =	sshll.u32 s0, $0xA;
	s2 =	sadd.s32 s3, s2  }
0x8d: {  	s2 =	sadd.s32 s2, s16  }
0x8e: {  	[smem:$0x3FC2] =	sst s2  }
0x8f: {  	_ = 	snop  }
0x90: {  	(tm) =	ssettm $0x1  }
0x91: {  	s17 =	sld [smem:$0x3FFB];
	_ =	sdelay $0x3  }
0x92: {  	_ =	strace s17  }
0x93: {  	s2 =	sld [smem:$0x3FFC];
	_ =	sdelay $0x3  }
0x94: {  	_ =	strace s2  }
0x95: {  	s2 =	sld [smem:$0x3FFD];
	_ =	sdelay $0x3  }
0x96: {  	_ =	strace s2  }
0x97: {  	_ =	strace $0x8FFFFFFF  }
0x98: {  	s18 =	sld [smem:$0x3FDB];
	_ =	sdelay $0x1  }
0x99: {  	s19 =	simm.s32 $_scs_section_size  }
0x9a: {  	s4 =	simm.s32 $_size__tile_overlayer_lowered;
	s5 =	simm.s32 $_tile_overlayer_lowered  }
0x9b: {  	s22 =	simm.s32 $0x1BFF;
	s21 =	sshll.u32 s5, $0x1;
	s2 =	sadd.s32 s19, s18  }
0x9c: {  	s6 =	simm.s32 $0x0;
	s20 =	sshll.u32 s4, $0x1;
	s4 =	sadd.s32 s21, s2  }
0x9d: {  	[timem:s6], [sflag:s22] =	dma.local [hbm:s4], s20  }
0x9e: {  	_ =	swait.ge [sflag:s22], s20  }
0x9f: {  	s3 =	ssub.s32 $0x0, s20;
	[sflag:s22] =	ssyncset.done $0x0  }
0xa0: {  	[sflag:s22] =	ssyncadd.s32 s3;
	_ =	sdelay $0x1  }
0xa1: {  	s23 =	simm.s32 $0x1B8B  }
0xa2: {  	_ =	swait.ge [sflag:s23], $0x1  }
0xa3: {  	[sflag:s23] =	ssyncset.done $0x0  }
0xa4: {  	s25 =	simm.s32 $0x1B8E;
	s24 =	sld [smem:$0x3FFE];
	[sflag:s23] =	ssyncadd.s32 $0xFFFFFFFF  }
0xa5: {  	s26 =	simm.s32 $execute0_lowered;
	[smem:$0x3FD2] =	sst s25  }
0xa6: {  	s4 =	sshll.u32 s26, $0x1;
	_ =	strace $0x80000046;
	[dreg:$0x1] =	wrdreg $0xFFFFFFFF  }
0xa7: {  	s28 =	simm.s32 $_size_execute0_lowered;
	s2 =	sadd.s32 s2, s4;
	[dreg:$0x0] =	wrdreg $0x0  }
0xa8: {  	s4 =	sshll.u32 s28, $0x1;
	[dreg:$0x2] =	wrdreg s2  }
0xa9: {  	[dreg:$0x3] =	wrdreg s4  }
0xaa: {  	[dreg:$0x4] =	wrdreg $0xC0  }
0xab: {  	_ =	task [dreg:s6], $0x5FFFF  }
0xac: {  	[dreg:$0x1] =	wrdreg $0xFFFFFFFF  }
0xad: {  	[dreg:$0x0] =	wrdreg $0x60  }
0xae: {  	[dreg:$0x2] =	wrdreg s24  }
0xaf: {  	[dreg:$0x3] =	wrdreg $0x9  }
0xb0: {  	_ =	task.clear_ibuf [dreg:s6], $0x4FFFF;
	_ =	strace $0x90000046  }
0xb1: {  	s29 =	simm.s32 $0x9;
	_ =	strace $0x80000048  }
0xb2: {  	_ =	swait.ge [sflag:s29], $0x1  }
0xb3: {  	[sflag:s29] =	ssyncadd.s32 $0xFFFFFFFF  }
0xb4: {  	_ =	strace $0x90000048  }
0xb5: {  	_ =	sfence  }
0xb6: {  	s30 =	sld [smem:$0x0];
	_ =	sdelay $0x2  }
0xb7: {  	s31 =	sshll.u32 s1, $0xD;
	s1 =	sshrl.u32 s1, $0x2  }
0xb8: {  	s3 =	sand.u32 $0x4000, s31;
	s1 =	sadd.s32 s1, s30  }
0xb9: {  	s0 =	sor.u32 s3, s0;
	s1 =	sshll.u32 s1, $0x11  }
0xba: {  	s0 =	sor.u32 s1, s0  }
0xbb: {  	s0 =	sadd.s32 $0x8F2B, s0  }
0xbc: {  	[sflag:s0] =	ssyncadd.remote.s32 $0x1  }
0xbd: {  	_ =	sfence.sel $0xFFFF  }
0xbe: {  	[dreg:$0x0] =	wrdreg $0xFFFFFFFF;
	(pc) =	sbr.abs _section_cstart, $3  }
0xbf: {  	[dreg:$0x1] =	wrdreg $0xFFFFFFFF  }
0xc0: {  	_ =	task.clear_ibuf [dreg:s6], $0x2FFFF;
	_ =	strace $0x9FFFFFFF  }
0xc1: {  	(tm) =	ssettm $0x7FFFFFFF  }
tec
execute0_lowered:
.L_overlay_start_1:
0x0: {  	(tag) =	ssettag $0x1  }
0x1: {  	s0 =	srdreg.scid;
	s2 =	stileid.u32  }
0x2: {  	s1 =	rddreg [dreg:$0x0];
	s7 =	simm.s32 $0x9;
	s8 =	simm.s32 $0x64  }
0x3: {  	s16 =	simm.s32 $0x1A0;
	s17 =	simm.s32 $0x8100;
	s18 =	simm.s32 $0x208  }
0x4: {  	s19 =	simm.s32 $0x8740;
	s20 =	simm.s32 $0x270;
	s21 =	simm.s32 $0x8D80  }
0x5: {  	s22 =	simm.s32 $0x2D8;
	s23 =	simm.s32 $0x93C0;
	s24 =	simm.s32 $0x1  }
0x6: {  	s25 =	simm.s32 $0x2;
	s26 =	simm.s32 $0x3;
	s28 =	simm.s32 $0x4  }
0x7: {  	s29 =	simm.s32 $0x5;
	s0 =	sand.u32 $0x1, s0;
	s3 =	sshll.u32 s2, $0x1  }
0x8: {  	s30 =	simm.s32 $0x6;
	s31 =	simm.s32 $0x7;
	s3 =	sor.u32 s0, s3  }
0x9: {  	s9 =	simm.s32 $0x0;
	s2 =	simm.s32 $0x0;
	s4 =	smul.u32 $0xD00, s3  }
.Ltmp0:
0xa: {  	[smem:$0x7FF] =	sst s2;
	s0 =	ssub.s32 $0x2, s0;
	(pc) =	sbr.rel .LBB2_1-.Ltmp0, $4  }
0xb: {  	_ =	strace $0x80000047;
	s5 =	sshll.u32 s3, $0xB;
	s6 =	sshrl.u32 s0, $0x1  }
0xc: {  	s3 =	sadd.s32 $0x1AA00, s1;
	s0 =	ssub.s32 s0, s6;
	s4 =	sadd.s32 s4, s1  }
0xd: {  	s1 =	sadd.s32 s5, s1;
	s6 =	smax.u32 s0, $0x1;
	s0 =	simm.s32 $0x9A00  }
0xe: {  	s4 =	sadd.s32 $0xA00, s4;
	s5 =	sadd.s32 $0x20AA00, s1;
	s1 =	simm.s32 $0x8  }
.LBB2_36:
0xf: {  	s9 =	sadd.s32 $0x1, s9  }
0x10: {  	p0 =	sne.s32 s9, s6  }
.Ltmp1:
0x11: {  	_ = 	snop;
	(pc) =	sbr.rel @!p0 .LBB2_37-.Ltmp1, $4  }
0x12: {  	[hbm4b:s5+s2] =	stream.linear.scatter [tilespmem:s0], [sflag:$0x9], $0x4000, $0x38;
	[tilespmem:$0xDA00] =	vst v63  }
0x13: {  	_ =	swait.ge [sflag:s7], $0x4000  }
0x14: {  	[sflag:s7] =	ssyncset.done $0x0  }
0x15: {  	[sflag:s7] =	ssyncadd.s32 $0xFFFFC000  }
.LBB2_1:
0x16: {  	[tilespmem:s2], [sflag:$0x9] =	stream.linear.gather [hbm4b:s4+s2], $0x6800, $0x38;
	[tilespmem:$0xDA00] =	vst v63  }
0x17: {  	_ =	swait.ge [sflag:s7], $0x6800  }
0x18: {  	[sflag:s7] =	ssyncset.done $0x0  }
0x19: {  	s10 =	simm.s32 $0x6800;
	[sflag:s7] =	ssyncadd.s32 $0xFFFF9800  }
0x1a: {  	[tilespmem:s10], [sflag:$0x1] =	stream.indirect.gather [hbm4b:s3+s8], $0x10, s2, s8, $0xb8;
	[tilespmem:$0xDA00] =	vst v63  }
0x1b: {  	s15 =	simm.s32 $0x68;
	s11 =	simm.s32 $0x6E40  }
0x1c: {  	[tilespmem:s11], [sflag:$0x2] =	stream.indirect.gather [hbm4b:s3+s8], $0x10, s15, s8, $0xb8;
	[tilespmem:$0xDA00] =	vst v63  }
0x1d: {  	s12 =	simm.s32 $0xD0;
	s13 =	simm.s32 $0x7480  }
0x1e: {  	[tilespmem:s13], [sflag:$0x3] =	stream.indirect.gather [hbm4b:s3+s8], $0x10, s12, s8, $0xb8;
	[tilespmem:$0xDA00] =	vst v63  }
0x1f: {  	s14 =	simm.s32 $0x138;
	s15 =	simm.s32 $0x7AC0  }
0x20: {  	[tilespmem:s15], [sflag:$0x4] =	stream.indirect.gather [hbm4b:s3+s8], $0x10, s14, s8, $0xb8;
	[tilespmem:$0xDA00] =	vst v63  }
0x21: {  	_ = 	snop  }
0x22: {  	[tilespmem:s17], [sflag:$0x5] =	stream.indirect.gather [hbm4b:s3+s8], $0x10, s16, s8, $0xb8;
	[tilespmem:$0xDA00] =	vst v63  }
0x23: {  	_ = 	snop  }
0x24: {  	[tilespmem:s19], [sflag:$0x6] =	stream.indirect.gather [hbm4b:s3+s8], $0x10, s18, s8, $0xb8;
	[tilespmem:$0xDA00] =	vst v63  }
0x25: {  	_ = 	snop  }
0x26: {  	[tilespmem:s21], [sflag:$0x7] =	stream.indirect.gather [hbm4b:s3+s8], $0x10, s20, s8, $0xb8;
	[tilespmem:$0xDA00] =	vst v63  }
0x27: {  	s10 =	simm.s32 $0x0  }
0x28: {  	[tilespmem:s23], [sflag:$0x8] =	stream.indirect.gather [hbm4b:s3+s8], $0x10, s22, s8, $0xb8;
	[tilespmem:$0xDA00] =	vst v63  }
.LBB2_2:
0x29: {  	_ =	swait.ge [sflag:s24], $0x640  }
0x2a: {  	[sflag:s24] =	ssyncset.done $0x0  }
0x2b: {  	s12 =	simm.s32 $0x6820;
	[sflag:s24] =	ssyncadd.s32 $0xFFFFF9C0  }
0x2c: {  	v0 =	vld [tilespmem:s12+$0xFFFFFFE0];
	_ =	sdelay $0x1  }
0x2d: {  	v1 =	vld [tilespmem:s12+$0xFFFFFFF0];
	_ =	sdelay $0x1  }
0x2e: {  	v5 =	vld [tilespmem:s12+$0x0]  }
0x2f: {  	v2 =	vimm.f32 $0.0e+00;
	v3 =	vand.u32 $0xFFFF0000, v0;
	v0 =	vshll.u32 v0, $0x10  }
0x30: {  	v3 =	vadd.f32 v3, v2;
	v4 =	vadd.f32 v0, v2;
	v0 =	vld [tilespmem:s12+$0x10]  }
0x31: {  	v2 =	vand.u32 $0xFFFF0000, v1;
	v1 =	vshll.u32 v1, $0x10  }
0x32: {  	v2 =	vadd.f32 v2, v3;
	v3 =	vadd.f32 v1, v4;
	v1 =	vld [tilespmem:s12+$0x20]  }
0x33: {  	s11 =	simm.s32 $0x0;
	v4 =	vand.u32 $0xFFFF0000, v5;
	v5 =	vshll.u32 v5, $0x10;
	s12 =	simm.s32 $0x6870  }
.LBB2_3:
0x34: {  	v6 =	vld [tilespmem:s12+$0xFFFFFFE0];
	s11 =	sadd.s32 $0x5, s11;
	v2 =	vadd.f32 v4, v2;
	v3 =	vadd.f32 v5, v3  }
0x35: {  	p0 =	slt.u32 s11, $0x2D;
	v4 =	vand.u32 $0xFFFF0000, v0;
	v0 =	vshll.u32 v0, $0x10  }
0x36: {  	v5 =	vld [tilespmem:s12+$0xFFFFFFF0];
	v2 =	vadd.f32 v4, v2;
	v0 =	vadd.f32 v0, v3  }
0x37: {  	v3 =	vand.u32 $0xFFFF0000, v1;
	v1 =	vshll.u32 v1, $0x10  }
0x38: {  	v7 =	vld [tilespmem:s12+$0x0];
	v2 =	vadd.f32 v3, v2;
	v0 =	vadd.f32 v1, v0  }
.Ltmp2:
0x39: {  	v1 =	vand.u32 $0xFFFF0000, v6;
	v3 =	vshll.u32 v6, $0x10;
	(pc) =	sbr.rel @p0 .LBB2_3-.Ltmp2, $4  }
0x3a: {  	v1 =	vadd.f32 v1, v2;
	v3 =	vadd.f32 v3, v0;
	v0 =	vld [tilespmem:s12+$0x10]  }
0x3b: {  	v2 =	vand.u32 $0xFFFF0000, v5;
	v4 =	vshll.u32 v5, $0x10  }
0x3c: {  	v2 =	vadd.f32 v2, v1;
	v3 =	vadd.f32 v4, v3;
	v1 =	vld [tilespmem:s12+$0x20]  }
0x3d: {  	s12 =	sadd.s32 $0x50, s12;
	v4 =	vand.u32 $0xFFFF0000, v7;
	v5 =	vshll.u32 v7, $0x10  }
0x3e: {  	v2 =	vadd.f32 v4, v2  }
0x3f: {  	v3 =	vadd.f32 v5, v3;
	v4 =	vand.u32 $0xFFFF0000, v0  }
0x40: {  	v0 =	vshll.u32 v0, $0x10;
	v2 =	vadd.f32 v4, v2  }
0x41: {  	v0 =	vadd.f32 v0, v3;
	v3 =	vand.u32 $0xFFFF0000, v1  }
0x42: {  	v1 =	vshll.u32 v1, $0x10;
	v2 =	vadd.f32 v3, v2  }
0x43: {  	v0 =	vadd.f32 v1, v0  }
0x44: {  	s11 =	sshll.u32 s10, $0xB;
	v1 =	vmul.f32 $1.999999960e-02, v2  }
0x45: {  	s11 =	sshra.s32 s11, $0x2;
	v0 =	vmul.f32 $1.999999960e-02, v0  }
0x46: {  	[tilespmem:s11+$0x9A00] =	vst v1  }
0x47: {  	s13 =	simm.s32 $0x6B60;
	[tilespmem:s11+$0x9A10] =	vst v0  }
0x48: {  	v0 =	vld [tilespmem:s13+$0xFFFFFFC0];
	_ =	sdelay $0x1  }
0x49: {  	v1 =	vld [tilespmem:s13+$0xFFFFFFD0];
	_ =	sdelay $0x1  }
0x4a: {  	v5 =	vld [tilespmem:s13+$0xFFFFFFE0]  }
0x4b: {  	v2 =	vimm.f32 $0.0e+00;
	v3 =	vand.u32 $0xFFFF0000, v0;
	v0 =	vshll.u32 v0, $0x10  }
0x4c: {  	v3 =	vadd.f32 v3, v2;
	v4 =	vadd.f32 v0, v2;
	v0 =	vld [tilespmem:s13+$0xFFFFFFF0]  }
0x4d: {  	v2 =	vand.u32 $0xFFFF0000, v1;
	v1 =	vshll.u32 v1, $0x10  }
0x4e: {  	v2 =	vadd.f32 v2, v3;
	v3 =	vadd.f32 v1, v4;
	v1 =	vld [tilespmem:s13+$0x0]  }
0x4f: {  	s12 =	simm.s32 $0x0;
	v4 =	vand.u32 $0xFFFF0000, v5;
	v5 =	vshll.u32 v5, $0x10;
	s13 =	simm.s32 $0x6BB0  }
.LBB2_5:
0x50: {  	v6 =	vld [tilespmem:s13+$0xFFFFFFC0];
	s12 =	sadd.s32 $0x5, s12;
	v2 =	vadd.f32 v4, v2;
	v3 =	vadd.f32 v5, v3  }
0x51: {  	p0 =	slt.u32 s12, $0x2D;
	v4 =	vand.u32 $0xFFFF0000, v0;
	v0 =	vshll.u32 v0, $0x10  }
0x52: {  	v5 =	vld [tilespmem:s13+$0xFFFFFFD0];
	v2 =	vadd.f32 v4, v2;
	v0 =	vadd.f32 v0, v3  }
0x53: {  	v3 =	vand.u32 $0xFFFF0000, v1;
	v1 =	vshll.u32 v1, $0x10  }
0x54: {  	v7 =	vld [tilespmem:s13+$0xFFFFFFE0];
	v2 =	vadd.f32 v3, v2;
	v0 =	vadd.f32 v1, v0  }
.Ltmp3:
0x55: {  	v1 =	vand.u32 $0xFFFF0000, v6;
	v3 =	vshll.u32 v6, $0x10;
	(pc) =	sbr.rel @p0 .LBB2_5-.Ltmp3, $4  }
0x56: {  	v1 =	vadd.f32 v1, v2;
	v3 =	vadd.f32 v3, v0;
	v0 =	vld [tilespmem:s13+$0xFFFFFFF0]  }
0x57: {  	v2 =	vand.u32 $0xFFFF0000, v5;
	v4 =	vshll.u32 v5, $0x10  }
0x58: {  	v2 =	vadd.f32 v2, v1;
	v3 =	vadd.f32 v4, v3;
	v1 =	vld [tilespmem:s13+$0x0]  }
0x59: {  	s13 =	sadd.s32 $0x50, s13;
	v4 =	vand.u32 $0xFFFF0000, v7;
	v5 =	vshll.u32 v7, $0x10  }
0x5a: {  	v2 =	vadd.f32 v4, v2  }
0x5b: {  	v3 =	vadd.f32 v5, v3;
	v4 =	vand.u32 $0xFFFF0000, v0  }
0x5c: {  	v0 =	vshll.u32 v0, $0x10;
	v2 =	vadd.f32 v4, v2  }
0x5d: {  	v0 =	vadd.f32 v0, v3;
	v3 =	vand.u32 $0xFFFF0000, v1  }
0x5e: {  	v1 =	vshll.u32 v1, $0x10;
	v2 =	vadd.f32 v3, v2  }
0x5f: {  	p0 =	seq.s32 s10, $0x1F;
	v0 =	vadd.f32 v1, v0  }
0x60: {  	s12 =	smul.u32 @!p0 $0xD00, s10;
	v1 =	vmul.f32 $1.999999960e-02, v2  }
0x61: {  	v0 =	vmul.f32 $1.999999960e-02, v0  }
0x62: {  	s12 =	sshra.s32 @!p0 s12, $0x2;
	[tilespmem:s11+$0x9A20] =	vst v1  }
0x63: {  	s14 =	simm.s32 @!p0 $0x64;
	s15 =	simm.s32 @!p0 $0x6800;
	s13 =	sadd.s32 @!p0 $0x340, s12;
	[tilespmem:s11+$0x9A30] =	vst v0  }
0x64: {  	[tilespmem:s15], [sflag:$0x1] =	stream.indirect.gather @!p0 [hbm4b:s3+s14], $0x10, s13, s14, $0xb8;
	[tilespmem:$0xDA00] =	vst v63  }
0x65: {  	_ =	swait.ge [sflag:s25], $0x640  }
0x66: {  	[sflag:s25] =	ssyncset.done $0x0  }
0x67: {  	s15 =	simm.s32 $0x6E60;
	[sflag:s25] =	ssyncadd.s32 $0xFFFFF9C0  }
0x68: {  	v0 =	vld [tilespmem:s15+$0xFFFFFFE0];
	_ =	sdelay $0x1  }
0x69: {  	v1 =	vld [tilespmem:s15+$0xFFFFFFF0];
	_ =	sdelay $0x1  }
0x6a: {  	v5 =	vld [tilespmem:s15+$0x0]  }
0x6b: {  	v2 =	vimm.f32 $0.0e+00;
	v3 =	vand.u32 $0xFFFF0000, v0;
	v0 =	vshll.u32 v0, $0x10  }
0x6c: {  	v3 =	vadd.f32 v3, v2;
	v4 =	vadd.f32 v0, v2;
	v0 =	vld [tilespmem:s15+$0x10]  }
0x6d: {  	v2 =	vand.u32 $0xFFFF0000, v1;
	v1 =	vshll.u32 v1, $0x10  }
0x6e: {  	v2 =	vadd.f32 v2, v3;
	v3 =	vadd.f32 v1, v4;
	v1 =	vld [tilespmem:s15+$0x20]  }
0x6f: {  	s13 =	simm.s32 $0x0;
	s14 =	simm.s32 $0x6EB0;
	v4 =	vand.u32 $0xFFFF0000, v5;
	v5 =	vshll.u32 v5, $0x10  }
.LBB2_7:
0x70: {  	v6 =	vld [tilespmem:s14+$0xFFFFFFE0];
	s13 =	sadd.s32 $0x5, s13;
	v2 =	vadd.f32 v4, v2;
	v3 =	vadd.f32 v5, v3  }
0x71: {  	p1 =	slt.u32 s13, $0x2D;
	v4 =	vand.u32 $0xFFFF0000, v0;
	v0 =	vshll.u32 v0, $0x10  }
0x72: {  	v5 =	vld [tilespmem:s14+$0xFFFFFFF0];
	v2 =	vadd.f32 v4, v2;
	v0 =	vadd.f32 v0, v3  }
0x73: {  	v3 =	vand.u32 $0xFFFF0000, v1;
	v1 =	vshll.u32 v1, $0x10  }
0x74: {  	v7 =	vld [tilespmem:s14+$0x0];
	v2 =	vadd.f32 v3, v2;
	v0 =	vadd.f32 v1, v0  }
.Ltmp4:
0x75: {  	v1 =	vand.u32 $0xFFFF0000, v6;
	v3 =	vshll.u32 v6, $0x10;
	(pc) =	sbr.rel @p1 .LBB2_7-.Ltmp4, $4  }
0x76: {  	v1 =	vadd.f32 v1, v2;
	v3 =	vadd.f32 v3, v0;
	v0 =	vld [tilespmem:s14+$0x10]  }
0x77: {  	v2 =	vand.u32 $0xFFFF0000, v5;
	v4 =	vshll.u32 v5, $0x10  }
0x78: {  	v2 =	vadd.f32 v2, v1;
	v3 =	vadd.f32 v4, v3;
	v1 =	vld [tilespmem:s14+$0x20]  }
0x79: {  	s14 =	sadd.s32 $0x50, s14;
	v4 =	vand.u32 $0xFFFF0000, v7;
	v5 =	vshll.u32 v7, $0x10  }
0x7a: {  	v2 =	vadd.f32 v4, v2  }
0x7b: {  	v3 =	vadd.f32 v5, v3;
	v4 =	vand.u32 $0xFFFF0000, v0  }
0x7c: {  	v0 =	vshll.u32 v0, $0x10;
	v2 =	vadd.f32 v4, v2  }
0x7d: {  	v0 =	vadd.f32 v0, v3;
	v3 =	vand.u32 $0xFFFF0000, v1  }
0x7e: {  	v1 =	vshll.u32 v1, $0x10;
	v2 =	vadd.f32 v3, v2  }
0x7f: {  	v0 =	vadd.f32 v1, v0  }
0x80: {  	v1 =	vmul.f32 $1.999999960e-02, v2  }
0x81: {  	v0 =	vmul.f32 $1.999999960e-02, v0  }
0x82: {  	[tilespmem:s11+$0x9A40] =	vst v1  }
0x83: {  	s14 =	simm.s32 $0x71A0;
	[tilespmem:s11+$0x9A50] =	vst v0  }
0x84: {  	v0 =	vld [tilespmem:s14+$0xFFFFFFC0];
	_ =	sdelay $0x1  }
0x85: {  	v1 =	vld [tilespmem:s14+$0xFFFFFFD0];
	_ =	sdelay $0x1  }
0x86: {  	v5 =	vld [tilespmem:s14+$0xFFFFFFE0]  }
0x87: {  	v2 =	vimm.f32 $0.0e+00;
	v3 =	vand.u32 $0xFFFF0000, v0;
	v0 =	vshll.u32 v0, $0x10  }
0x88: {  	v3 =	vadd.f32 v3, v2;
	v4 =	vadd.f32 v0, v2;
	v0 =	vld [tilespmem:s14+$0xFFFFFFF0]  }
0x89: {  	v2 =	vand.u32 $0xFFFF0000, v1;
	v1 =	vshll.u32 v1, $0x10  }
0x8a: {  	v2 =	vadd.f32 v2, v3;
	v3 =	vadd.f32 v1, v4;
	v1 =	vld [tilespmem:s14+$0x0]  }
0x8b: {  	s13 =	simm.s32 $0x0;
	v4 =	vand.u32 $0xFFFF0000, v5;
	v5 =	vshll.u32 v5, $0x10;
	s14 =	simm.s32 $0x71F0  }
.LBB2_9:
0x8c: {  	v6 =	vld [tilespmem:s14+$0xFFFFFFC0];
	s13 =	sadd.s32 $0x5, s13;
	v2 =	vadd.f32 v4, v2;
	v3 =	vadd.f32 v5, v3  }
0x8d: {  	p1 =	slt.u32 s13, $0x2D;
	v4 =	vand.u32 $0xFFFF0000, v0;
	v0 =	vshll.u32 v0, $0x10  }
0x8e: {  	v5 =	vld [tilespmem:s14+$0xFFFFFFD0];
	v2 =	vadd.f32 v4, v2;
	v0 =	vadd.f32 v0, v3  }
0x8f: {  	v3 =	vand.u32 $0xFFFF0000, v1;
	v1 =	vshll.u32 v1, $0x10  }
0x90: {  	v7 =	vld [tilespmem:s14+$0xFFFFFFE0];
	v2 =	vadd.f32 v3, v2;
	v0 =	vadd.f32 v1, v0  }
.Ltmp5:
0x91: {  	v1 =	vand.u32 $0xFFFF0000, v6;
	v3 =	vshll.u32 v6, $0x10;
	(pc) =	sbr.rel @p1 .LBB2_9-.Ltmp5, $4  }
0x92: {  	v1 =	vadd.f32 v1, v2;
	v3 =	vadd.f32 v3, v0;
	v0 =	vld [tilespmem:s14+$0xFFFFFFF0]  }
0x93: {  	v2 =	vand.u32 $0xFFFF0000, v5;
	v4 =	vshll.u32 v5, $0x10  }
0x94: {  	v2 =	vadd.f32 v2, v1;
	v3 =	vadd.f32 v4, v3;
	v1 =	vld [tilespmem:s14+$0x0]  }
0x95: {  	s14 =	sadd.s32 $0x50, s14;
	v4 =	vand.u32 $0xFFFF0000, v7;
	v5 =	vshll.u32 v7, $0x10  }
0x96: {  	v2 =	vadd.f32 v4, v2  }
0x97: {  	v3 =	vadd.f32 v5, v3;
	v4 =	vand.u32 $0xFFFF0000, v0  }
0x98: {  	v0 =	vshll.u32 v0, $0x10;
	v2 =	vadd.f32 v4, v2  }
0x99: {  	v0 =	vadd.f32 v0, v3;
	v3 =	vand.u32 $0xFFFF0000, v1  }
0x9a: {  	v1 =	vshll.u32 v1, $0x10;
	v2 =	vadd.f32 v3, v2  }
0x9b: {  	v0 =	vadd.f32 v1, v0  }
0x9c: {  	v1 =	vmul.f32 $1.999999960e-02, v2  }
0x9d: {  	v0 =	vmul.f32 $1.999999960e-02, v0  }
0x9e: {  	[tilespmem:s11+$0x9A60] =	vst v1  }
0x9f: {  	s13 =	sadd.s32 @!p0 $0x3A8, s12;
	s14 =	simm.s32 @!p0 $0x64;
	s15 =	simm.s32 @!p0 $0x6E40;
	[tilespmem:s11+$0x9A70] =	vst v0  }
0xa0: {  	[tilespmem:s15], [sflag:$0x2] =	stream.indirect.gather @!p0 [hbm4b:s3+s14], $0x10, s13, s14, $0xb8;
	[tilespmem:$0xDA00] =	vst v63  }
0xa1: {  	_ =	swait.ge [sflag:s26], $0x640  }
0xa2: {  	[sflag:s26] =	ssyncset.done $0x0  }
0xa3: {  	s15 =	simm.s32 $0x74A0;
	[sflag:s26] =	ssyncadd.s32 $0xFFFFF9C0  }
0xa4: {  	v0 =	vld [tilespmem:s15+$0xFFFFFFE0];
	_ =	sdelay $0x1  }
0xa5: {  	v1 =	vld [tilespmem:s15+$0xFFFFFFF0];
	_ =	sdelay $0x1  }
0xa6: {  	v5 =	vld [tilespmem:s15+$0x0]  }
0xa7: {  	v2 =	vimm.f32 $0.0e+00;
	v3 =	vand.u32 $0xFFFF0000, v0;
	v0 =	vshll.u32 v0, $0x10  }
0xa8: {  	v3 =	vadd.f32 v3, v2;
	v4 =	vadd.f32 v0, v2;
	v0 =	vld [tilespmem:s15+$0x10]  }
0xa9: {  	v2 =	vand.u32 $0xFFFF0000, v1;
	v1 =	vshll.u32 v1, $0x10  }
0xaa: {  	v2 =	vadd.f32 v2, v3;
	v3 =	vadd.f32 v1, v4;
	v1 =	vld [tilespmem:s15+$0x20]  }
0xab: {  	s13 =	simm.s32 $0x0;
	s14 =	simm.s32 $0x74F0;
	v4 =	vand.u32 $0xFFFF0000, v5;
	v5 =	vshll.u32 v5, $0x10  }
.LBB2_11:
0xac: {  	v6 =	vld [tilespmem:s14+$0xFFFFFFE0];
	s13 =	sadd.s32 $0x5, s13;
	v2 =	vadd.f32 v4, v2;
	v3 =	vadd.f32 v5, v3  }
0xad: {  	p1 =	slt.u32 s13, $0x2D;
	v4 =	vand.u32 $0xFFFF0000, v0;
	v0 =	vshll.u32 v0, $0x10  }
0xae: {  	v5 =	vld [tilespmem:s14+$0xFFFFFFF0];
	v2 =	vadd.f32 v4, v2;
	v0 =	vadd.f32 v0, v3  }
0xaf: {  	v3 =	vand.u32 $0xFFFF0000, v1;
	v1 =	vshll.u32 v1, $0x10  }
0xb0: {  	v7 =	vld [tilespmem:s14+$0x0];
	v2 =	vadd.f32 v3, v2;
	v0 =	vadd.f32 v1, v0  }
.Ltmp6:
0xb1: {  	v1 =	vand.u32 $0xFFFF0000, v6;
	v3 =	vshll.u32 v6, $0x10;
	(pc) =	sbr.rel @p1 .LBB2_11-.Ltmp6, $4  }
0xb2: {  	v1 =	vadd.f32 v1, v2;
	v3 =	vadd.f32 v3, v0;
	v0 =	vld [tilespmem:s14+$0x10]  }
0xb3: {  	v2 =	vand.u32 $0xFFFF0000, v5;
	v4 =	vshll.u32 v5, $0x10  }
0xb4: {  	v2 =	vadd.f32 v2, v1;
	v3 =	vadd.f32 v4, v3;
	v1 =	vld [tilespmem:s14+$0x20]  }
0xb5: {  	s14 =	sadd.s32 $0x50, s14;
	v4 =	vand.u32 $0xFFFF0000, v7;
	v5 =	vshll.u32 v7, $0x10  }
0xb6: {  	v2 =	vadd.f32 v4, v2  }
0xb7: {  	v3 =	vadd.f32 v5, v3;
	v4 =	vand.u32 $0xFFFF0000, v0  }
0xb8: {  	v0 =	vshll.u32 v0, $0x10;
	v2 =	vadd.f32 v4, v2  }
0xb9: {  	v0 =	vadd.f32 v0, v3;
	v3 =	vand.u32 $0xFFFF0000, v1  }
0xba: {  	v1 =	vshll.u32 v1, $0x10;
	v2 =	vadd.f32 v3, v2  }
0xbb: {  	v0 =	vadd.f32 v1, v0  }
0xbc: {  	v1 =	vmul.f32 $1.999999960e-02, v2  }
0xbd: {  	v0 =	vmul.f32 $1.999999960e-02, v0  }
0xbe: {  	[tilespmem:s11+$0x9A80] =	vst v1  }
0xbf: {  	s14 =	simm.s32 $0x77E0;
	[tilespmem:s11+$0x9A90] =	vst v0  }
0xc0: {  	v0 =	vld [tilespmem:s14+$0xFFFFFFC0];
	_ =	sdelay $0x1  }
0xc1: {  	v1 =	vld [tilespmem:s14+$0xFFFFFFD0];
	_ =	sdelay $0x1  }
0xc2: {  	v5 =	vld [tilespmem:s14+$0xFFFFFFE0]  }
0xc3: {  	v2 =	vimm.f32 $0.0e+00;
	v3 =	vand.u32 $0xFFFF0000, v0;
	v0 =	vshll.u32 v0, $0x10  }
0xc4: {  	v3 =	vadd.f32 v3, v2;
	v4 =	vadd.f32 v0, v2;
	v0 =	vld [tilespmem:s14+$0xFFFFFFF0]  }
0xc5: {  	v2 =	vand.u32 $0xFFFF0000, v1;
	v1 =	vshll.u32 v1, $0x10  }
0xc6: {  	v2 =	vadd.f32 v2, v3;
	v3 =	vadd.f32 v1, v4;
	v1 =	vld [tilespmem:s14+$0x0]  }
0xc7: {  	s13 =	simm.s32 $0x0;
	v4 =	vand.u32 $0xFFFF0000, v5;
	v5 =	vshll.u32 v5, $0x10;
	s14 =	simm.s32 $0x7830  }
.LBB2_13:
0xc8: {  	v6 =	vld [tilespmem:s14+$0xFFFFFFC0];
	s13 =	sadd.s32 $0x5, s13;
	v2 =	vadd.f32 v4, v2;
	v3 =	vadd.f32 v5, v3  }
0xc9: {  	p1 =	slt.u32 s13, $0x2D;
	v4 =	vand.u32 $0xFFFF0000, v0;
	v0 =	vshll.u32 v0, $0x10  }
0xca: {  	v5 =	vld [tilespmem:s14+$0xFFFFFFD0];
	v2 =	vadd.f32 v4, v2;
	v0 =	vadd.f32 v0, v3  }
0xcb: {  	v3 =	vand.u32 $0xFFFF0000, v1;
	v1 =	vshll.u32 v1, $0x10  }
0xcc: {  	v7 =	vld [tilespmem:s14+$0xFFFFFFE0];
	v2 =	vadd.f32 v3, v2;
	v0 =	vadd.f32 v1, v0  }
.Ltmp7:
0xcd: {  	v1 =	vand.u32 $0xFFFF0000, v6;
	v3 =	vshll.u32 v6, $0x10;
	(pc) =	sbr.rel @p1 .LBB2_13-.Ltmp7, $4  }
0xce: {  	v1 =	vadd.f32 v1, v2;
	v3 =	vadd.f32 v3, v0;
	v0 =	vld [tilespmem:s14+$0xFFFFFFF0]  }
0xcf: {  	v2 =	vand.u32 $0xFFFF0000, v5;
	v4 =	vshll.u32 v5, $0x10  }
0xd0: {  	v2 =	vadd.f32 v2, v1;
	v3 =	vadd.f32 v4, v3;
	v1 =	vld [tilespmem:s14+$0x0]  }
0xd1: {  	s14 =	sadd.s32 $0x50, s14;
	v4 =	vand.u32 $0xFFFF0000, v7;
	v5 =	vshll.u32 v7, $0x10  }
0xd2: {  	v2 =	vadd.f32 v4, v2  }
0xd3: {  	v3 =	vadd.f32 v5, v3;
	v4 =	vand.u32 $0xFFFF0000, v0  }
0xd4: {  	v0 =	vshll.u32 v0, $0x10;
	v2 =	vadd.f32 v4, v2  }
0xd5: {  	v0 =	vadd.f32 v0, v3;
	v3 =	vand.u32 $0xFFFF0000, v1  }
0xd6: {  	v1 =	vshll.u32 v1, $0x10;
	v2 =	vadd.f32 v3, v2  }
0xd7: {  	v0 =	vadd.f32 v1, v0  }
0xd8: {  	v1 =	vmul.f32 $1.999999960e-02, v2  }
0xd9: {  	v0 =	vmul.f32 $1.999999960e-02, v0  }
0xda: {  	[tilespmem:s11+$0x9AA0] =	vst v1  }
0xdb: {  	s13 =	sadd.s32 @!p0 $0x410, s12;
	s14 =	simm.s32 @!p0 $0x64;
	s15 =	simm.s32 @!p0 $0x7480;
	[tilespmem:s11+$0x9AB0] =	vst v0  }
0xdc: {  	[tilespmem:s15], [sflag:$0x3] =	stream.indirect.gather @!p0 [hbm4b:s3+s14], $0x10, s13, s14, $0xb8;
	[tilespmem:$0xDA00] =	vst v63  }
0xdd: {  	_ =	swait.ge [sflag:s28], $0x640  }
0xde: {  	[sflag:s28] =	ssyncset.done $0x0  }
0xdf: {  	s15 =	simm.s32 $0x7AE0;
	[sflag:s28] =	ssyncadd.s32 $0xFFFFF9C0  }
0xe0: {  	v0 =	vld [tilespmem:s15+$0xFFFFFFE0];
	_ =	sdelay $0x1  }
0xe1: {  	v1 =	vld [tilespmem:s15+$0xFFFFFFF0];
	_ =	sdelay $0x1  }
0xe2: {  	v5 =	vld [tilespmem:s15+$0x0]  }
0xe3: {  	v2 =	vimm.f32 $0.0e+00;
	v3 =	vand.u32 $0xFFFF0000, v0;
	v0 =	vshll.u32 v0, $0x10  }
0xe4: {  	v3 =	vadd.f32 v3, v2;
	v4 =	vadd.f32 v0, v2;
	v0 =	vld [tilespmem:s15+$0x10]  }
0xe5: {  	v2 =	vand.u32 $0xFFFF0000, v1;
	v1 =	vshll.u32 v1, $0x10  }
0xe6: {  	v2 =	vadd.f32 v2, v3;
	v3 =	vadd.f32 v1, v4;
	v1 =	vld [tilespmem:s15+$0x20]  }
0xe7: {  	s13 =	simm.s32 $0x0;
	s14 =	simm.s32 $0x7B30;
	v4 =	vand.u32 $0xFFFF0000, v5;
	v5 =	vshll.u32 v5, $0x10  }
.LBB2_15:
0xe8: {  	v6 =	vld [tilespmem:s14+$0xFFFFFFE0];
	s13 =	sadd.s32 $0x5, s13;
	v2 =	vadd.f32 v4, v2;
	v3 =	vadd.f32 v5, v3  }
0xe9: {  	p1 =	slt.u32 s13, $0x2D;
	v4 =	vand.u32 $0xFFFF0000, v0;
	v0 =	vshll.u32 v0, $0x10  }
0xea: {  	v5 =	vld [tilespmem:s14+$0xFFFFFFF0];
	v2 =	vadd.f32 v4, v2;
	v0 =	vadd.f32 v0, v3  }
0xeb: {  	v3 =	vand.u32 $0xFFFF0000, v1;
	v1 =	vshll.u32 v1, $0x10  }
0xec: {  	v7 =	vld [tilespmem:s14+$0x0];
	v2 =	vadd.f32 v3, v2;
	v0 =	vadd.f32 v1, v0  }
.Ltmp8:
0xed: {  	v1 =	vand.u32 $0xFFFF0000, v6;
	v3 =	vshll.u32 v6, $0x10;
	(pc) =	sbr.rel @p1 .LBB2_15-.Ltmp8, $4  }
0xee: {  	v1 =	vadd.f32 v1, v2;
	v3 =	vadd.f32 v3, v0;
	v0 =	vld [tilespmem:s14+$0x10]  }
0xef: {  	v2 =	vand.u32 $0xFFFF0000, v5;
	v4 =	vshll.u32 v5, $0x10  }
0xf0: {  	v2 =	vadd.f32 v2, v1;
	v3 =	vadd.f32 v4, v3;
	v1 =	vld [tilespmem:s14+$0x20]  }
0xf1: {  	s14 =	sadd.s32 $0x50, s14;
	v4 =	vand.u32 $0xFFFF0000, v7;
	v5 =	vshll.u32 v7, $0x10  }
0xf2: {  	v2 =	vadd.f32 v4, v2  }
0xf3: {  	v3 =	vadd.f32 v5, v3;
	v4 =	vand.u32 $0xFFFF0000, v0  }
0xf4: {  	v0 =	vshll.u32 v0, $0x10;
	v2 =	vadd.f32 v4, v2  }
0xf5: {  	v0 =	vadd.f32 v0, v3;
	v3 =	vand.u32 $0xFFFF0000, v1  }
0xf6: {  	v1 =	vshll.u32 v1, $0x10;
	v2 =	vadd.f32 v3, v2  }
0xf7: {  	v0 =	vadd.f32 v1, v0  }
0xf8: {  	v1 =	vmul.f32 $1.999999960e-02, v2  }
0xf9: {  	v0 =	vmul.f32 $1.999999960e-02, v0  }
0xfa: {  	[tilespmem:s11+$0x9AC0] =	vst v1  }
0xfb: {  	s14 =	simm.s32 $0x7E20;
	[tilespmem:s11+$0x9AD0] =	vst v0  }
0xfc: {  	v0 =	vld [tilespmem:s14+$0xFFFFFFC0];
	_ =	sdelay $0x1  }
0xfd: {  	v1 =	vld [tilespmem:s14+$0xFFFFFFD0];
	_ =	sdelay $0x1  }
0xfe: {  	v5 =	vld [tilespmem:s14+$0xFFFFFFE0]  }
0xff: {  	v2 =	vimm.f32 $0.0e+00;
	v3 =	vand.u32 $0xFFFF0000, v0;
	v0 =	vshll.u32 v0, $0x10  }
0x100: {  	v3 =	vadd.f32 v3, v2;
	v4 =	vadd.f32 v0, v2;
	v0 =	vld [tilespmem:s14+$0xFFFFFFF0]  }
0x101: {  	v2 =	vand.u32 $0xFFFF0000, v1;
	v1 =	vshll.u32 v1, $0x10  }
0x102: {  	v2 =	vadd.f32 v2, v3;
	v3 =	vadd.f32 v1, v4;
	v1 =	vld [tilespmem:s14+$0x0]  }
0x103: {  	s13 =	simm.s32 $0x0;
	v4 =	vand.u32 $0xFFFF0000, v5;
	v5 =	vshll.u32 v5, $0x10;
	s14 =	simm.s32 $0x7E70  }
.LBB2_17:
0x104: {  	v6 =	vld [tilespmem:s14+$0xFFFFFFC0];
	s13 =	sadd.s32 $0x5, s13;
	v2 =	vadd.f32 v4, v2;
	v3 =	vadd.f32 v5, v3  }
0x105: {  	p1 =	slt.u32 s13, $0x2D;
	v4 =	vand.u32 $0xFFFF0000, v0;
	v0 =	vshll.u32 v0, $0x10  }
0x106: {  	v5 =	vld [tilespmem:s14+$0xFFFFFFD0];
	v2 =	vadd.f32 v4, v2;
	v0 =	vadd.f32 v0, v3  }
0x107: {  	v3 =	vand.u32 $0xFFFF0000, v1;
	v1 =	vshll.u32 v1, $0x10  }
0x108: {  	v7 =	vld [tilespmem:s14+$0xFFFFFFE0];
	v2 =	vadd.f32 v3, v2;
	v0 =	vadd.f32 v1, v0  }
.Ltmp9:
0x109: {  	v1 =	vand.u32 $0xFFFF0000, v6;
	v3 =	vshll.u32 v6, $0x10;
	(pc) =	sbr.rel @p1 .LBB2_17-.Ltmp9, $4  }
0x10a: {  	v1 =	vadd.f32 v1, v2;
	v3 =	vadd.f32 v3, v0;
	v0 =	vld [tilespmem:s14+$0xFFFFFFF0]  }
0x10b: {  	v2 =	vand.u32 $0xFFFF0000, v5;
	v4 =	vshll.u32 v5, $0x10  }
0x10c: {  	v2 =	vadd.f32 v2, v1;
	v3 =	vadd.f32 v4, v3;
	v1 =	vld [tilespmem:s14+$0x0]  }
0x10d: {  	s14 =	sadd.s32 $0x50, s14;
	v4 =	vand.u32 $0xFFFF0000, v7;
	v5 =	vshll.u32 v7, $0x10  }
0x10e: {  	v2 =	vadd.f32 v4, v2  }
0x10f: {  	v3 =	vadd.f32 v5, v3;
	v4 =	vand.u32 $0xFFFF0000, v0  }
0x110: {  	v0 =	vshll.u32 v0, $0x10;
	v2 =	vadd.f32 v4, v2  }
0x111: {  	v0 =	vadd.f32 v0, v3;
	v3 =	vand.u32 $0xFFFF0000, v1  }
0x112: {  	v1 =	vshll.u32 v1, $0x10;
	v2 =	vadd.f32 v3, v2  }
0x113: {  	v0 =	vadd.f32 v1, v0  }
0x114: {  	v1 =	vmul.f32 $1.999999960e-02, v2  }
0x115: {  	v0 =	vmul.f32 $1.999999960e-02, v0  }
0x116: {  	[tilespmem:s11+$0x9AE0] =	vst v1  }
0x117: {  	s13 =	sadd.s32 @!p0 $0x478, s12;
	s14 =	simm.s32 @!p0 $0x64;
	s15 =	simm.s32 @!p0 $0x7AC0;
	[tilespmem:s11+$0x9AF0] =	vst v0  }
0x118: {  	[tilespmem:s15], [sflag:$0x4] =	stream.indirect.gather @!p0 [hbm4b:s3+s14], $0x10, s13, s14, $0xb8;
	[tilespmem:$0xDA00] =	vst v63  }
0x119: {  	_ =	swait.ge [sflag:s29], $0x640  }
0x11a: {  	[sflag:s29] =	ssyncset.done $0x0  }
0x11b: {  	s15 =	simm.s32 $0x8120;
	[sflag:s29] =	ssyncadd.s32 $0xFFFFF9C0  }
0x11c: {  	v0 =	vld [tilespmem:s15+$0xFFFFFFE0];
	_ =	sdelay $0x1  }
0x11d: {  	v1 =	vld [tilespmem:s15+$0xFFFFFFF0];
	_ =	sdelay $0x1  }
0x11e: {  	v5 =	vld [tilespmem:s15+$0x0]  }
0x11f: {  	v2 =	vimm.f32 $0.0e+00;
	v3 =	vand.u32 $0xFFFF0000, v0;
	v0 =	vshll.u32 v0, $0x10  }
0x120: {  	v3 =	vadd.f32 v3, v2;
	v4 =	vadd.f32 v0, v2;
	v0 =	vld [tilespmem:s15+$0x10]  }
0x121: {  	v2 =	vand.u32 $0xFFFF0000, v1;
	v1 =	vshll.u32 v1, $0x10  }
0x122: {  	v2 =	vadd.f32 v2, v3;
	v3 =	vadd.f32 v1, v4;
	v1 =	vld [tilespmem:s15+$0x20]  }
0x123: {  	s13 =	simm.s32 $0x0;
	s14 =	simm.s32 $0x8170;
	v4 =	vand.u32 $0xFFFF0000, v5;
	v5 =	vshll.u32 v5, $0x10  }
.LBB2_19:
0x124: {  	v6 =	vld [tilespmem:s14+$0xFFFFFFE0];
	s13 =	sadd.s32 $0x5, s13;
	v2 =	vadd.f32 v4, v2;
	v3 =	vadd.f32 v5, v3  }
0x125: {  	p1 =	slt.u32 s13, $0x2D;
	v4 =	vand.u32 $0xFFFF0000, v0;
	v0 =	vshll.u32 v0, $0x10  }
0x126: {  	v5 =	vld [tilespmem:s14+$0xFFFFFFF0];
	v2 =	vadd.f32 v4, v2;
	v0 =	vadd.f32 v0, v3  }
0x127: {  	v3 =	vand.u32 $0xFFFF0000, v1;
	v1 =	vshll.u32 v1, $0x10  }
0x128: {  	v7 =	vld [tilespmem:s14+$0x0];
	v2 =	vadd.f32 v3, v2;
	v0 =	vadd.f32 v1, v0  }
.Ltmp10:
0x129: {  	v1 =	vand.u32 $0xFFFF0000, v6;
	v3 =	vshll.u32 v6, $0x10;
	(pc) =	sbr.rel @p1 .LBB2_19-.Ltmp10, $4  }
0x12a: {  	v1 =	vadd.f32 v1, v2;
	v3 =	vadd.f32 v3, v0;
	v0 =	vld [tilespmem:s14+$0x10]  }
0x12b: {  	v2 =	vand.u32 $0xFFFF0000, v5;
	v4 =	vshll.u32 v5, $0x10  }
0x12c: {  	v2 =	vadd.f32 v2, v1;
	v3 =	vadd.f32 v4, v3;
	v1 =	vld [tilespmem:s14+$0x20]  }
0x12d: {  	s14 =	sadd.s32 $0x50, s14;
	v4 =	vand.u32 $0xFFFF0000, v7;
	v5 =	vshll.u32 v7, $0x10  }
0x12e: {  	v2 =	vadd.f32 v4, v2  }
0x12f: {  	v3 =	vadd.f32 v5, v3;
	v4 =	vand.u32 $0xFFFF0000, v0  }
0x130: {  	v0 =	vshll.u32 v0, $0x10;
	v2 =	vadd.f32 v4, v2  }
0x131: {  	v0 =	vadd.f32 v0, v3;
	v3 =	vand.u32 $0xFFFF0000, v1  }
0x132: {  	v1 =	vshll.u32 v1, $0x10;
	v2 =	vadd.f32 v3, v2  }
0x133: {  	v0 =	vadd.f32 v1, v0  }
0x134: {  	v1 =	vmul.f32 $1.999999960e-02, v2  }
0x135: {  	v0 =	vmul.f32 $1.999999960e-02, v0  }
0x136: {  	[tilespmem:s11+$0x9B00] =	vst v1  }
0x137: {  	s14 =	simm.s32 $0x8460;
	[tilespmem:s11+$0x9B10] =	vst v0  }
0x138: {  	v0 =	vld [tilespmem:s14+$0xFFFFFFC0];
	_ =	sdelay $0x1  }
0x139: {  	v1 =	vld [tilespmem:s14+$0xFFFFFFD0];
	_ =	sdelay $0x1  }
0x13a: {  	v5 =	vld [tilespmem:s14+$0xFFFFFFE0]  }
0x13b: {  	v2 =	vimm.f32 $0.0e+00;
	v3 =	vand.u32 $0xFFFF0000, v0;
	v0 =	vshll.u32 v0, $0x10  }
0x13c: {  	v3 =	vadd.f32 v3, v2;
	v4 =	vadd.f32 v0, v2;
	v0 =	vld [tilespmem:s14+$0xFFFFFFF0]  }
0x13d: {  	v2 =	vand.u32 $0xFFFF0000, v1;
	v1 =	vshll.u32 v1, $0x10  }
0x13e: {  	v2 =	vadd.f32 v2, v3;
	v3 =	vadd.f32 v1, v4;
	v1 =	vld [tilespmem:s14+$0x0]  }
0x13f: {  	s13 =	simm.s32 $0x0;
	v4 =	vand.u32 $0xFFFF0000, v5;
	v5 =	vshll.u32 v5, $0x10;
	s14 =	simm.s32 $0x84B0  }
.LBB2_21:
0x140: {  	v6 =	vld [tilespmem:s14+$0xFFFFFFC0];
	s13 =	sadd.s32 $0x5, s13;
	v2 =	vadd.f32 v4, v2;
	v3 =	vadd.f32 v5, v3  }
0x141: {  	p1 =	slt.u32 s13, $0x2D;
	v4 =	vand.u32 $0xFFFF0000, v0;
	v0 =	vshll.u32 v0, $0x10  }
0x142: {  	v5 =	vld [tilespmem:s14+$0xFFFFFFD0];
	v2 =	vadd.f32 v4, v2;
	v0 =	vadd.f32 v0, v3  }
0x143: {  	v3 =	vand.u32 $0xFFFF0000, v1;
	v1 =	vshll.u32 v1, $0x10  }
0x144: {  	v7 =	vld [tilespmem:s14+$0xFFFFFFE0];
	v2 =	vadd.f32 v3, v2;
	v0 =	vadd.f32 v1, v0  }
.Ltmp11:
0x145: {  	v1 =	vand.u32 $0xFFFF0000, v6;
	v3 =	vshll.u32 v6, $0x10;
	(pc) =	sbr.rel @p1 .LBB2_21-.Ltmp11, $4  }
0x146: {  	v1 =	vadd.f32 v1, v2;
	v3 =	vadd.f32 v3, v0;
	v0 =	vld [tilespmem:s14+$0xFFFFFFF0]  }
0x147: {  	v2 =	vand.u32 $0xFFFF0000, v5;
	v4 =	vshll.u32 v5, $0x10  }
0x148: {  	v2 =	vadd.f32 v2, v1;
	v3 =	vadd.f32 v4, v3;
	v1 =	vld [tilespmem:s14+$0x0]  }
0x149: {  	s14 =	sadd.s32 $0x50, s14;
	v4 =	vand.u32 $0xFFFF0000, v7;
	v5 =	vshll.u32 v7, $0x10  }
0x14a: {  	v2 =	vadd.f32 v4, v2  }
0x14b: {  	v3 =	vadd.f32 v5, v3;
	v4 =	vand.u32 $0xFFFF0000, v0  }
0x14c: {  	v0 =	vshll.u32 v0, $0x10;
	v2 =	vadd.f32 v4, v2  }
0x14d: {  	v0 =	vadd.f32 v0, v3;
	v3 =	vand.u32 $0xFFFF0000, v1  }
0x14e: {  	v1 =	vshll.u32 v1, $0x10;
	v2 =	vadd.f32 v3, v2  }
0x14f: {  	v0 =	vadd.f32 v1, v0  }
0x150: {  	v1 =	vmul.f32 $1.999999960e-02, v2  }
0x151: {  	v0 =	vmul.f32 $1.999999960e-02, v0  }
0x152: {  	[tilespmem:s11+$0x9B20] =	vst v1  }
0x153: {  	s13 =	sadd.s32 @!p0 $0x4E0, s12;
	s14 =	simm.s32 @!p0 $0x64;
	s15 =	simm.s32 @!p0 $0x8100;
	[tilespmem:s11+$0x9B30] =	vst v0  }
0x154: {  	[tilespmem:s15], [sflag:$0x5] =	stream.indirect.gather @!p0 [hbm4b:s3+s14], $0x10, s13, s14, $0xb8;
	[tilespmem:$0xDA00] =	vst v63  }
0x155: {  	_ =	swait.ge [sflag:s30], $0x640  }
0x156: {  	[sflag:s30] =	ssyncset.done $0x0  }
0x157: {  	s15 =	simm.s32 $0x8760;
	[sflag:s30] =	ssyncadd.s32 $0xFFFFF9C0  }
0x158: {  	v0 =	vld [tilespmem:s15+$0xFFFFFFE0];
	_ =	sdelay $0x1  }
0x159: {  	v1 =	vld [tilespmem:s15+$0xFFFFFFF0];
	_ =	sdelay $0x1  }
0x15a: {  	v5 =	vld [tilespmem:s15+$0x0]  }
0x15b: {  	v2 =	vimm.f32 $0.0e+00;
	v3 =	vand.u32 $0xFFFF0000, v0;
	v0 =	vshll.u32 v0, $0x10  }
0x15c: {  	v3 =	vadd.f32 v3, v2;
	v4 =	vadd.f32 v0, v2;
	v0 =	vld [tilespmem:s15+$0x10]  }
0x15d: {  	v2 =	vand.u32 $0xFFFF0000, v1;
	v1 =	vshll.u32 v1, $0x10  }
0x15e: {  	v2 =	vadd.f32 v2, v3;
	v3 =	vadd.f32 v1, v4;
	v1 =	vld [tilespmem:s15+$0x20]  }
0x15f: {  	s13 =	simm.s32 $0x0;
	s14 =	simm.s32 $0x87B0;
	v4 =	vand.u32 $0xFFFF0000, v5;
	v5 =	vshll.u32 v5, $0x10  }
.LBB2_23:
0x160: {  	v6 =	vld [tilespmem:s14+$0xFFFFFFE0];
	s13 =	sadd.s32 $0x5, s13;
	v2 =	vadd.f32 v4, v2;
	v3 =	vadd.f32 v5, v3  }
0x161: {  	p1 =	slt.u32 s13, $0x2D;
	v4 =	vand.u32 $0xFFFF0000, v0;
	v0 =	vshll.u32 v0, $0x10  }
0x162: {  	v5 =	vld [tilespmem:s14+$0xFFFFFFF0];
	v2 =	vadd.f32 v4, v2;
	v0 =	vadd.f32 v0, v3  }
0x163: {  	v3 =	vand.u32 $0xFFFF0000, v1;
	v1 =	vshll.u32 v1, $0x10  }
0x164: {  	v7 =	vld [tilespmem:s14+$0x0];
	v2 =	vadd.f32 v3, v2;
	v0 =	vadd.f32 v1, v0  }
.Ltmp12:
0x165: {  	v1 =	vand.u32 $0xFFFF0000, v6;
	v3 =	vshll.u32 v6, $0x10;
	(pc) =	sbr.rel @p1 .LBB2_23-.Ltmp12, $4  }
0x166: {  	v1 =	vadd.f32 v1, v2;
	v3 =	vadd.f32 v3, v0;
	v0 =	vld [tilespmem:s14+$0x10]  }
0x167: {  	v2 =	vand.u32 $0xFFFF0000, v5;
	v4 =	vshll.u32 v5, $0x10  }
0x168: {  	v2 =	vadd.f32 v2, v1;
	v3 =	vadd.f32 v4, v3;
	v1 =	vld [tilespmem:s14+$0x20]  }
0x169: {  	s14 =	sadd.s32 $0x50, s14;
	v4 =	vand.u32 $0xFFFF0000, v7;
	v5 =	vshll.u32 v7, $0x10  }
0x16a: {  	v2 =	vadd.f32 v4, v2  }
0x16b: {  	v3 =	vadd.f32 v5, v3;
	v4 =	vand.u32 $0xFFFF0000, v0  }
0x16c: {  	v0 =	vshll.u32 v0, $0x10;
	v2 =	vadd.f32 v4, v2  }
0x16d: {  	v0 =	vadd.f32 v0, v3;
	v3 =	vand.u32 $0xFFFF0000, v1  }
0x16e: {  	v1 =	vshll.u32 v1, $0x10;
	v2 =	vadd.f32 v3, v2  }
0x16f: {  	v0 =	vadd.f32 v1, v0  }
0x170: {  	v1 =	vmul.f32 $1.999999960e-02, v2  }
0x171: {  	v0 =	vmul.f32 $1.999999960e-02, v0  }
0x172: {  	[tilespmem:s11+$0x9B40] =	vst v1  }
0x173: {  	s14 =	simm.s32 $0x8AA0;
	[tilespmem:s11+$0x9B50] =	vst v0  }
0x174: {  	v0 =	vld [tilespmem:s14+$0xFFFFFFC0];
	_ =	sdelay $0x1  }
0x175: {  	v1 =	vld [tilespmem:s14+$0xFFFFFFD0];
	_ =	sdelay $0x1  }
0x176: {  	v5 =	vld [tilespmem:s14+$0xFFFFFFE0]  }
0x177: {  	v2 =	vimm.f32 $0.0e+00;
	v3 =	vand.u32 $0xFFFF0000, v0;
	v0 =	vshll.u32 v0, $0x10  }
0x178: {  	v3 =	vadd.f32 v3, v2;
	v4 =	vadd.f32 v0, v2;
	v0 =	vld [tilespmem:s14+$0xFFFFFFF0]  }
0x179: {  	v2 =	vand.u32 $0xFFFF0000, v1;
	v1 =	vshll.u32 v1, $0x10  }
0x17a: {  	v2 =	vadd.f32 v2, v3;
	v3 =	vadd.f32 v1, v4;
	v1 =	vld [tilespmem:s14+$0x0]  }
0x17b: {  	s13 =	simm.s32 $0x0;
	v4 =	vand.u32 $0xFFFF0000, v5;
	v5 =	vshll.u32 v5, $0x10;
	s14 =	simm.s32 $0x8AF0  }
.LBB2_25:
0x17c: {  	v6 =	vld [tilespmem:s14+$0xFFFFFFC0];
	s13 =	sadd.s32 $0x5, s13;
	v2 =	vadd.f32 v4, v2;
	v3 =	vadd.f32 v5, v3  }
0x17d: {  	p1 =	slt.u32 s13, $0x2D;
	v4 =	vand.u32 $0xFFFF0000, v0;
	v0 =	vshll.u32 v0, $0x10  }
0x17e: {  	v5 =	vld [tilespmem:s14+$0xFFFFFFD0];
	v2 =	vadd.f32 v4, v2;
	v0 =	vadd.f32 v0, v3  }
0x17f: {  	v3 =	vand.u32 $0xFFFF0000, v1;
	v1 =	vshll.u32 v1, $0x10  }
0x180: {  	v7 =	vld [tilespmem:s14+$0xFFFFFFE0];
	v2 =	vadd.f32 v3, v2;
	v0 =	vadd.f32 v1, v0  }
.Ltmp13:
0x181: {  	v1 =	vand.u32 $0xFFFF0000, v6;
	v3 =	vshll.u32 v6, $0x10;
	(pc) =	sbr.rel @p1 .LBB2_25-.Ltmp13, $4  }
0x182: {  	v1 =	vadd.f32 v1, v2;
	v3 =	vadd.f32 v3, v0;
	v0 =	vld [tilespmem:s14+$0xFFFFFFF0]  }
0x183: {  	v2 =	vand.u32 $0xFFFF0000, v5;
	v4 =	vshll.u32 v5, $0x10  }
0x184: {  	v2 =	vadd.f32 v2, v1;
	v3 =	vadd.f32 v4, v3;
	v1 =	vld [tilespmem:s14+$0x0]  }
0x185: {  	s14 =	sadd.s32 $0x50, s14;
	v4 =	vand.u32 $0xFFFF0000, v7;
	v5 =	vshll.u32 v7, $0x10  }
0x186: {  	v2 =	vadd.f32 v4, v2  }
0x187: {  	v3 =	vadd.f32 v5, v3;
	v4 =	vand.u32 $0xFFFF0000, v0  }
0x188: {  	v0 =	vshll.u32 v0, $0x10;
	v2 =	vadd.f32 v4, v2  }
0x189: {  	v0 =	vadd.f32 v0, v3;
	v3 =	vand.u32 $0xFFFF0000, v1  }
0x18a: {  	v1 =	vshll.u32 v1, $0x10;
	v2 =	vadd.f32 v3, v2  }
0x18b: {  	v0 =	vadd.f32 v1, v0  }
0x18c: {  	v1 =	vmul.f32 $1.999999960e-02, v2  }
0x18d: {  	v0 =	vmul.f32 $1.999999960e-02, v0  }
0x18e: {  	[tilespmem:s11+$0x9B60] =	vst v1  }
0x18f: {  	s13 =	sadd.s32 @!p0 $0x548, s12;
	s14 =	simm.s32 @!p0 $0x64;
	s15 =	simm.s32 @!p0 $0x8740;
	[tilespmem:s11+$0x9B70] =	vst v0  }
0x190: {  	[tilespmem:s15], [sflag:$0x6] =	stream.indirect.gather @!p0 [hbm4b:s3+s14], $0x10, s13, s14, $0xb8;
	[tilespmem:$0xDA00] =	vst v63  }
0x191: {  	_ =	swait.ge [sflag:s31], $0x640  }
0x192: {  	[sflag:s31] =	ssyncset.done $0x0  }
0x193: {  	s15 =	simm.s32 $0x8DA0;
	[sflag:s31] =	ssyncadd.s32 $0xFFFFF9C0  }
0x194: {  	v0 =	vld [tilespmem:s15+$0xFFFFFFE0];
	_ =	sdelay $0x1  }
0x195: {  	v1 =	vld [tilespmem:s15+$0xFFFFFFF0];
	_ =	sdelay $0x1  }
0x196: {  	v5 =	vld [tilespmem:s15+$0x0]  }
0x197: {  	v2 =	vimm.f32 $0.0e+00;
	v3 =	vand.u32 $0xFFFF0000, v0;
	v0 =	vshll.u32 v0, $0x10  }
0x198: {  	v3 =	vadd.f32 v3, v2;
	v4 =	vadd.f32 v0, v2;
	v0 =	vld [tilespmem:s15+$0x10]  }
0x199: {  	v2 =	vand.u32 $0xFFFF0000, v1;
	v1 =	vshll.u32 v1, $0x10  }
0x19a: {  	v2 =	vadd.f32 v2, v3;
	v3 =	vadd.f32 v1, v4;
	v1 =	vld [tilespmem:s15+$0x20]  }
0x19b: {  	s13 =	simm.s32 $0x0;
	s14 =	simm.s32 $0x8DF0;
	v4 =	vand.u32 $0xFFFF0000, v5;
	v5 =	vshll.u32 v5, $0x10  }
.LBB2_27:
0x19c: {  	v6 =	vld [tilespmem:s14+$0xFFFFFFE0];
	s13 =	sadd.s32 $0x5, s13;
	v2 =	vadd.f32 v4, v2;
	v3 =	vadd.f32 v5, v3  }
0x19d: {  	p1 =	slt.u32 s13, $0x2D;
	v4 =	vand.u32 $0xFFFF0000, v0;
	v0 =	vshll.u32 v0, $0x10  }
0x19e: {  	v5 =	vld [tilespmem:s14+$0xFFFFFFF0];
	v2 =	vadd.f32 v4, v2;
	v0 =	vadd.f32 v0, v3  }
0x19f: {  	v3 =	vand.u32 $0xFFFF0000, v1;
	v1 =	vshll.u32 v1, $0x10  }
0x1a0: {  	v7 =	vld [tilespmem:s14+$0x0];
	v2 =	vadd.f32 v3, v2;
	v0 =	vadd.f32 v1, v0  }
.Ltmp14:
0x1a1: {  	v1 =	vand.u32 $0xFFFF0000, v6;
	v3 =	vshll.u32 v6, $0x10;
	(pc) =	sbr.rel @p1 .LBB2_27-.Ltmp14, $4  }
0x1a2: {  	v1 =	vadd.f32 v1, v2;
	v3 =	vadd.f32 v3, v0;
	v0 =	vld [tilespmem:s14+$0x10]  }
0x1a3: {  	v2 =	vand.u32 $0xFFFF0000, v5;
	v4 =	vshll.u32 v5, $0x10  }
0x1a4: {  	v2 =	vadd.f32 v2, v1;
	v3 =	vadd.f32 v4, v3;
	v1 =	vld [tilespmem:s14+$0x20]  }
0x1a5: {  	s14 =	sadd.s32 $0x50, s14;
	v4 =	vand.u32 $0xFFFF0000, v7;
	v5 =	vshll.u32 v7, $0x10  }
0x1a6: {  	v2 =	vadd.f32 v4, v2  }
0x1a7: {  	v3 =	vadd.f32 v5, v3;
	v4 =	vand.u32 $0xFFFF0000, v0  }
0x1a8: {  	v0 =	vshll.u32 v0, $0x10;
	v2 =	vadd.f32 v4, v2  }
0x1a9: {  	v0 =	vadd.f32 v0, v3;
	v3 =	vand.u32 $0xFFFF0000, v1  }
0x1aa: {  	v1 =	vshll.u32 v1, $0x10;
	v2 =	vadd.f32 v3, v2  }
0x1ab: {  	v0 =	vadd.f32 v1, v0  }
0x1ac: {  	v1 =	vmul.f32 $1.999999960e-02, v2  }
0x1ad: {  	v0 =	vmul.f32 $1.999999960e-02, v0  }
0x1ae: {  	[tilespmem:s11+$0x9B80] =	vst v1  }
0x1af: {  	s14 =	simm.s32 $0x90E0;
	[tilespmem:s11+$0x9B90] =	vst v0  }
0x1b0: {  	v0 =	vld [tilespmem:s14+$0xFFFFFFC0];
	_ =	sdelay $0x1  }
0x1b1: {  	v1 =	vld [tilespmem:s14+$0xFFFFFFD0];
	_ =	sdelay $0x1  }
0x1b2: {  	v5 =	vld [tilespmem:s14+$0xFFFFFFE0]  }
0x1b3: {  	v2 =	vimm.f32 $0.0e+00;
	v3 =	vand.u32 $0xFFFF0000, v0;
	v0 =	vshll.u32 v0, $0x10  }
0x1b4: {  	v3 =	vadd.f32 v3, v2;
	v4 =	vadd.f32 v0, v2;
	v0 =	vld [tilespmem:s14+$0xFFFFFFF0]  }
0x1b5: {  	v2 =	vand.u32 $0xFFFF0000, v1;
	v1 =	vshll.u32 v1, $0x10  }
0x1b6: {  	v2 =	vadd.f32 v2, v3;
	v3 =	vadd.f32 v1, v4;
	v1 =	vld [tilespmem:s14+$0x0]  }
0x1b7: {  	s13 =	simm.s32 $0x0;
	v4 =	vand.u32 $0xFFFF0000, v5;
	v5 =	vshll.u32 v5, $0x10;
	s14 =	simm.s32 $0x9130  }
.LBB2_29:
0x1b8: {  	v6 =	vld [tilespmem:s14+$0xFFFFFFC0];
	s13 =	sadd.s32 $0x5, s13;
	v2 =	vadd.f32 v4, v2;
	v3 =	vadd.f32 v5, v3  }
0x1b9: {  	p1 =	slt.u32 s13, $0x2D;
	v4 =	vand.u32 $0xFFFF0000, v0;
	v0 =	vshll.u32 v0, $0x10  }
0x1ba: {  	v5 =	vld [tilespmem:s14+$0xFFFFFFD0];
	v2 =	vadd.f32 v4, v2;
	v0 =	vadd.f32 v0, v3  }
0x1bb: {  	v3 =	vand.u32 $0xFFFF0000, v1;
	v1 =	vshll.u32 v1, $0x10  }
0x1bc: {  	v7 =	vld [tilespmem:s14+$0xFFFFFFE0];
	v2 =	vadd.f32 v3, v2;
	v0 =	vadd.f32 v1, v0  }
.Ltmp15:
0x1bd: {  	v1 =	vand.u32 $0xFFFF0000, v6;
	v3 =	vshll.u32 v6, $0x10;
	(pc) =	sbr.rel @p1 .LBB2_29-.Ltmp15, $4  }
0x1be: {  	v1 =	vadd.f32 v1, v2;
	v3 =	vadd.f32 v3, v0;
	v0 =	vld [tilespmem:s14+$0xFFFFFFF0]  }
0x1bf: {  	v2 =	vand.u32 $0xFFFF0000, v5;
	v4 =	vshll.u32 v5, $0x10  }
0x1c0: {  	v2 =	vadd.f32 v2, v1;
	v3 =	vadd.f32 v4, v3;
	v1 =	vld [tilespmem:s14+$0x0]  }
0x1c1: {  	s14 =	sadd.s32 $0x50, s14;
	v4 =	vand.u32 $0xFFFF0000, v7;
	v5 =	vshll.u32 v7, $0x10  }
0x1c2: {  	v2 =	vadd.f32 v4, v2  }
0x1c3: {  	v3 =	vadd.f32 v5, v3;
	v4 =	vand.u32 $0xFFFF0000, v0  }
0x1c4: {  	v0 =	vshll.u32 v0, $0x10;
	v2 =	vadd.f32 v4, v2  }
0x1c5: {  	v0 =	vadd.f32 v0, v3;
	v3 =	vand.u32 $0xFFFF0000, v1  }
0x1c6: {  	v1 =	vshll.u32 v1, $0x10;
	v2 =	vadd.f32 v3, v2  }
0x1c7: {  	v0 =	vadd.f32 v1, v0  }
0x1c8: {  	v1 =	vmul.f32 $1.999999960e-02, v2  }
0x1c9: {  	v0 =	vmul.f32 $1.999999960e-02, v0  }
0x1ca: {  	[tilespmem:s11+$0x9BA0] =	vst v1  }
0x1cb: {  	s12 =	sadd.s32 @!p0 $0x5B0, s12;
	s13 =	simm.s32 @!p0 $0x64;
	s14 =	simm.s32 @!p0 $0x8D80;
	[tilespmem:s11+$0x9BB0] =	vst v0  }
0x1cc: {  	[tilespmem:s14], [sflag:$0x7] =	stream.indirect.gather @!p0 [hbm4b:s3+s13], $0x10, s12, s13, $0xb8;
	[tilespmem:$0xDA00] =	vst v63  }
0x1cd: {  	_ =	swait.ge [sflag:s1], $0x640  }
0x1ce: {  	[sflag:s1] =	ssyncset.done $0x0  }
0x1cf: {  	s15 =	simm.s32 $0x93E0;
	[sflag:s1] =	ssyncadd.s32 $0xFFFFF9C0  }
0x1d0: {  	v0 =	vld [tilespmem:s15+$0xFFFFFFE0];
	_ =	sdelay $0x1  }
0x1d1: {  	v1 =	vld [tilespmem:s15+$0xFFFFFFF0];
	_ =	sdelay $0x1  }
0x1d2: {  	v5 =	vld [tilespmem:s15+$0x0]  }
0x1d3: {  	v2 =	vimm.f32 $0.0e+00;
	v3 =	vand.u32 $0xFFFF0000, v0;
	v0 =	vshll.u32 v0, $0x10  }
0x1d4: {  	v3 =	vadd.f32 v3, v2;
	v4 =	vadd.f32 v0, v2;
	v0 =	vld [tilespmem:s15+$0x10]  }
0x1d5: {  	v2 =	vand.u32 $0xFFFF0000, v1;
	v1 =	vshll.u32 v1, $0x10  }
0x1d6: {  	v2 =	vadd.f32 v2, v3;
	v3 =	vadd.f32 v1, v4;
	v1 =	vld [tilespmem:s15+$0x20]  }
0x1d7: {  	s12 =	simm.s32 $0x0;
	s13 =	simm.s32 $0x9430;
	v4 =	vand.u32 $0xFFFF0000, v5;
	v5 =	vshll.u32 v5, $0x10  }
.LBB2_31:
0x1d8: {  	v6 =	vld [tilespmem:s13+$0xFFFFFFE0];
	s12 =	sadd.s32 $0x5, s12;
	v2 =	vadd.f32 v4, v2;
	v3 =	vadd.f32 v5, v3  }
0x1d9: {  	p1 =	slt.u32 s12, $0x2D;
	v4 =	vand.u32 $0xFFFF0000, v0;
	v0 =	vshll.u32 v0, $0x10  }
0x1da: {  	v5 =	vld [tilespmem:s13+$0xFFFFFFF0];
	v2 =	vadd.f32 v4, v2;
	v0 =	vadd.f32 v0, v3  }
0x1db: {  	v3 =	vand.u32 $0xFFFF0000, v1;
	v1 =	vshll.u32 v1, $0x10  }
0x1dc: {  	v7 =	vld [tilespmem:s13+$0x0];
	v2 =	vadd.f32 v3, v2;
	v0 =	vadd.f32 v1, v0  }
.Ltmp16:
0x1dd: {  	v1 =	vand.u32 $0xFFFF0000, v6;
	v3 =	vshll.u32 v6, $0x10;
	(pc) =	sbr.rel @p1 .LBB2_31-.Ltmp16, $4  }
0x1de: {  	v1 =	vadd.f32 v1, v2;
	v3 =	vadd.f32 v3, v0;
	v0 =	vld [tilespmem:s13+$0x10]  }
0x1df: {  	v2 =	vand.u32 $0xFFFF0000, v5;
	v4 =	vshll.u32 v5, $0x10  }
0x1e0: {  	v2 =	vadd.f32 v2, v1;
	v3 =	vadd.f32 v4, v3;
	v1 =	vld [tilespmem:s13+$0x20]  }
0x1e1: {  	s13 =	sadd.s32 $0x50, s13;
	v4 =	vand.u32 $0xFFFF0000, v7;
	v5 =	vshll.u32 v7, $0x10  }
0x1e2: {  	v2 =	vadd.f32 v4, v2  }
0x1e3: {  	v3 =	vadd.f32 v5, v3;
	v4 =	vand.u32 $0xFFFF0000, v0  }
0x1e4: {  	v0 =	vshll.u32 v0, $0x10;
	v2 =	vadd.f32 v4, v2  }
0x1e5: {  	v0 =	vadd.f32 v0, v3;
	v3 =	vand.u32 $0xFFFF0000, v1  }
0x1e6: {  	v1 =	vshll.u32 v1, $0x10;
	v2 =	vadd.f32 v3, v2  }
0x1e7: {  	v0 =	vadd.f32 v1, v0  }
0x1e8: {  	v1 =	vmul.f32 $1.999999960e-02, v2  }
0x1e9: {  	v0 =	vmul.f32 $1.999999960e-02, v0  }
0x1ea: {  	[tilespmem:s11+$0x9BC0] =	vst v1  }
0x1eb: {  	s13 =	simm.s32 $0x9720;
	[tilespmem:s11+$0x9BD0] =	vst v0  }
0x1ec: {  	v0 =	vld [tilespmem:s13+$0xFFFFFFC0];
	_ =	sdelay $0x1  }
0x1ed: {  	v1 =	vld [tilespmem:s13+$0xFFFFFFD0];
	_ =	sdelay $0x1  }
0x1ee: {  	v5 =	vld [tilespmem:s13+$0xFFFFFFE0]  }
0x1ef: {  	v2 =	vimm.f32 $0.0e+00;
	v3 =	vand.u32 $0xFFFF0000, v0;
	v0 =	vshll.u32 v0, $0x10  }
0x1f0: {  	v3 =	vadd.f32 v3, v2;
	v4 =	vadd.f32 v0, v2;
	v0 =	vld [tilespmem:s13+$0xFFFFFFF0]  }
0x1f1: {  	v2 =	vand.u32 $0xFFFF0000, v1;
	v1 =	vshll.u32 v1, $0x10  }
0x1f2: {  	v2 =	vadd.f32 v2, v3;
	v3 =	vadd.f32 v1, v4;
	v1 =	vld [tilespmem:s13+$0x0]  }
0x1f3: {  	s12 =	simm.s32 $0x0;
	v4 =	vand.u32 $0xFFFF0000, v5;
	v5 =	vshll.u32 v5, $0x10;
	s13 =	simm.s32 $0x9770  }
.LBB2_33:
0x1f4: {  	v6 =	vld [tilespmem:s13+$0xFFFFFFC0];
	s12 =	sadd.s32 $0x5, s12;
	v2 =	vadd.f32 v4, v2;
	v3 =	vadd.f32 v5, v3  }
0x1f5: {  	p1 =	slt.u32 s12, $0x2D;
	v4 =	vand.u32 $0xFFFF0000, v0;
	v0 =	vshll.u32 v0, $0x10  }
0x1f6: {  	v5 =	vld [tilespmem:s13+$0xFFFFFFD0];
	v2 =	vadd.f32 v4, v2;
	v0 =	vadd.f32 v0, v3  }
0x1f7: {  	v3 =	vand.u32 $0xFFFF0000, v1;
	v1 =	vshll.u32 v1, $0x10  }
0x1f8: {  	v7 =	vld [tilespmem:s13+$0xFFFFFFE0];
	v2 =	vadd.f32 v3, v2;
	v0 =	vadd.f32 v1, v0  }
.Ltmp17:
0x1f9: {  	v1 =	vand.u32 $0xFFFF0000, v6;
	v3 =	vshll.u32 v6, $0x10;
	(pc) =	sbr.rel @p1 .LBB2_33-.Ltmp17, $4  }
0x1fa: {  	v1 =	vadd.f32 v1, v2;
	v3 =	vadd.f32 v3, v0;
	v0 =	vld [tilespmem:s13+$0xFFFFFFF0]  }
0x1fb: {  	v2 =	vand.u32 $0xFFFF0000, v5;
	v4 =	vshll.u32 v5, $0x10  }
0x1fc: {  	v2 =	vadd.f32 v2, v1;
	v3 =	vadd.f32 v4, v3;
	v1 =	vld [tilespmem:s13+$0x0]  }
0x1fd: {  	s13 =	sadd.s32 $0x50, s13;
	v4 =	vand.u32 $0xFFFF0000, v7;
	v5 =	vshll.u32 v7, $0x10  }
0x1fe: {  	v2 =	vadd.f32 v4, v2  }
0x1ff: {  	v3 =	vadd.f32 v5, v3;
	v59 =	vand.u32 $0xFFFF0000, v0  }
0x200: {  	v60 =	vshll.u32 v0, $0x10;
	v2 =	vadd.f32 v59, v2  }
0x201: {  	v0 =	vadd.f32 v60, v3;
	v61 =	vand.u32 $0xFFFF0000, v1  }
0x202: {  	v62 =	vshll.u32 v1, $0x10;
	v2 =	vadd.f32 v61, v2  }
.Ltmp18:
0x203: {  	v0 =	vadd.f32 v62, v0;
	(pc) =	sbr.rel @p0 .LBB2_36-.Ltmp18, $4  }
0x204: {  	v63 =	vmul.f32 $1.999999960e-02, v2  }
0x205: {  	v0 =	vmul.f32 $1.999999960e-02, v0  }
0x206: {  	[tilespmem:s11+$0x9BE0] =	vst v63  }
0x207: {  	[tilespmem:s11+$0x9BF0] =	vst v0  }
0x208: {  	s11 =	smul.u32 $0xD00, s10  }
.Ltmp19:
0x209: {  	_ = 	snop;
	(pc) =	sbr.rel .LBB2_2-.Ltmp19, $4  }
0x20a: {  	_ = 	snop  }
0x20b: {  	s11 =	sshra.s32 s11, $0x2  }
0x20c: {  	s10 =	sadd.s32 $0x1, s10;
	s11 =	sadd.s32 $0x618, s11  }
0x20d: {  	[tilespmem:s23], [sflag:$0x8] =	stream.indirect.gather [hbm4b:s3+s8], $0x10, s11, s8, $0xb8;
	[tilespmem:$0xDA00] =	vst v63  }
.LBB2_37:
0x20e: {  	_ =	sfence.sel $0x180000  }
0x20f: {  	[bflag:$0x0] =	sbarrier.arrive $0xFFFF  }
0x210: {  	_ =	strace $0x90000047  }
0x211: {  	s0 =	stileid.u32;
	[bflag:$0x2] =	sbarrier.arrive $0xFFFF  }
0x212: {  	p0 =	sne.s32 s0, $0x0;
	s0 =	rddreg [dreg:$0x1]  }
0x213: {  	s0 =	sadd.s32 @!p0 $0x100000, s0  }
0x214: {  	[sflag:s0] =	ssyncadd.tile.s32 @!p0 $0x1;
	_ =	shalt  }
.Lfunc_end2:
_tile_overlayer_lowered:
.L_overlay_start_2:
0x215: {  	(tag) =	ssettag $0x2  }
0x216: {  	s0 =	rddreg [dreg:$0x0];
	s2 =	stileid.u32  }
0x217: {  	s1 =	rddreg [dreg:$0x1];
	p0 =	sne.s32 s2, $0x0  }
0x218: {  	s3 =	rddreg [dreg:$0x2];
	[bflag:$0x3] =	sbarrier.arrive $0xFFFF;
	s2 =	simm.s32 @!p0 $0x1C09  }
0x219: {  	[timem:s3], [sflag:s2] =	dma.local @!p0 [hbm:s0], s1  }
0x21a: {  	s0 =	simm.s32 @!p0 $0x9  }
0x21b: {  	_ =	swait.ge @!p0 [sflag:s0], s1  }
0x21c: {  	s1 =	ssub.s32 @!p0 $0x0, s1;
	[sflag:s0] =	ssyncset.done @!p0 $0x0  }
0x21d: {  	[sflag:s0] =	ssyncadd.s32 @!p0 s1  }
0x21e: {  	[bflag:$0x3] =	sbarrier.arrive $0xFFFF  }
0x21f: {  	_ =	shalt  }

</sc_bundles>
